<compile_context>
chip_gen: v7x
topology: tpu7x:2x2x1
jax: 0.10.2.dev20260603
libtpu: 0.0.44.dev20260713+nightly
codegen_flags: <defaults>
</compile_context>

<pallas_src>
import functools
import math

import jax
import jax.numpy as jnp
from jax import lax
from jax.experimental import pallas as pl
from jax.experimental.pallas import tpu as pltpu
from jax.experimental.pallas import tpu_sc as plsc

BINSIZE = 200
BINWIDTH = 500
N_CLUSTERS = 16
N_REGIONS_OI = 256
N_CELLS = 10000
LOG_BINSIZE = math.log(float(BINSIZE))

NC = 2
NS = 16
LANES = 16
NW = NC * NS

CHUNK = 128
CPW = 124
UNROLL = 4
BPW = CHUNK * CPW
NPAD = BPW * NW
N_CELLS_PAD = 10240


RPB = 32


def _heights_body(roi_ref, *refs):
    base_refs = refs[:RPB]
    delta_refs = refs[RPB:2 * RPB]
    out_ref = refs[2 * RPB]
    for k in range(RPB):
        x = base_refs[k][0] + delta_refs[k][0]
        m = jnp.max(x, axis=-1, keepdims=True)
        lse = jnp.log(jnp.sum(jnp.exp(x - m), axis=-1, keepdims=True)) + m
        out_ref[k] = x - lse - LOG_BINSIZE


def _compute_heights(baseline_weight, delta_logit_weight, regions_oi):
    baseline3 = baseline_weight.reshape(baseline_weight.shape[0], 1, BINWIDTH)

    def base_map(k):
        return lambda i, roi: (roi[i * RPB + k], 0, 0)

    grid_spec = pltpu.PrefetchScalarGridSpec(
        num_scalar_prefetch=1,
        grid=(N_REGIONS_OI // RPB,),
        in_specs=(
            [pl.BlockSpec((1, 1, BINWIDTH), base_map(k)) for k in range(RPB)]
            + [pl.BlockSpec((1, N_CLUSTERS, BINWIDTH), base_map(k)) for k in range(RPB)]
        ),
        out_specs=pl.BlockSpec((RPB, N_CLUSTERS, BINWIDTH), lambda i, roi: (i, 0, 0)),
    )
    args = [baseline3] * RPB + [delta_logit_weight] * RPB
    return pl.pallas_call(
        _heights_body,
        grid_spec=grid_spec,
        out_shape=jax.ShapeDtypeStruct((N_REGIONS_OI, N_CLUSTERS, BINWIDTH), jnp.float32),
    )(regions_oi, *args)


@functools.lru_cache(maxsize=1)
def _make_gather_kernel():
    mesh = plsc.VectorSubcoreMesh(core_axis_name="c", subcore_axis_name="s")

    @functools.partial(
        pl.kernel,
        mesh=mesh,
        out_type=jax.ShapeDtypeStruct((NW, CPW, CHUNK), jnp.float32),
        scratch_types=[
            pltpu.VMEM_SHARED((N_CELLS_PAD,), jnp.int32),
            pltpu.VMEM((CPW, CHUNK), jnp.int32),
            pltpu.VMEM((CPW, CHUNK), jnp.int32),
            pltpu.VMEM((CPW, CHUNK), jnp.int32),
            pltpu.VMEM((CPW, CHUNK), jnp.int32),
            pltpu.VMEM((CPW, CHUNK), jnp.int32),
            pltpu.VMEM((CPW, CHUNK), jnp.float32),
            pltpu.SemaphoreType.DMA,
        ],
    )
    def sc_gather(heights_hbm, labels_hbm, cell_hbm, reg_hbm, coord_hbm, out_hbm,
                  labels_v, cell_v, reg_v, coord_v, cluster_v, flat_v,
                  vals_v, sem):
        sid = lax.axis_index("s")
        wid = sid * NC + lax.axis_index("c")

        with jax.named_scope("ph_in"):
            lbl_slice = pl.ds(sid * (N_CELLS_PAD // NS), N_CELLS_PAD // NS)
            pltpu.sync_copy(labels_hbm.at[lbl_slice], labels_v.at[lbl_slice])
            pltpu.sync_copy(cell_hbm.at[wid], cell_v)
            pltpu.sync_copy(reg_hbm.at[wid], reg_v)
            pltpu.sync_copy(coord_hbm.at[wid], coord_v)
            plsc.subcore_barrier()

        with jax.named_scope("ph_lbl"):
            def lbl_fire(g, carry):
                for u in range(UNROLL):
                    j = g * UNROLL + u
                    pltpu.async_copy(labels_v.at[cell_v.at[j]], cluster_v.at[j], sem)
                return carry

            lax.fori_loop(0, CPW // UNROLL, lbl_fire, 0)

            def lbl_drain(g, carry):
                for u in range(UNROLL):
                    j = g * UNROLL + u
                    pltpu.make_async_copy(
                        labels_v.at[cell_v.at[j]], cluster_v.at[j], sem
                    ).wait()
                return carry

            lax.fori_loop(0, CPW // UNROLL, lbl_drain, 0)

        with jax.named_scope("ph_idx"):
            def idx_body(j, carry):
                for k in range(CHUNK // LANES):
                    sl = pl.ds(k * LANES, LANES)
                    cluster = cluster_v[j, sl]
                    reg = reg_v[j, sl]
                    binix = ((coord_v[j, sl] >> 3) * 41944) >> 20
                    flat_v[j, sl] = (
                        reg * (N_CLUSTERS * BINWIDTH) + cluster * BINWIDTH + binix
                    )
                return carry

            lax.fori_loop(0, CPW, idx_body, 0)

        with jax.named_scope("ph_hgt"):
            def hgt_fire(g, carry):
                for u in range(UNROLL):
                    j = g * UNROLL + u
                    pltpu.async_copy(heights_hbm.at[flat_v.at[j]], vals_v.at[j], sem)
                return carry

            lax.fori_loop(0, CPW // UNROLL, hgt_fire, 0)

            def hgt_drain(g, carry):
                for u in range(UNROLL):
                    j = g * UNROLL + u
                    pltpu.make_async_copy(
                        heights_hbm.at[flat_v.at[j]], vals_v.at[j], sem
                    ).wait()
                return carry

            lax.fori_loop(0, CPW // UNROLL, hgt_drain, 0)

        with jax.named_scope("ph_out"):
            pltpu.sync_copy(vals_v, out_hbm.at[wid])

    return sc_gather


def kernel(baseline_weight, delta_logit_weight, regions_oi, coordinates,
           local_region_ix, local_cell_ix, labels):
    n = coordinates.shape[0]
    roi = regions_oi.astype(jnp.int32)
    heights = _compute_heights(baseline_weight, delta_logit_weight, roi)
    heights_flat = heights.reshape(-1)

    pad = NPAD - n
    shape3 = (NW, CPW, CHUNK)
    cell = jnp.pad(local_cell_ix.astype(jnp.int32), (0, pad)).reshape(shape3)
    reg = jnp.pad(local_region_ix.astype(jnp.int32), (0, pad)).reshape(shape3)
    coord0 = jnp.pad(coordinates[:, 0].astype(jnp.int32), (0, pad)).reshape(shape3)
    labels32 = jnp.pad(labels.astype(jnp.int32), (0, N_CELLS_PAD - labels.shape[0]))

    vals = _make_gather_kernel()(heights_flat, labels32, cell, reg, coord0)
    vals = vals.reshape(-1)[:n]
    return jnp.pad(vals[:, None], ((0, 0), (0, 1)))

# --- scband reference (transcript-rebuilt; emitter-appended) ---
"""Pipeline reference for scband-fragment-position-distribution1-64802466562896 (READ-ONLY COPY).

The authoritative reference and input builder live on the scoring server;
editing this copy changes nothing except your own understanding.
"""

import jax, jax.numpy as jnp
import numpy as np
import math

BINSIZE = 200
WINDOW0 = 0
N_REGIONS = 2000
BINWIDTH = 500
N_CLUSTERS = 16
N_REGIONS_OI = 256
N_FRAGMENTS = 500000
N_CELLS = 10000
REGION_WIDTH = 100000


def setup_inputs(seed: int = 0) -> dict:
    key = jax.random.key(seed)
    ks = jax.random.split(key, 7)
    baseline_weight = jax.random.normal(ks[0], (N_REGIONS, BINWIDTH), dtype=jnp.float32) * 0.1
    delta_logit_weight = jax.random.normal(ks[1], (N_REGIONS, N_CLUSTERS, BINWIDTH), dtype=jnp.float32) * 0.05
    regions_oi = jax.random.randint(ks[2], (N_REGIONS_OI,), 0, N_REGIONS).astype(jnp.int64)
    coordinates = jax.random.randint(ks[3], (N_FRAGMENTS, 2), 0, REGION_WIDTH).astype(jnp.int64)
    local_region_ix = jax.random.randint(ks[4], (N_FRAGMENTS,), 0, N_REGIONS_OI).astype(jnp.int64)
    local_cell_ix = jax.random.randint(ks[5], (N_FRAGMENTS,), 0, N_CELLS).astype(jnp.int64)
    labels = jax.random.randint(ks[6], (N_CELLS,), 0, N_CLUSTERS).astype(jnp.int64)
    return {
        "baseline_weight": baseline_weight,
        "delta_logit_weight": delta_logit_weight,
        "regions_oi": regions_oi,
        "coordinates": coordinates,
        "local_region_ix": local_region_ix,
        "local_cell_ix": local_cell_ix,
        "labels": labels,
    }


def reference(baseline_weight, delta_logit_weight, regions_oi, coordinates, local_region_ix, local_cell_ix, labels):
    # baseline(regions_oi).unsqueeze(1) + delta_logit(regions_oi)
    unnormalized_height = jnp.take(baseline_weight, regions_oi, axis=0)[:, None, :] + jnp.take(delta_logit_weight, regions_oi, axis=0)
    # log_softmax over bins minus log(binsize)
    heights = jax.nn.log_softmax(unnormalized_height, axis=-1) - math.log(BINSIZE)
    # calculate_binixs: floor divide
    bin_ixs_left = (coordinates[:, 0] - WINDOW0) // BINSIZE
    cluster_ix = jnp.take(labels, local_cell_ix, axis=0)
    vals = heights[local_region_ix, cluster_ix, bin_ixs_left]
    logprob = jnp.zeros((coordinates.shape[0], 2), dtype=jnp.float32)
    logprob = logprob.at[:, 0].set(vals)
    return logprob


if False:  # reference __main__ guard neutralized (emitter)
    out = reference(**setup_inputs())
    print(out.shape, out.dtype)

if __name__ == "__main__":
    import jax
    _d = setup_inputs()
    print(jax.jit(kernel)(*tuple(_d.values())))

</pallas_src>

<mosaic_0001>
#map = affine_map<(d0, d1) -> (0)>
#map1 = affine_map<(d0, d1) -> (0, 0, 0)>
module attributes {stable_mosaic.version = 14 : i64} {
  func.func @sc_gather(%arg0: i32, %arg1: i32, %arg2: memref<2048000xf32, #tpu.memory_space<hbm>>, %arg3: memref<10240xi32, #tpu.memory_space<hbm>>, %arg4: memref<32x124x128xi32, #tpu.memory_space<hbm>>, %arg5: memref<32x124x128xi32, #tpu.memory_space<hbm>>, %arg6: memref<32x124x128xi32, #tpu.memory_space<hbm>>, %arg7: memref<32x124x128xf32, #tpu.memory_space<hbm>>, %arg8: memref<10240xi32, #tpu.memory_space<vmem_shared>>, %arg9: memref<124x128xi32, #tpu.memory_space<vmem>>, %arg10: memref<124x128xi32, #tpu.memory_space<vmem>>, %arg11: memref<124x128xi32, #tpu.memory_space<vmem>>, %arg12: memref<124x128xi32, #tpu.memory_space<vmem>>, %arg13: memref<124x128xi32, #tpu.memory_space<vmem>>, %arg14: memref<124x128xf32, #tpu.memory_space<vmem>>, %arg15: memref<!tpu.dma_semaphore, #tpu.memory_space<semaphore_mem>>) attributes {dimension_semantics = [#tpu.dimension_semantics<core_parallel>, #tpu.dimension_semantics<subcore_parallel>], iteration_bounds = array<i64: 2, 16>, scalar_prefetch = 0 : i64, scratch_operands = 8 : i64, tpu.core_type = #tpu.core_type<sc_vector_subcore>, window_params = [{transform_indices = #map}, {transform_indices = #map}, {transform_indices = #map1}, {transform_indices = #map1}, {transform_indices = #map1}, {transform_indices = #map1}]} {
    %mul3A = arith.constant 2 : i32
    %mul3A_0 = arith.muli %arg1, %mul3A : i32
    %add3A = arith.addi %mul3A_0, %arg0 : i32
    "tpu.trace_start"() <{level = 10 : i32, message = "ph_in"}> : () -> ()
    %mul3A_1 = arith.constant 640 : i32
    %mul3A_2 = arith.muli %arg1, %mul3A_1 : i32
    "tpu.region"() ({
      %run_scoped3A = tpu.sem_alloc : memref<!tpu.dma_semaphore, #tpu.memory_space<semaphore_mem>>
      %dma_start3A = tpu.memref_slice %arg8[%mul3A_2] : memref<10240xi32, #tpu.memory_space<vmem_shared>> -> memref<640xi32, #tpu.memory_space<vmem_shared>>
      %dma_start3A_32 = tpu.memref_slice %arg3[%mul3A_2] : memref<10240xi32, #tpu.memory_space<hbm>> -> memref<640xi32, #tpu.memory_space<hbm>>
      tpu.enqueue_dma source(%dma_start3A_32 : memref<640xi32, #tpu.memory_space<hbm>>) target(%dma_start3A : memref<640xi32, #tpu.memory_space<vmem_shared>>) target_semaphore(%run_scoped3A : memref<!tpu.dma_semaphore, #tpu.memory_space<semaphore_mem>>)
      %dma_wait3A = tpu.memref_slice %arg8[%mul3A_2] : memref<10240xi32, #tpu.memory_space<vmem_shared>> -> memref<640xi32, #tpu.memory_space<vmem_shared>>
      %dma_wait3A_33 = tpu.memref_slice %arg3[%mul3A_2] : memref<10240xi32, #tpu.memory_space<hbm>> -> memref<640xi32, #tpu.memory_space<hbm>>
      tpu.wait_dma2 semaphore(%run_scoped3A : memref<!tpu.dma_semaphore, #tpu.memory_space<semaphore_mem>>) src(%dma_wait3A_33 : memref<640xi32, #tpu.memory_space<hbm>>) dst(%dma_wait3A : memref<640xi32, #tpu.memory_space<vmem_shared>>)
      tpu.yield
    }) : () -> ()
    "tpu.region"() ({
      %run_scoped3A = tpu.sem_alloc : memref<!tpu.dma_semaphore, #tpu.memory_space<semaphore_mem>>
      %dma_start3A = arith.constant 0 : i32
      %dma_start3A_32 = arith.constant 0 : i32
      %dma_start3A_33 = tpu.memref_slice %arg4[%add3A, %dma_start3A, %dma_start3A_32] : memref<32x124x128xi32, #tpu.memory_space<hbm>> -> memref<1x124x128xi32, #tpu.memory_space<hbm>>
      %dma_start3A_34 = tpu.memref_squeeze %dma_start3A_33 : memref<1x124x128xi32, #tpu.memory_space<hbm>> -> memref<124x128xi32, #tpu.memory_space<hbm>>
      %dma_start3A_35 = arith.constant 0 : i32
      %dma_start3A_36 = arith.constant 0 : i32
      %dma_start3A_37 = tpu.memref_slice %arg4[%add3A, %dma_start3A_35, %dma_start3A_36] : memref<32x124x128xi32, #tpu.memory_space<hbm>> -> memref<1x124x128xi32, #tpu.memory_space<hbm>>
      %dma_start3A_38 = tpu.memref_squeeze %dma_start3A_37 : memref<1x124x128xi32, #tpu.memory_space<hbm>> -> memref<124x128xi32, #tpu.memory_space<hbm>>
      tpu.enqueue_dma source(%dma_start3A_38 : memref<124x128xi32, #tpu.memory_space<hbm>>) target(%arg9 : memref<124x128xi32, #tpu.memory_space<vmem>>) target_semaphore(%run_scoped3A : memref<!tpu.dma_semaphore, #tpu.memory_space<semaphore_mem>>)
      %dma_wait3A = arith.constant 0 : i32
      %dma_wait3A_39 = arith.constant 0 : i32
      %dma_wait3A_40 = tpu.memref_slice %arg4[%add3A, %dma_wait3A, %dma_wait3A_39] : memref<32x124x128xi32, #tpu.memory_space<hbm>> -> memref<1x124x128xi32, #tpu.memory_space<hbm>>
      %dma_wait3A_41 = tpu.memref_squeeze %dma_wait3A_40 : memref<1x124x128xi32, #tpu.memory_space<hbm>> -> memref<124x128xi32, #tpu.memory_space<hbm>>
      %dma_wait3A_42 = arith.constant 0 : i32
      %dma_wait3A_43 = arith.constant 0 : i32
      %dma_wait3A_44 = tpu.memref_slice %arg4[%add3A, %dma_wait3A_42, %dma_wait3A_43] : memref<32x124x128xi32, #tpu.memory_space<hbm>> -> memref<1x124x128xi32, #tpu.memory_space<hbm>>
      %dma_wait3A_45 = tpu.memref_squeeze %dma_wait3A_44 : memref<1x124x128xi32, #tpu.memory_space<hbm>> -> memref<124x128xi32, #tpu.memory_space<hbm>>
      tpu.wait_dma2 semaphore(%run_scoped3A : memref<!tpu.dma_semaphore, #tpu.memory_space<semaphore_mem>>) src(%dma_wait3A_45 : memref<124x128xi32, #tpu.memory_space<hbm>>) dst(%arg9 : memref<124x128xi32, #tpu.memory_space<vmem>>)
      tpu.yield
    }) : () -> ()
    "tpu.region"() ({
      %run_scoped3A = tpu.sem_alloc : memref<!tpu.dma_semaphore, #tpu.memory_space<semaphore_mem>>
      %dma_start3A = arith.constant 0 : i32
      %dma_start3A_32 = arith.constant 0 : i32
      %dma_start3A_33 = tpu.memref_slice %arg5[%add3A, %dma_start3A, %dma_start3A_32] : memref<32x124x128xi32, #tpu.memory_space<hbm>> -> memref<1x124x128xi32, #tpu.memory_space<hbm>>
      %dma_start3A_34 = tpu.memref_squeeze %dma_start3A_33 : memref<1x124x128xi32, #tpu.memory_space<hbm>> -> memref<124x128xi32, #tpu.memory_space<hbm>>
      %dma_start3A_35 = arith.constant 0 : i32
      %dma_start3A_36 = arith.constant 0 : i32
      %dma_start3A_37 = tpu.memref_slice %arg5[%add3A, %dma_start3A_35, %dma_start3A_36] : memref<32x124x128xi32, #tpu.memory_space<hbm>> -> memref<1x124x128xi32, #tpu.memory_space<hbm>>
      %dma_start3A_38 = tpu.memref_squeeze %dma_start3A_37 : memref<1x124x128xi32, #tpu.memory_space<hbm>> -> memref<124x128xi32, #tpu.memory_space<hbm>>
      tpu.enqueue_dma source(%dma_start3A_38 : memref<124x128xi32, #tpu.memory_space<hbm>>) target(%arg10 : memref<124x128xi32, #tpu.memory_space<vmem>>) target_semaphore(%run_scoped3A : memref<!tpu.dma_semaphore, #tpu.memory_space<semaphore_mem>>)
      %dma_wait3A = arith.constant 0 : i32
      %dma_wait3A_39 = arith.constant 0 : i32
      %dma_wait3A_40 = tpu.memref_slice %arg5[%add3A, %dma_wait3A, %dma_wait3A_39] : memref<32x124x128xi32, #tpu.memory_space<hbm>> -> memref<1x124x128xi32, #tpu.memory_space<hbm>>
      %dma_wait3A_41 = tpu.memref_squeeze %dma_wait3A_40 : memref<1x124x128xi32, #tpu.memory_space<hbm>> -> memref<124x128xi32, #tpu.memory_space<hbm>>
      %dma_wait3A_42 = arith.constant 0 : i32
      %dma_wait3A_43 = arith.constant 0 : i32
      %dma_wait3A_44 = tpu.memref_slice %arg5[%add3A, %dma_wait3A_42, %dma_wait3A_43] : memref<32x124x128xi32, #tpu.memory_space<hbm>> -> memref<1x124x128xi32, #tpu.memory_space<hbm>>
      %dma_wait3A_45 = tpu.memref_squeeze %dma_wait3A_44 : memref<1x124x128xi32, #tpu.memory_space<hbm>> -> memref<124x128xi32, #tpu.memory_space<hbm>>
      tpu.wait_dma2 semaphore(%run_scoped3A : memref<!tpu.dma_semaphore, #tpu.memory_space<semaphore_mem>>) src(%dma_wait3A_45 : memref<124x128xi32, #tpu.memory_space<hbm>>) dst(%arg10 : memref<124x128xi32, #tpu.memory_space<vmem>>)
      tpu.yield
    }) : () -> ()
    "tpu.region"() ({
      %run_scoped3A = tpu.sem_alloc : memref<!tpu.dma_semaphore, #tpu.memory_space<semaphore_mem>>
      %dma_start3A = arith.constant 0 : i32
      %dma_start3A_32 = arith.constant 0 : i32
      %dma_start3A_33 = tpu.memref_slice %arg6[%add3A, %dma_start3A, %dma_start3A_32] : memref<32x124x128xi32, #tpu.memory_space<hbm>> -> memref<1x124x128xi32, #tpu.memory_space<hbm>>
      %dma_start3A_34 = tpu.memref_squeeze %dma_start3A_33 : memref<1x124x128xi32, #tpu.memory_space<hbm>> -> memref<124x128xi32, #tpu.memory_space<hbm>>
      %dma_start3A_35 = arith.constant 0 : i32
      %dma_start3A_36 = arith.constant 0 : i32
      %dma_start3A_37 = tpu.memref_slice %arg6[%add3A, %dma_start3A_35, %dma_start3A_36] : memref<32x124x128xi32, #tpu.memory_space<hbm>> -> memref<1x124x128xi32, #tpu.memory_space<hbm>>
      %dma_start3A_38 = tpu.memref_squeeze %dma_start3A_37 : memref<1x124x128xi32, #tpu.memory_space<hbm>> -> memref<124x128xi32, #tpu.memory_space<hbm>>
      tpu.enqueue_dma source(%dma_start3A_38 : memref<124x128xi32, #tpu.memory_space<hbm>>) target(%arg11 : memref<124x128xi32, #tpu.memory_space<vmem>>) target_semaphore(%run_scoped3A : memref<!tpu.dma_semaphore, #tpu.memory_space<semaphore_mem>>)
      %dma_wait3A = arith.constant 0 : i32
      %dma_wait3A_39 = arith.constant 0 : i32
      %dma_wait3A_40 = tpu.memref_slice %arg6[%add3A, %dma_wait3A, %dma_wait3A_39] : memref<32x124x128xi32, #tpu.memory_space<hbm>> -> memref<1x124x128xi32, #tpu.memory_space<hbm>>
      %dma_wait3A_41 = tpu.memref_squeeze %dma_wait3A_40 : memref<1x124x128xi32, #tpu.memory_space<hbm>> -> memref<124x128xi32, #tpu.memory_space<hbm>>
      %dma_wait3A_42 = arith.constant 0 : i32
      %dma_wait3A_43 = arith.constant 0 : i32
      %dma_wait3A_44 = tpu.memref_slice %arg6[%add3A, %dma_wait3A_42, %dma_wait3A_43] : memref<32x124x128xi32, #tpu.memory_space<hbm>> -> memref<1x124x128xi32, #tpu.memory_space<hbm>>
      %dma_wait3A_45 = tpu.memref_squeeze %dma_wait3A_44 : memref<1x124x128xi32, #tpu.memory_space<hbm>> -> memref<124x128xi32, #tpu.memory_space<hbm>>
      tpu.wait_dma2 semaphore(%run_scoped3A : memref<!tpu.dma_semaphore, #tpu.memory_space<semaphore_mem>>) src(%dma_wait3A_45 : memref<124x128xi32, #tpu.memory_space<hbm>>) dst(%arg11 : memref<124x128xi32, #tpu.memory_space<vmem>>)
      tpu.yield
    }) : () -> ()
    %barrier3A = arith.constant 0 : index
    tpu.barrier barrier_id(%barrier3A)
    "tpu.trace_stop"() : () -> ()
    "tpu.trace_start"() <{level = 10 : i32, message = "ph_lbl"}> : () -> ()
    %scan3A = arith.constant 0 : i32
    %scan3A_3 = arith.constant 0 : i32
    %scan3A_4 = arith.constant 31 : i32
    %scan3A_5 = arith.addi %scan3A_3, %scan3A_4 : i32
    %scan3A_6 = arith.constant 1 : i32
    scf.for %scan3A_32 = %scan3A_3 to %scan3A_5 step %scan3A_6  : i32 {
      %mul3A_33 = arith.constant 4 : i32
      %mul3A_34 = arith.muli %scan3A_32, %mul3A_33 : i32
      %add3A_35 = arith.constant 0 : i32
      %add3A_36 = arith.addi %mul3A_34, %add3A_35 : i32
      %dma_start3A = arith.constant 0 : i32
      %dma_start3A_37 = tpu.memref_slice %arg12[%add3A_36, %dma_start3A] : memref<124x128xi32, #tpu.memory_space<vmem>> -> memref<1x128xi32, #tpu.memory_space<vmem>>
      %dma_start3A_38 = tpu.memref_squeeze %dma_start3A_37 : memref<1x128xi32, #tpu.memory_space<vmem>> -> memref<128xi32, #tpu.memory_space<vmem>>
      %dma_start3A_39 = arith.constant 0 : i32
      %dma_start3A_40 = tpu.memref_slice %arg9[%add3A_36, %dma_start3A_39] : memref<124x128xi32, #tpu.memory_space<vmem>> -> memref<1x128xi32, #tpu.memory_space<vmem>>
      %dma_start3A_41 = tpu.memref_squeeze %dma_start3A_40 : memref<1x128xi32, #tpu.memory_space<vmem>> -> memref<128xi32, #tpu.memory_space<vmem>>
      %dma_start3A_42 = arith.constant 0 : i32
      %dma_start3A_43 = tpu.memref_slice %arg8[%dma_start3A_42] : memref<10240xi32, #tpu.memory_space<vmem_shared>> -> memref<10240xi32, #tpu.memory_space<vmem_shared>>
      tpu.enqueue_indirect_dma source(%dma_start3A_43 : memref<10240xi32, #tpu.memory_space<vmem_shared>>) target(%dma_start3A_38 : memref<128xi32, #tpu.memory_space<vmem>>) offsets(%dma_start3A_41 : memref<128xi32, #tpu.memory_space<vmem>>) semaphore(%arg15 : memref<!tpu.dma_semaphore, #tpu.memory_space<semaphore_mem>>)
      %mul3A_44 = arith.constant 4 : i32
      %mul3A_45 = arith.muli %scan3A_32, %mul3A_44 : i32
      %add3A_46 = arith.constant 1 : i32
      %add3A_47 = arith.addi %mul3A_45, %add3A_46 : i32
      %dma_start3A_48 = arith.constant 0 : i32
      %dma_start3A_49 = tpu.memref_slice %arg12[%add3A_47, %dma_start3A_48] : memref<124x128xi32, #tpu.memory_space<vmem>> -> memref<1x128xi32, #tpu.memory_space<vmem>>
      %dma_start3A_50 = tpu.memref_squeeze %dma_start3A_49 : memref<1x128xi32, #tpu.memory_space<vmem>> -> memref<128xi32, #tpu.memory_space<vmem>>
      %dma_start3A_51 = arith.constant 0 : i32
      %dma_start3A_52 = tpu.memref_slice %arg9[%add3A_47, %dma_start3A_51] : memref<124x128xi32, #tpu.memory_space<vmem>> -> memref<1x128xi32, #tpu.memory_space<vmem>>
      %dma_start3A_53 = tpu.memref_squeeze %dma_start3A_52 : memref<1x128xi32, #tpu.memory_space<vmem>> -> memref<128xi32, #tpu.memory_space<vmem>>
      %dma_start3A_54 = arith.constant 0 : i32
      %dma_start3A_55 = tpu.memref_slice %arg8[%dma_start3A_54] : memref<10240xi32, #tpu.memory_space<vmem_shared>> -> memref<10240xi32, #tpu.memory_space<vmem_shared>>
      tpu.enqueue_indirect_dma source(%dma_start3A_55 : memref<10240xi32, #tpu.memory_space<vmem_shared>>) target(%dma_start3A_50 : memref<128xi32, #tpu.memory_space<vmem>>) offsets(%dma_start3A_53 : memref<128xi32, #tpu.memory_space<vmem>>) semaphore(%arg15 : memref<!tpu.dma_semaphore, #tpu.memory_space<semaphore_mem>>)
      %mul3A_56 = arith.constant 4 : i32
      %mul3A_57 = arith.muli %scan3A_32, %mul3A_56 : i32
      %add3A_58 = arith.constant 2 : i32
      %add3A_59 = arith.addi %mul3A_57, %add3A_58 : i32
      %dma_start3A_60 = arith.constant 0 : i32
      %dma_start3A_61 = tpu.memref_slice %arg12[%add3A_59, %dma_start3A_60] : memref<124x128xi32, #tpu.memory_space<vmem>> -> memref<1x128xi32, #tpu.memory_space<vmem>>
      %dma_start3A_62 = tpu.memref_squeeze %dma_start3A_61 : memref<1x128xi32, #tpu.memory_space<vmem>> -> memref<128xi32, #tpu.memory_space<vmem>>
      %dma_start3A_63 = arith.constant 0 : i32
      %dma_start3A_64 = tpu.memref_slice %arg9[%add3A_59, %dma_start3A_63] : memref<124x128xi32, #tpu.memory_space<vmem>> -> memref<1x128xi32, #tpu.memory_space<vmem>>
      %dma_start3A_65 = tpu.memref_squeeze %dma_start3A_64 : memref<1x128xi32, #tpu.memory_space<vmem>> -> memref<128xi32, #tpu.memory_space<vmem>>
      %dma_start3A_66 = arith.constant 0 : i32
      %dma_start3A_67 = tpu.memref_slice %arg8[%dma_start3A_66] : memref<10240xi32, #tpu.memory_space<vmem_shared>> -> memref<10240xi32, #tpu.memory_space<vmem_shared>>
      tpu.enqueue_indirect_dma source(%dma_start3A_67 : memref<10240xi32, #tpu.memory_space<vmem_shared>>) target(%dma_start3A_62 : memref<128xi32, #tpu.memory_space<vmem>>) offsets(%dma_start3A_65 : memref<128xi32, #tpu.memory_space<vmem>>) semaphore(%arg15 : memref<!tpu.dma_semaphore, #tpu.memory_space<semaphore_mem>>)
      %mul3A_68 = arith.constant 4 : i32
      %mul3A_69 = arith.muli %scan3A_32, %mul3A_68 : i32
      %add3A_70 = arith.constant 3 : i32
      %add3A_71 = arith.addi %mul3A_69, %add3A_70 : i32
      %dma_start3A_72 = arith.constant 0 : i32
      %dma_start3A_73 = tpu.memref_slice %arg12[%add3A_71, %dma_start3A_72] : memref<124x128xi32, #tpu.memory_space<vmem>> -> memref<1x128xi32, #tpu.memory_space<vmem>>
      %dma_start3A_74 = tpu.memref_squeeze %dma_start3A_73 : memref<1x128xi32, #tpu.memory_space<vmem>> -> memref<128xi32, #tpu.memory_space<vmem>>
      %dma_start3A_75 = arith.constant 0 : i32
      %dma_start3A_76 = tpu.memref_slice %arg9[%add3A_71, %dma_start3A_75] : memref<124x128xi32, #tpu.memory_space<vmem>> -> memref<1x128xi32, #tpu.memory_space<vmem>>
      %dma_start3A_77 = tpu.memref_squeeze %dma_start3A_76 : memref<1x128xi32, #tpu.memory_space<vmem>> -> memref<128xi32, #tpu.memory_space<vmem>>
      %dma_start3A_78 = arith.constant 0 : i32
      %dma_start3A_79 = tpu.memref_slice %arg8[%dma_start3A_78] : memref<10240xi32, #tpu.memory_space<vmem_shared>> -> memref<10240xi32, #tpu.memory_space<vmem_shared>>
      tpu.enqueue_indirect_dma source(%dma_start3A_79 : memref<10240xi32, #tpu.memory_space<vmem_shared>>) target(%dma_start3A_74 : memref<128xi32, #tpu.memory_space<vmem>>) offsets(%dma_start3A_77 : memref<128xi32, #tpu.memory_space<vmem>>) semaphore(%arg15 : memref<!tpu.dma_semaphore, #tpu.memory_space<semaphore_mem>>)
    }
    %scan3A_7 = arith.constant 31 : i32
    %scan3A_8 = arith.constant 0 : i32
    %scan3A_9 = arith.constant 0 : i32
    %scan3A_10 = arith.constant 31 : i32
    %scan3A_11 = arith.addi %scan3A_9, %scan3A_10 : i32
    %scan3A_12 = arith.constant 1 : i32
    scf.for %scan3A_32 = %scan3A_9 to %scan3A_11 step %scan3A_12  : i32 {
      %mul3A_33 = arith.constant 4 : i32
      %mul3A_34 = arith.muli %scan3A_32, %mul3A_33 : i32
      %add3A_35 = arith.constant 0 : i32
      %add3A_36 = arith.addi %mul3A_34, %add3A_35 : i32
      %dma_wait3A = arith.constant 0 : i32
      %dma_wait3A_37 = tpu.memref_slice %arg12[%add3A_36, %dma_wait3A] : memref<124x128xi32, #tpu.memory_space<vmem>> -> memref<1x128xi32, #tpu.memory_space<vmem>>
      %dma_wait3A_38 = tpu.memref_squeeze %dma_wait3A_37 : memref<1x128xi32, #tpu.memory_space<vmem>> -> memref<128xi32, #tpu.memory_space<vmem>>
      %dma_wait3A_39 = arith.constant 0 : i32
      %dma_wait3A_40 = tpu.memref_slice %arg9[%add3A_36, %dma_wait3A_39] : memref<124x128xi32, #tpu.memory_space<vmem>> -> memref<1x128xi32, #tpu.memory_space<vmem>>
      %dma_wait3A_41 = tpu.memref_squeeze %dma_wait3A_40 : memref<1x128xi32, #tpu.memory_space<vmem>> -> memref<128xi32, #tpu.memory_space<vmem>>
      %dma_wait3A_42 = arith.constant 0 : i32
      %dma_wait3A_43 = tpu.memref_slice %arg8[%dma_wait3A_42] : memref<10240xi32, #tpu.memory_space<vmem_shared>> -> memref<10240xi32, #tpu.memory_space<vmem_shared>>
      tpu.wait_indirect_dma semaphore(%arg15 : memref<!tpu.dma_semaphore, #tpu.memory_space<semaphore_mem>>) src(%dma_wait3A_43 : memref<10240xi32, #tpu.memory_space<vmem_shared>>) dst(%dma_wait3A_38 : memref<128xi32, #tpu.memory_space<vmem>>)
      %mul3A_44 = arith.constant 4 : i32
      %mul3A_45 = arith.muli %scan3A_32, %mul3A_44 : i32
      %add3A_46 = arith.constant 1 : i32
      %add3A_47 = arith.addi %mul3A_45, %add3A_46 : i32
      %dma_wait3A_48 = arith.constant 0 : i32
      %dma_wait3A_49 = tpu.memref_slice %arg12[%add3A_47, %dma_wait3A_48] : memref<124x128xi32, #tpu.memory_space<vmem>> -> memref<1x128xi32, #tpu.memory_space<vmem>>
      %dma_wait3A_50 = tpu.memref_squeeze %dma_wait3A_49 : memref<1x128xi32, #tpu.memory_space<vmem>> -> memref<128xi32, #tpu.memory_space<vmem>>
      %dma_wait3A_51 = arith.constant 0 : i32
      %dma_wait3A_52 = tpu.memref_slice %arg9[%add3A_47, %dma_wait3A_51] : memref<124x128xi32, #tpu.memory_space<vmem>> -> memref<1x128xi32, #tpu.memory_space<vmem>>
      %dma_wait3A_53 = tpu.memref_squeeze %dma_wait3A_52 : memref<1x128xi32, #tpu.memory_space<vmem>> -> memref<128xi32, #tpu.memory_space<vmem>>
      %dma_wait3A_54 = arith.constant 0 : i32
      %dma_wait3A_55 = tpu.memref_slice %arg8[%dma_wait3A_54] : memref<10240xi32, #tpu.memory_space<vmem_shared>> -> memref<10240xi32, #tpu.memory_space<vmem_shared>>
      tpu.wait_indirect_dma semaphore(%arg15 : memref<!tpu.dma_semaphore, #tpu.memory_space<semaphore_mem>>) src(%dma_wait3A_55 : memref<10240xi32, #tpu.memory_space<vmem_shared>>) dst(%dma_wait3A_50 : memref<128xi32, #tpu.memory_space<vmem>>)
      %mul3A_56 = arith.constant 4 : i32
      %mul3A_57 = arith.muli %scan3A_32, %mul3A_56 : i32
      %add3A_58 = arith.constant 2 : i32
      %add3A_59 = arith.addi %mul3A_57, %add3A_58 : i32
      %dma_wait3A_60 = arith.constant 0 : i32
      %dma_wait3A_61 = tpu.memref_slice %arg12[%add3A_59, %dma_wait3A_60] : memref<124x128xi32, #tpu.memory_space<vmem>> -> memref<1x128xi32, #tpu.memory_space<vmem>>
      %dma_wait3A_62 = tpu.memref_squeeze %dma_wait3A_61 : memref<1x128xi32, #tpu.memory_space<vmem>> -> memref<128xi32, #tpu.memory_space<vmem>>
      %dma_wait3A_63 = arith.constant 0 : i32
      %dma_wait3A_64 = tpu.memref_slice %arg9[%add3A_59, %dma_wait3A_63] : memref<124x128xi32, #tpu.memory_space<vmem>> -> memref<1x128xi32, #tpu.memory_space<vmem>>
      %dma_wait3A_65 = tpu.memref_squeeze %dma_wait3A_64 : memref<1x128xi32, #tpu.memory_space<vmem>> -> memref<128xi32, #tpu.memory_space<vmem>>
      %dma_wait3A_66 = arith.constant 0 : i32
      %dma_wait3A_67 = tpu.memref_slice %arg8[%dma_wait3A_66] : memref<10240xi32, #tpu.memory_space<vmem_shared>> -> memref<10240xi32, #tpu.memory_space<vmem_shared>>
      tpu.wait_indirect_dma semaphore(%arg15 : memref<!tpu.dma_semaphore, #tpu.memory_space<semaphore_mem>>) src(%dma_wait3A_67 : memref<10240xi32, #tpu.memory_space<vmem_shared>>) dst(%dma_wait3A_62 : memref<128xi32, #tpu.memory_space<vmem>>)
      %mul3A_68 = arith.constant 4 : i32
      %mul3A_69 = arith.muli %scan3A_32, %mul3A_68 : i32
      %add3A_70 = arith.constant 3 : i32
      %add3A_71 = arith.addi %mul3A_69, %add3A_70 : i32
      %dma_wait3A_72 = arith.constant 0 : i32
      %dma_wait3A_73 = tpu.memref_slice %arg12[%add3A_71, %dma_wait3A_72] : memref<124x128xi32, #tpu.memory_space<vmem>> -> memref<1x128xi32, #tpu.memory_space<vmem>>
      %dma_wait3A_74 = tpu.memref_squeeze %dma_wait3A_73 : memref<1x128xi32, #tpu.memory_space<vmem>> -> memref<128xi32, #tpu.memory_space<vmem>>
      %dma_wait3A_75 = arith.constant 0 : i32
      %dma_wait3A_76 = tpu.memref_slice %arg9[%add3A_71, %dma_wait3A_75] : memref<124x128xi32, #tpu.memory_space<vmem>> -> memref<1x128xi32, #tpu.memory_space<vmem>>
      %dma_wait3A_77 = tpu.memref_squeeze %dma_wait3A_76 : memref<1x128xi32, #tpu.memory_space<vmem>> -> memref<128xi32, #tpu.memory_space<vmem>>
      %dma_wait3A_78 = arith.constant 0 : i32
      %dma_wait3A_79 = tpu.memref_slice %arg8[%dma_wait3A_78] : memref<10240xi32, #tpu.memory_space<vmem_shared>> -> memref<10240xi32, #tpu.memory_space<vmem_shared>>
      tpu.wait_indirect_dma semaphore(%arg15 : memref<!tpu.dma_semaphore, #tpu.memory_space<semaphore_mem>>) src(%dma_wait3A_79 : memref<10240xi32, #tpu.memory_space<vmem_shared>>) dst(%dma_wait3A_74 : memref<128xi32, #tpu.memory_space<vmem>>)
    }
    %scan3A_13 = arith.constant 31 : i32
    "tpu.trace_stop"() : () -> ()
    "tpu.trace_start"() <{level = 10 : i32, message = "ph_idx"}> : () -> ()
    %scan3A_14 = arith.constant 0 : i32
    %scan3A_15 = arith.constant 0 : i32
    %scan3A_16 = arith.constant 124 : i32
    %scan3A_17 = arith.addi %scan3A_15, %scan3A_16 : i32
    %scan3A_18 = arith.constant 1 : i32
    scf.for %scan3A_32 = %scan3A_15 to %scan3A_17 step %scan3A_18  : i32 {
      %get3A = arith.index_cast %scan3A_32 : i32 to index
      %get3A_33 = arith.constant 0 : index
      %get3A_34 = tpu.vector_load %arg12[%get3A, %get3A_33] {strides = array<i32>} : memref<124x128xi32, #tpu.memory_space<vmem>>, vector<1x16xi32>,
      %get3A_35 = vector.shape_cast %get3A_34 : vector<1x16xi32> to vector<16xi32>
      %get3A_36 = arith.index_cast %scan3A_32 : i32 to index
      %get3A_37 = arith.constant 0 : index
      %get3A_38 = tpu.vector_load %arg10[%get3A_36, %get3A_37] {strides = array<i32>} : memref<124x128xi32, #tpu.memory_space<vmem>>, vector<1x16xi32>,
      %get3A_39 = vector.shape_cast %get3A_38 : vector<1x16xi32> to vector<16xi32>
      %get3A_40 = arith.index_cast %scan3A_32 : i32 to index
      %get3A_41 = arith.constant 0 : index
      %get3A_42 = tpu.vector_load %arg11[%get3A_40, %get3A_41] {strides = array<i32>} : memref<124x128xi32, #tpu.memory_space<vmem>>, vector<1x16xi32>,
      %get3A_43 = vector.shape_cast %get3A_42 : vector<1x16xi32> to vector<16xi32>
      %shift_right_arithmetic3A = arith.constant 3 : i32
      %shift_right_arithmetic3A_44 = vector.broadcast %shift_right_arithmetic3A : i32 to vector<16xi32>
      %shift_right_arithmetic3A_45 = arith.shrsi %get3A_43, %shift_right_arithmetic3A_44 : vector<16xi32>
      %mul3A_46 = arith.constant 41944 : i32
      %mul3A_47 = vector.broadcast %mul3A_46 : i32 to vector<16xi32>
      %mul3A_48 = arith.muli %shift_right_arithmetic3A_45, %mul3A_47 : vector<16xi32>
      %shift_right_arithmetic3A_49 = arith.constant 20 : i32
      %shift_right_arithmetic3A_50 = vector.broadcast %shift_right_arithmetic3A_49 : i32 to vector<16xi32>
      %shift_right_arithmetic3A_51 = arith.shrsi %mul3A_48, %shift_right_arithmetic3A_50 : vector<16xi32>
      %mul3A_52 = arith.constant 8000 : i32
      %mul3A_53 = vector.broadcast %mul3A_52 : i32 to vector<16xi32>
      %mul3A_54 = arith.muli %get3A_39, %mul3A_53 : vector<16xi32>
      %mul3A_55 = arith.constant 500 : i32
      %mul3A_56 = vector.broadcast %mul3A_55 : i32 to vector<16xi32>
      %mul3A_57 = arith.muli %get3A_35, %mul3A_56 : vector<16xi32>
      %add3A_58 = arith.addi %mul3A_54, %mul3A_57 : vector<16xi32>
      %add3A_59 = arith.addi %add3A_58, %shift_right_arithmetic3A_51 : vector<16xi32>
      %swap3A = arith.index_cast %scan3A_32 : i32 to index
      %swap3A_60 = arith.constant 0 : index
      %swap3A_61 = tpu.vector_load %arg13[%swap3A, %swap3A_60] {strides = array<i32>} : memref<124x128xi32, #tpu.memory_space<vmem>>, vector<1x16xi32>,
      %swap3A_62 = vector.shape_cast %swap3A_61 : vector<1x16xi32> to vector<16xi32>
      %swap3A_63 = vector.shape_cast %add3A_59 : vector<16xi32> to vector<1x16xi32>
      tpu.vector_store %arg13[%swap3A, %swap3A_60], %swap3A_63 {strides = array<i32>} : memref<124x128xi32, #tpu.memory_space<vmem>>, vector<1x16xi32>,
      %get3A_64 = arith.index_cast %scan3A_32 : i32 to index
      %get3A_65 = arith.constant 16 : index
      %get3A_66 = tpu.vector_load %arg12[%get3A_64, %get3A_65] {strides = array<i32>} : memref<124x128xi32, #tpu.memory_space<vmem>>, vector<1x16xi32>,
      %get3A_67 = vector.shape_cast %get3A_66 : vector<1x16xi32> to vector<16xi32>
      %get3A_68 = arith.index_cast %scan3A_32 : i32 to index
      %get3A_69 = arith.constant 16 : index
      %get3A_70 = tpu.vector_load %arg10[%get3A_68, %get3A_69] {strides = array<i32>} : memref<124x128xi32, #tpu.memory_space<vmem>>, vector<1x16xi32>,
      %get3A_71 = vector.shape_cast %get3A_70 : vector<1x16xi32> to vector<16xi32>
      %get3A_72 = arith.index_cast %scan3A_32 : i32 to index
      %get3A_73 = arith.constant 16 : index
      %get3A_74 = tpu.vector_load %arg11[%get3A_72, %get3A_73] {strides = array<i32>} : memref<124x128xi32, #tpu.memory_space<vmem>>, vector<1x16xi32>,
      %get3A_75 = vector.shape_cast %get3A_74 : vector<1x16xi32> to vector<16xi32>
      %shift_right_arithmetic3A_76 = arith.constant 3 : i32
      %shift_right_arithmetic3A_77 = vector.broadcast %shift_right_arithmetic3A_76 : i32 to vector<16xi32>
      %shift_right_arithmetic3A_78 = arith.shrsi %get3A_75, %shift_right_arithmetic3A_77 : vector<16xi32>
      %mul3A_79 = arith.constant 41944 : i32
      %mul3A_80 = vector.broadcast %mul3A_79 : i32 to vector<16xi32>
      %mul3A_81 = arith.muli %shift_right_arithmetic3A_78, %mul3A_80 : vector<16xi32>
      %shift_right_arithmetic3A_82 = arith.constant 20 : i32
      %shift_right_arithmetic3A_83 = vector.broadcast %shift_right_arithmetic3A_82 : i32 to vector<16xi32>
      %shift_right_arithmetic3A_84 = arith.shrsi %mul3A_81, %shift_right_arithmetic3A_83 : vector<16xi32>
      %mul3A_85 = arith.constant 8000 : i32
      %mul3A_86 = vector.broadcast %mul3A_85 : i32 to vector<16xi32>
      %mul3A_87 = arith.muli %get3A_71, %mul3A_86 : vector<16xi32>
      %mul3A_88 = arith.constant 500 : i32
      %mul3A_89 = vector.broadcast %mul3A_88 : i32 to vector<16xi32>
      %mul3A_90 = arith.muli %get3A_67, %mul3A_89 : vector<16xi32>
      %add3A_91 = arith.addi %mul3A_87, %mul3A_90 : vector<16xi32>
      %add3A_92 = arith.addi %add3A_91, %shift_right_arithmetic3A_84 : vector<16xi32>
      %swap3A_93 = arith.index_cast %scan3A_32 : i32 to index
      %swap3A_94 = arith.constant 16 : index
      %swap3A_95 = tpu.vector_load %arg13[%swap3A_93, %swap3A_94] {strides = array<i32>} : memref<124x128xi32, #tpu.memory_space<vmem>>, vector<1x16xi32>,
      %swap3A_96 = vector.shape_cast %swap3A_95 : vector<1x16xi32> to vector<16xi32>
      %swap3A_97 = vector.shape_cast %add3A_92 : vector<16xi32> to vector<1x16xi32>
      tpu.vector_store %arg13[%swap3A_93, %swap3A_94], %swap3A_97 {strides = array<i32>} : memref<124x128xi32, #tpu.memory_space<vmem>>, vector<1x16xi32>,
      %get3A_98 = arith.index_cast %scan3A_32 : i32 to index
      %get3A_99 = arith.constant 32 : index
      %get3A_100 = tpu.vector_load %arg12[%get3A_98, %get3A_99] {strides = array<i32>} : memref<124x128xi32, #tpu.memory_space<vmem>>, vector<1x16xi32>,
      %get3A_101 = vector.shape_cast %get3A_100 : vector<1x16xi32> to vector<16xi32>
      %get3A_102 = arith.index_cast %scan3A_32 : i32 to index
      %get3A_103 = arith.constant 32 : index
      %get3A_104 = tpu.vector_load %arg10[%get3A_102, %get3A_103] {strides = array<i32>} : memref<124x128xi32, #tpu.memory_space<vmem>>, vector<1x16xi32>,
      %get3A_105 = vector.shape_cast %get3A_104 : vector<1x16xi32> to vector<16xi32>
      %get3A_106 = arith.index_cast %scan3A_32 : i32 to index
      %get3A_107 = arith.constant 32 : index
      %get3A_108 = tpu.vector_load %arg11[%get3A_106, %get3A_107] {strides = array<i32>} : memref<124x128xi32, #tpu.memory_space<vmem>>, vector<1x16xi32>,
      %get3A_109 = vector.shape_cast %get3A_108 : vector<1x16xi32> to vector<16xi32>
      %shift_right_arithmetic3A_110 = arith.constant 3 : i32
      %shift_right_arithmetic3A_111 = vector.broadcast %shift_right_arithmetic3A_110 : i32 to vector<16xi32>
      %shift_right_arithmetic3A_112 = arith.shrsi %get3A_109, %shift_right_arithmetic3A_111 : vector<16xi32>
      %mul3A_113 = arith.constant 41944 : i32
      %mul3A_114 = vector.broadcast %mul3A_113 : i32 to vector<16xi32>
      %mul3A_115 = arith.muli %shift_right_arithmetic3A_112, %mul3A_114 : vector<16xi32>
      %shift_right_arithmetic3A_116 = arith.constant 20 : i32
      %shift_right_arithmetic3A_117 = vector.broadcast %shift_right_arithmetic3A_116 : i32 to vector<16xi32>
      %shift_right_arithmetic3A_118 = arith.shrsi %mul3A_115, %shift_right_arithmetic3A_117 : vector<16xi32>
      %mul3A_119 = arith.constant 8000 : i32
      %mul3A_120 = vector.broadcast %mul3A_119 : i32 to vector<16xi32>
      %mul3A_121 = arith.muli %get3A_105, %mul3A_120 : vector<16xi32>
      %mul3A_122 = arith.constant 500 : i32
      %mul3A_123 = vector.broadcast %mul3A_122 : i32 to vector<16xi32>
      %mul3A_124 = arith.muli %get3A_101, %mul3A_123 : vector<16xi32>
      %add3A_125 = arith.addi %mul3A_121, %mul3A_124 : vector<16xi32>
      %add3A_126 = arith.addi %add3A_125, %shift_right_arithmetic3A_118 : vector<16xi32>
      %swap3A_127 = arith.index_cast %scan3A_32 : i32 to index
      %swap3A_128 = arith.constant 32 : index
      %swap3A_129 = tpu.vector_load %arg13[%swap3A_127, %swap3A_128] {strides = array<i32>} : memref<124x128xi32, #tpu.memory_space<vmem>>, vector<1x16xi32>,
      %swap3A_130 = vector.shape_cast %swap3A_129 : vector<1x16xi32> to vector<16xi32>
      %swap3A_131 = vector.shape_cast %add3A_126 : vector<16xi32> to vector<1x16xi32>
      tpu.vector_store %arg13[%swap3A_127, %swap3A_128], %swap3A_131 {strides = array<i32>} : memref<124x128xi32, #tpu.memory_space<vmem>>, vector<1x16xi32>,
      %get3A_132 = arith.index_cast %scan3A_32 : i32 to index
      %get3A_133 = arith.constant 48 : index
      %get3A_134 = tpu.vector_load %arg12[%get3A_132, %get3A_133] {strides = array<i32>} : memref<124x128xi32, #tpu.memory_space<vmem>>, vector<1x16xi32>,
      %get3A_135 = vector.shape_cast %get3A_134 : vector<1x16xi32> to vector<16xi32>
      %get3A_136 = arith.index_cast %scan3A_32 : i32 to index
      %get3A_137 = arith.constant 48 : index
      %get3A_138 = tpu.vector_load %arg10[%get3A_136, %get3A_137] {strides = array<i32>} : memref<124x128xi32, #tpu.memory_space<vmem>>, vector<1x16xi32>,
      %get3A_139 = vector.shape_cast %get3A_138 : vector<1x16xi32> to vector<16xi32>
      %get3A_140 = arith.index_cast %scan3A_32 : i32 to index
      %get3A_141 = arith.constant 48 : index
      %get3A_142 = tpu.vector_load %arg11[%get3A_140, %get3A_141] {strides = array<i32>} : memref<124x128xi32, #tpu.memory_space<vmem>>, vector<1x16xi32>,
      %get3A_143 = vector.shape_cast %get3A_142 : vector<1x16xi32> to vector<16xi32>
      %shift_right_arithmetic3A_144 = arith.constant 3 : i32
      %shift_right_arithmetic3A_145 = vector.broadcast %shift_right_arithmetic3A_144 : i32 to vector<16xi32>
      %shift_right_arithmetic3A_146 = arith.shrsi %get3A_143, %shift_right_arithmetic3A_145 : vector<16xi32>
      %mul3A_147 = arith.constant 41944 : i32
      %mul3A_148 = vector.broadcast %mul3A_147 : i32 to vector<16xi32>
      %mul3A_149 = arith.muli %shift_right_arithmetic3A_146, %mul3A_148 : vector<16xi32>
      %shift_right_arithmetic3A_150 = arith.constant 20 : i32
      %shift_right_arithmetic3A_151 = vector.broadcast %shift_right_arithmetic3A_150 : i32 to vector<16xi32>
      %shift_right_arithmetic3A_152 = arith.shrsi %mul3A_149, %shift_right_arithmetic3A_151 : vector<16xi32>
      %mul3A_153 = arith.constant 8000 : i32
      %mul3A_154 = vector.broadcast %mul3A_153 : i32 to vector<16xi32>
      %mul3A_155 = arith.muli %get3A_139, %mul3A_154 : vector<16xi32>
      %mul3A_156 = arith.constant 500 : i32
      %mul3A_157 = vector.broadcast %mul3A_156 : i32 to vector<16xi32>
      %mul3A_158 = arith.muli %get3A_135, %mul3A_157 : vector<16xi32>
      %add3A_159 = arith.addi %mul3A_155, %mul3A_158 : vector<16xi32>
      %add3A_160 = arith.addi %add3A_159, %shift_right_arithmetic3A_152 : vector<16xi32>
      %swap3A_161 = arith.index_cast %scan3A_32 : i32 to index
      %swap3A_162 = arith.constant 48 : index
      %swap3A_163 = tpu.vector_load %arg13[%swap3A_161, %swap3A_162] {strides = array<i32>} : memref<124x128xi32, #tpu.memory_space<vmem>>, vector<1x16xi32>,
      %swap3A_164 = vector.shape_cast %swap3A_163 : vector<1x16xi32> to vector<16xi32>
      %swap3A_165 = vector.shape_cast %add3A_160 : vector<16xi32> to vector<1x16xi32>
      tpu.vector_store %arg13[%swap3A_161, %swap3A_162], %swap3A_165 {strides = array<i32>} : memref<124x128xi32, #tpu.memory_space<vmem>>, vector<1x16xi32>,
      %get3A_166 = arith.index_cast %scan3A_32 : i32 to index
      %get3A_167 = arith.constant 64 : index
      %get3A_168 = tpu.vector_load %arg12[%get3A_166, %get3A_167] {strides = array<i32>} : memref<124x128xi32, #tpu.memory_space<vmem>>, vector<1x16xi32>,
      %get3A_169 = vector.shape_cast %get3A_168 : vector<1x16xi32> to vector<16xi32>
      %get3A_170 = arith.index_cast %scan3A_32 : i32 to index
      %get3A_171 = arith.constant 64 : index
      %get3A_172 = tpu.vector_load %arg10[%get3A_170, %get3A_171] {strides = array<i32>} : memref<124x128xi32, #tpu.memory_space<vmem>>, vector<1x16xi32>,
      %get3A_173 = vector.shape_cast %get3A_172 : vector<1x16xi32> to vector<16xi32>
      %get3A_174 = arith.index_cast %scan3A_32 : i32 to index
      %get3A_175 = arith.constant 64 : index
      %get3A_176 = tpu.vector_load %arg11[%get3A_174, %get3A_175] {strides = array<i32>} : memref<124x128xi32, #tpu.memory_space<vmem>>, vector<1x16xi32>,
      %get3A_177 = vector.shape_cast %get3A_176 : vector<1x16xi32> to vector<16xi32>
      %shift_right_arithmetic3A_178 = arith.constant 3 : i32
      %shift_right_arithmetic3A_179 = vector.broadcast %shift_right_arithmetic3A_178 : i32 to vector<16xi32>
      %shift_right_arithmetic3A_180 = arith.shrsi %get3A_177, %shift_right_arithmetic3A_179 : vector<16xi32>
      %mul3A_181 = arith.constant 41944 : i32
      %mul3A_182 = vector.broadcast %mul3A_181 : i32 to vector<16xi32>
      %mul3A_183 = arith.muli %shift_right_arithmetic3A_180, %mul3A_182 : vector<16xi32>
      %shift_right_arithmetic3A_184 = arith.constant 20 : i32
      %shift_right_arithmetic3A_185 = vector.broadcast %shift_right_arithmetic3A_184 : i32 to vector<16xi32>
      %shift_right_arithmetic3A_186 = arith.shrsi %mul3A_183, %shift_right_arithmetic3A_185 : vector<16xi32>
      %mul3A_187 = arith.constant 8000 : i32
      %mul3A_188 = vector.broadcast %mul3A_187 : i32 to vector<16xi32>
      %mul3A_189 = arith.muli %get3A_173, %mul3A_188 : vector<16xi32>
      %mul3A_190 = arith.constant 500 : i32
      %mul3A_191 = vector.broadcast %mul3A_190 : i32 to vector<16xi32>
      %mul3A_192 = arith.muli %get3A_169, %mul3A_191 : vector<16xi32>
      %add3A_193 = arith.addi %mul3A_189, %mul3A_192 : vector<16xi32>
      %add3A_194 = arith.addi %add3A_193, %shift_right_arithmetic3A_186 : vector<16xi32>
      %swap3A_195 = arith.index_cast %scan3A_32 : i32 to index
      %swap3A_196 = arith.constant 64 : index
      %swap3A_197 = tpu.vector_load %arg13[%swap3A_195, %swap3A_196] {strides = array<i32>} : memref<124x128xi32, #tpu.memory_space<vmem>>, vector<1x16xi32>,
      %swap3A_198 = vector.shape_cast %swap3A_197 : vector<1x16xi32> to vector<16xi32>
      %swap3A_199 = vector.shape_cast %add3A_194 : vector<16xi32> to vector<1x16xi32>
      tpu.vector_store %arg13[%swap3A_195, %swap3A_196], %swap3A_199 {strides = array<i32>} : memref<124x128xi32, #tpu.memory_space<vmem>>, vector<1x16xi32>,
      %get3A_200 = arith.index_cast %scan3A_32 : i32 to index
      %get3A_201 = arith.constant 80 : index
      %get3A_202 = tpu.vector_load %arg12[%get3A_200, %get3A_201] {strides = array<i32>} : memref<124x128xi32, #tpu.memory_space<vmem>>, vector<1x16xi32>,
      %get3A_203 = vector.shape_cast %get3A_202 : vector<1x16xi32> to vector<16xi32>
      %get3A_204 = arith.index_cast %scan3A_32 : i32 to index
      %get3A_205 = arith.constant 80 : index
      %get3A_206 = tpu.vector_load %arg10[%get3A_204, %get3A_205] {strides = array<i32>} : memref<124x128xi32, #tpu.memory_space<vmem>>, vector<1x16xi32>,
      %get3A_207 = vector.shape_cast %get3A_206 : vector<1x16xi32> to vector<16xi32>
      %get3A_208 = arith.index_cast %scan3A_32 : i32 to index
      %get3A_209 = arith.constant 80 : index
      %get3A_210 = tpu.vector_load %arg11[%get3A_208, %get3A_209] {strides = array<i32>} : memref<124x128xi32, #tpu.memory_space<vmem>>, vector<1x16xi32>,
      %get3A_211 = vector.shape_cast %get3A_210 : vector<1x16xi32> to vector<16xi32>
      %shift_right_arithmetic3A_212 = arith.constant 3 : i32
      %shift_right_arithmetic3A_213 = vector.broadcast %shift_right_arithmetic3A_212 : i32 to vector<16xi32>
      %shift_right_arithmetic3A_214 = arith.shrsi %get3A_211, %shift_right_arithmetic3A_213 : vector<16xi32>
      %mul3A_215 = arith.constant 41944 : i32
      %mul3A_216 = vector.broadcast %mul3A_215 : i32 to vector<16xi32>
      %mul3A_217 = arith.muli %shift_right_arithmetic3A_214, %mul3A_216 : vector<16xi32>
      %shift_right_arithmetic3A_218 = arith.constant 20 : i32
      %shift_right_arithmetic3A_219 = vector.broadcast %shift_right_arithmetic3A_218 : i32 to vector<16xi32>
      %shift_right_arithmetic3A_220 = arith.shrsi %mul3A_217, %shift_right_arithmetic3A_219 : vector<16xi32>
      %mul3A_221 = arith.constant 8000 : i32
      %mul3A_222 = vector.broadcast %mul3A_221 : i32 to vector<16xi32>
      %mul3A_223 = arith.muli %get3A_207, %mul3A_222 : vector<16xi32>
      %mul3A_224 = arith.constant 500 : i32
      %mul3A_225 = vector.broadcast %mul3A_224 : i32 to vector<16xi32>
      %mul3A_226 = arith.muli %get3A_203, %mul3A_225 : vector<16xi32>
      %add3A_227 = arith.addi %mul3A_223, %mul3A_226 : vector<16xi32>
      %add3A_228 = arith.addi %add3A_227, %shift_right_arithmetic3A_220 : vector<16xi32>
      %swap3A_229 = arith.index_cast %scan3A_32 : i32 to index
      %swap3A_230 = arith.constant 80 : index
      %swap3A_231 = tpu.vector_load %arg13[%swap3A_229, %swap3A_230] {strides = array<i32>} : memref<124x128xi32, #tpu.memory_space<vmem>>, vector<1x16xi32>,
      %swap3A_232 = vector.shape_cast %swap3A_231 : vector<1x16xi32> to vector<16xi32>
      %swap3A_233 = vector.shape_cast %add3A_228 : vector<16xi32> to vector<1x16xi32>
      tpu.vector_store %arg13[%swap3A_229, %swap3A_230], %swap3A_233 {strides = array<i32>} : memref<124x128xi32, #tpu.memory_space<vmem>>, vector<1x16xi32>,
      %get3A_234 = arith.index_cast %scan3A_32 : i32 to index
      %get3A_235 = arith.constant 96 : index
      %get3A_236 = tpu.vector_load %arg12[%get3A_234, %get3A_235] {strides = array<i32>} : memref<124x128xi32, #tpu.memory_space<vmem>>, vector<1x16xi32>,
      %get3A_237 = vector.shape_cast %get3A_236 : vector<1x16xi32> to vector<16xi32>
      %get3A_238 = arith.index_cast %scan3A_32 : i32 to index
      %get3A_239 = arith.constant 96 : index
      %get3A_240 = tpu.vector_load %arg10[%get3A_238, %get3A_239] {strides = array<i32>} : memref<124x128xi32, #tpu.memory_space<vmem>>, vector<1x16xi32>,
      %get3A_241 = vector.shape_cast %get3A_240 : vector<1x16xi32> to vector<16xi32>
      %get3A_242 = arith.index_cast %scan3A_32 : i32 to index
      %get3A_243 = arith.constant 96 : index
      %get3A_244 = tpu.vector_load %arg11[%get3A_242, %get3A_243] {strides = array<i32>} : memref<124x128xi32, #tpu.memory_space<vmem>>, vector<1x16xi32>,
      %get3A_245 = vector.shape_cast %get3A_244 : vector<1x16xi32> to vector<16xi32>
      %shift_right_arithmetic3A_246 = arith.constant 3 : i32
      %shift_right_arithmetic3A_247 = vector.broadcast %shift_right_arithmetic3A_246 : i32 to vector<16xi32>
      %shift_right_arithmetic3A_248 = arith.shrsi %get3A_245, %shift_right_arithmetic3A_247 : vector<16xi32>
      %mul3A_249 = arith.constant 41944 : i32
      %mul3A_250 = vector.broadcast %mul3A_249 : i32 to vector<16xi32>
      %mul3A_251 = arith.muli %shift_right_arithmetic3A_248, %mul3A_250 : vector<16xi32>
      %shift_right_arithmetic3A_252 = arith.constant 20 : i32
      %shift_right_arithmetic3A_253 = vector.broadcast %shift_right_arithmetic3A_252 : i32 to vector<16xi32>
      %shift_right_arithmetic3A_254 = arith.shrsi %mul3A_251, %shift_right_arithmetic3A_253 : vector<16xi32>
      %mul3A_255 = arith.constant 8000 : i32
      %mul3A_256 = vector.broadcast %mul3A_255 : i32 to vector<16xi32>
      %mul3A_257 = arith.muli %get3A_241, %mul3A_256 : vector<16xi32>
      %mul3A_258 = arith.constant 500 : i32
      %mul3A_259 = vector.broadcast %mul3A_258 : i32 to vector<16xi32>
      %mul3A_260 = arith.muli %get3A_237, %mul3A_259 : vector<16xi32>
      %add3A_261 = arith.addi %mul3A_257, %mul3A_260 : vector<16xi32>
      %add3A_262 = arith.addi %add3A_261, %shift_right_arithmetic3A_254 : vector<16xi32>
      %swap3A_263 = arith.index_cast %scan3A_32 : i32 to index
      %swap3A_264 = arith.constant 96 : index
      %swap3A_265 = tpu.vector_load %arg13[%swap3A_263, %swap3A_264] {strides = array<i32>} : memref<124x128xi32, #tpu.memory_space<vmem>>, vector<1x16xi32>,
      %swap3A_266 = vector.shape_cast %swap3A_265 : vector<1x16xi32> to vector<16xi32>
      %swap3A_267 = vector.shape_cast %add3A_262 : vector<16xi32> to vector<1x16xi32>
      tpu.vector_store %arg13[%swap3A_263, %swap3A_264], %swap3A_267 {strides = array<i32>} : memref<124x128xi32, #tpu.memory_space<vmem>>, vector<1x16xi32>,
      %get3A_268 = arith.index_cast %scan3A_32 : i32 to index
      %get3A_269 = arith.constant 112 : index
      %get3A_270 = tpu.vector_load %arg12[%get3A_268, %get3A_269] {strides = array<i32>} : memref<124x128xi32, #tpu.memory_space<vmem>>, vector<1x16xi32>,
      %get3A_271 = vector.shape_cast %get3A_270 : vector<1x16xi32> to vector<16xi32>
      %get3A_272 = arith.index_cast %scan3A_32 : i32 to index
      %get3A_273 = arith.constant 112 : index
      %get3A_274 = tpu.vector_load %arg10[%get3A_272, %get3A_273] {strides = array<i32>} : memref<124x128xi32, #tpu.memory_space<vmem>>, vector<1x16xi32>,
      %get3A_275 = vector.shape_cast %get3A_274 : vector<1x16xi32> to vector<16xi32>
      %get3A_276 = arith.index_cast %scan3A_32 : i32 to index
      %get3A_277 = arith.constant 112 : index
      %get3A_278 = tpu.vector_load %arg11[%get3A_276, %get3A_277] {strides = array<i32>} : memref<124x128xi32, #tpu.memory_space<vmem>>, vector<1x16xi32>,
      %get3A_279 = vector.shape_cast %get3A_278 : vector<1x16xi32> to vector<16xi32>
      %shift_right_arithmetic3A_280 = arith.constant 3 : i32
      %shift_right_arithmetic3A_281 = vector.broadcast %shift_right_arithmetic3A_280 : i32 to vector<16xi32>
      %shift_right_arithmetic3A_282 = arith.shrsi %get3A_279, %shift_right_arithmetic3A_281 : vector<16xi32>
      %mul3A_283 = arith.constant 41944 : i32
      %mul3A_284 = vector.broadcast %mul3A_283 : i32 to vector<16xi32>
      %mul3A_285 = arith.muli %shift_right_arithmetic3A_282, %mul3A_284 : vector<16xi32>
      %shift_right_arithmetic3A_286 = arith.constant 20 : i32
      %shift_right_arithmetic3A_287 = vector.broadcast %shift_right_arithmetic3A_286 : i32 to vector<16xi32>
      %shift_right_arithmetic3A_288 = arith.shrsi %mul3A_285, %shift_right_arithmetic3A_287 : vector<16xi32>
      %mul3A_289 = arith.constant 8000 : i32
      %mul3A_290 = vector.broadcast %mul3A_289 : i32 to vector<16xi32>
      %mul3A_291 = arith.muli %get3A_275, %mul3A_290 : vector<16xi32>
      %mul3A_292 = arith.constant 500 : i32
      %mul3A_293 = vector.broadcast %mul3A_292 : i32 to vector<16xi32>
      %mul3A_294 = arith.muli %get3A_271, %mul3A_293 : vector<16xi32>
      %add3A_295 = arith.addi %mul3A_291, %mul3A_294 : vector<16xi32>
      %add3A_296 = arith.addi %add3A_295, %shift_right_arithmetic3A_288 : vector<16xi32>
      %swap3A_297 = arith.index_cast %scan3A_32 : i32 to index
      %swap3A_298 = arith.constant 112 : index
      %swap3A_299 = tpu.vector_load %arg13[%swap3A_297, %swap3A_298] {strides = array<i32>} : memref<124x128xi32, #tpu.memory_space<vmem>>, vector<1x16xi32>,
      %swap3A_300 = vector.shape_cast %swap3A_299 : vector<1x16xi32> to vector<16xi32>
      %swap3A_301 = vector.shape_cast %add3A_296 : vector<16xi32> to vector<1x16xi32>
      tpu.vector_store %arg13[%swap3A_297, %swap3A_298], %swap3A_301 {strides = array<i32>} : memref<124x128xi32, #tpu.memory_space<vmem>>, vector<1x16xi32>,
    }
    %scan3A_19 = arith.constant 124 : i32
    "tpu.trace_stop"() : () -> ()
    "tpu.trace_start"() <{level = 10 : i32, message = "ph_hgt"}> : () -> ()
    %scan3A_20 = arith.constant 0 : i32
    %scan3A_21 = arith.constant 0 : i32
    %scan3A_22 = arith.constant 31 : i32
    %scan3A_23 = arith.addi %scan3A_21, %scan3A_22 : i32
    %scan3A_24 = arith.constant 1 : i32
    scf.for %scan3A_32 = %scan3A_21 to %scan3A_23 step %scan3A_24  : i32 {
      %mul3A_33 = arith.constant 4 : i32
      %mul3A_34 = arith.muli %scan3A_32, %mul3A_33 : i32
      %add3A_35 = arith.constant 0 : i32
      %add3A_36 = arith.addi %mul3A_34, %add3A_35 : i32
      %dma_start3A = arith.constant 0 : i32
      %dma_start3A_37 = tpu.memref_slice %arg14[%add3A_36, %dma_start3A] : memref<124x128xf32, #tpu.memory_space<vmem>> -> memref<1x128xf32, #tpu.memory_space<vmem>>
      %dma_start3A_38 = tpu.memref_squeeze %dma_start3A_37 : memref<1x128xf32, #tpu.memory_space<vmem>> -> memref<128xf32, #tpu.memory_space<vmem>>
      %dma_start3A_39 = arith.constant 0 : i32
      %dma_start3A_40 = tpu.memref_slice %arg13[%add3A_36, %dma_start3A_39] : memref<124x128xi32, #tpu.memory_space<vmem>> -> memref<1x128xi32, #tpu.memory_space<vmem>>
      %dma_start3A_41 = tpu.memref_squeeze %dma_start3A_40 : memref<1x128xi32, #tpu.memory_space<vmem>> -> memref<128xi32, #tpu.memory_space<vmem>>
      %dma_start3A_42 = arith.constant 0 : i32
      %dma_start3A_43 = tpu.memref_slice %arg2[%dma_start3A_42] : memref<2048000xf32, #tpu.memory_space<hbm>> -> memref<2048000xf32, #tpu.memory_space<hbm>>
      tpu.enqueue_indirect_dma source(%dma_start3A_43 : memref<2048000xf32, #tpu.memory_space<hbm>>) target(%dma_start3A_38 : memref<128xf32, #tpu.memory_space<vmem>>) offsets(%dma_start3A_41 : memref<128xi32, #tpu.memory_space<vmem>>) semaphore(%arg15 : memref<!tpu.dma_semaphore, #tpu.memory_space<semaphore_mem>>)
      %mul3A_44 = arith.constant 4 : i32
      %mul3A_45 = arith.muli %scan3A_32, %mul3A_44 : i32
      %add3A_46 = arith.constant 1 : i32
      %add3A_47 = arith.addi %mul3A_45, %add3A_46 : i32
      %dma_start3A_48 = arith.constant 0 : i32
      %dma_start3A_49 = tpu.memref_slice %arg14[%add3A_47, %dma_start3A_48] : memref<124x128xf32, #tpu.memory_space<vmem>> -> memref<1x128xf32, #tpu.memory_space<vmem>>
      %dma_start3A_50 = tpu.memref_squeeze %dma_start3A_49 : memref<1x128xf32, #tpu.memory_space<vmem>> -> memref<128xf32, #tpu.memory_space<vmem>>
      %dma_start3A_51 = arith.constant 0 : i32
      %dma_start3A_52 = tpu.memref_slice %arg13[%add3A_47, %dma_start3A_51] : memref<124x128xi32, #tpu.memory_space<vmem>> -> memref<1x128xi32, #tpu.memory_space<vmem>>
      %dma_start3A_53 = tpu.memref_squeeze %dma_start3A_52 : memref<1x128xi32, #tpu.memory_space<vmem>> -> memref<128xi32, #tpu.memory_space<vmem>>
      %dma_start3A_54 = arith.constant 0 : i32
      %dma_start3A_55 = tpu.memref_slice %arg2[%dma_start3A_54] : memref<2048000xf32, #tpu.memory_space<hbm>> -> memref<2048000xf32, #tpu.memory_space<hbm>>
      tpu.enqueue_indirect_dma source(%dma_start3A_55 : memref<2048000xf32, #tpu.memory_space<hbm>>) target(%dma_start3A_50 : memref<128xf32, #tpu.memory_space<vmem>>) offsets(%dma_start3A_53 : memref<128xi32, #tpu.memory_space<vmem>>) semaphore(%arg15 : memref<!tpu.dma_semaphore, #tpu.memory_space<semaphore_mem>>)
      %mul3A_56 = arith.constant 4 : i32
      %mul3A_57 = arith.muli %scan3A_32, %mul3A_56 : i32
      %add3A_58 = arith.constant 2 : i32
      %add3A_59 = arith.addi %mul3A_57, %add3A_58 : i32
      %dma_start3A_60 = arith.constant 0 : i32
      %dma_start3A_61 = tpu.memref_slice %arg14[%add3A_59, %dma_start3A_60] : memref<124x128xf32, #tpu.memory_space<vmem>> -> memref<1x128xf32, #tpu.memory_space<vmem>>
      %dma_start3A_62 = tpu.memref_squeeze %dma_start3A_61 : memref<1x128xf32, #tpu.memory_space<vmem>> -> memref<128xf32, #tpu.memory_space<vmem>>
      %dma_start3A_63 = arith.constant 0 : i32
      %dma_start3A_64 = tpu.memref_slice %arg13[%add3A_59, %dma_start3A_63] : memref<124x128xi32, #tpu.memory_space<vmem>> -> memref<1x128xi32, #tpu.memory_space<vmem>>
      %dma_start3A_65 = tpu.memref_squeeze %dma_start3A_64 : memref<1x128xi32, #tpu.memory_space<vmem>> -> memref<128xi32, #tpu.memory_space<vmem>>
      %dma_start3A_66 = arith.constant 0 : i32
      %dma_start3A_67 = tpu.memref_slice %arg2[%dma_start3A_66] : memref<2048000xf32, #tpu.memory_space<hbm>> -> memref<2048000xf32, #tpu.memory_space<hbm>>
      tpu.enqueue_indirect_dma source(%dma_start3A_67 : memref<2048000xf32, #tpu.memory_space<hbm>>) target(%dma_start3A_62 : memref<128xf32, #tpu.memory_space<vmem>>) offsets(%dma_start3A_65 : memref<128xi32, #tpu.memory_space<vmem>>) semaphore(%arg15 : memref<!tpu.dma_semaphore, #tpu.memory_space<semaphore_mem>>)
      %mul3A_68 = arith.constant 4 : i32
      %mul3A_69 = arith.muli %scan3A_32, %mul3A_68 : i32
      %add3A_70 = arith.constant 3 : i32
      %add3A_71 = arith.addi %mul3A_69, %add3A_70 : i32
      %dma_start3A_72 = arith.constant 0 : i32
      %dma_start3A_73 = tpu.memref_slice %arg14[%add3A_71, %dma_start3A_72] : memref<124x128xf32, #tpu.memory_space<vmem>> -> memref<1x128xf32, #tpu.memory_space<vmem>>
      %dma_start3A_74 = tpu.memref_squeeze %dma_start3A_73 : memref<1x128xf32, #tpu.memory_space<vmem>> -> memref<128xf32, #tpu.memory_space<vmem>>
      %dma_start3A_75 = arith.constant 0 : i32
      %dma_start3A_76 = tpu.memref_slice %arg13[%add3A_71, %dma_start3A_75] : memref<124x128xi32, #tpu.memory_space<vmem>> -> memref<1x128xi32, #tpu.memory_space<vmem>>
      %dma_start3A_77 = tpu.memref_squeeze %dma_start3A_76 : memref<1x128xi32, #tpu.memory_space<vmem>> -> memref<128xi32, #tpu.memory_space<vmem>>
      %dma_start3A_78 = arith.constant 0 : i32
      %dma_start3A_79 = tpu.memref_slice %arg2[%dma_start3A_78] : memref<2048000xf32, #tpu.memory_space<hbm>> -> memref<2048000xf32, #tpu.memory_space<hbm>>
      tpu.enqueue_indirect_dma source(%dma_start3A_79 : memref<2048000xf32, #tpu.memory_space<hbm>>) target(%dma_start3A_74 : memref<128xf32, #tpu.memory_space<vmem>>) offsets(%dma_start3A_77 : memref<128xi32, #tpu.memory_space<vmem>>) semaphore(%arg15 : memref<!tpu.dma_semaphore, #tpu.memory_space<semaphore_mem>>)
    }
    %scan3A_25 = arith.constant 31 : i32
    %scan3A_26 = arith.constant 0 : i32
    %scan3A_27 = arith.constant 0 : i32
    %scan3A_28 = arith.constant 31 : i32
    %scan3A_29 = arith.addi %scan3A_27, %scan3A_28 : i32
    %scan3A_30 = arith.constant 1 : i32
    scf.for %scan3A_32 = %scan3A_27 to %scan3A_29 step %scan3A_30  : i32 {
      %mul3A_33 = arith.constant 4 : i32
      %mul3A_34 = arith.muli %scan3A_32, %mul3A_33 : i32
      %add3A_35 = arith.constant 0 : i32
      %add3A_36 = arith.addi %mul3A_34, %add3A_35 : i32
      %dma_wait3A = arith.constant 0 : i32
      %dma_wait3A_37 = tpu.memref_slice %arg14[%add3A_36, %dma_wait3A] : memref<124x128xf32, #tpu.memory_space<vmem>> -> memref<1x128xf32, #tpu.memory_space<vmem>>
      %dma_wait3A_38 = tpu.memref_squeeze %dma_wait3A_37 : memref<1x128xf32, #tpu.memory_space<vmem>> -> memref<128xf32, #tpu.memory_space<vmem>>
      %dma_wait3A_39 = arith.constant 0 : i32
      %dma_wait3A_40 = tpu.memref_slice %arg13[%add3A_36, %dma_wait3A_39] : memref<124x128xi32, #tpu.memory_space<vmem>> -> memref<1x128xi32, #tpu.memory_space<vmem>>
      %dma_wait3A_41 = tpu.memref_squeeze %dma_wait3A_40 : memref<1x128xi32, #tpu.memory_space<vmem>> -> memref<128xi32, #tpu.memory_space<vmem>>
      %dma_wait3A_42 = arith.constant 0 : i32
      %dma_wait3A_43 = tpu.memref_slice %arg2[%dma_wait3A_42] : memref<2048000xf32, #tpu.memory_space<hbm>> -> memref<2048000xf32, #tpu.memory_space<hbm>>
      tpu.wait_indirect_dma semaphore(%arg15 : memref<!tpu.dma_semaphore, #tpu.memory_space<semaphore_mem>>) src(%dma_wait3A_43 : memref<2048000xf32, #tpu.memory_space<hbm>>) dst(%dma_wait3A_38 : memref<128xf32, #tpu.memory_space<vmem>>)
      %mul3A_44 = arith.constant 4 : i32
      %mul3A_45 = arith.muli %scan3A_32, %mul3A_44 : i32
      %add3A_46 = arith.constant 1 : i32
      %add3A_47 = arith.addi %mul3A_45, %add3A_46 : i32
      %dma_wait3A_48 = arith.constant 0 : i32
      %dma_wait3A_49 = tpu.memref_slice %arg14[%add3A_47, %dma_wait3A_48] : memref<124x128xf32, #tpu.memory_space<vmem>> -> memref<1x128xf32, #tpu.memory_space<vmem>>
      %dma_wait3A_50 = tpu.memref_squeeze %dma_wait3A_49 : memref<1x128xf32, #tpu.memory_space<vmem>> -> memref<128xf32, #tpu.memory_space<vmem>>
      %dma_wait3A_51 = arith.constant 0 : i32
      %dma_wait3A_52 = tpu.memref_slice %arg13[%add3A_47, %dma_wait3A_51] : memref<124x128xi32, #tpu.memory_space<vmem>> -> memref<1x128xi32, #tpu.memory_space<vmem>>
      %dma_wait3A_53 = tpu.memref_squeeze %dma_wait3A_52 : memref<1x128xi32, #tpu.memory_space<vmem>> -> memref<128xi32, #tpu.memory_space<vmem>>
      %dma_wait3A_54 = arith.constant 0 : i32
      %dma_wait3A_55 = tpu.memref_slice %arg2[%dma_wait3A_54] : memref<2048000xf32, #tpu.memory_space<hbm>> -> memref<2048000xf32, #tpu.memory_space<hbm>>
      tpu.wait_indirect_dma semaphore(%arg15 : memref<!tpu.dma_semaphore, #tpu.memory_space<semaphore_mem>>) src(%dma_wait3A_55 : memref<2048000xf32, #tpu.memory_space<hbm>>) dst(%dma_wait3A_50 : memref<128xf32, #tpu.memory_space<vmem>>)
      %mul3A_56 = arith.constant 4 : i32
      %mul3A_57 = arith.muli %scan3A_32, %mul3A_56 : i32
      %add3A_58 = arith.constant 2 : i32
      %add3A_59 = arith.addi %mul3A_57, %add3A_58 : i32
      %dma_wait3A_60 = arith.constant 0 : i32
      %dma_wait3A_61 = tpu.memref_slice %arg14[%add3A_59, %dma_wait3A_60] : memref<124x128xf32, #tpu.memory_space<vmem>> -> memref<1x128xf32, #tpu.memory_space<vmem>>
      %dma_wait3A_62 = tpu.memref_squeeze %dma_wait3A_61 : memref<1x128xf32, #tpu.memory_space<vmem>> -> memref<128xf32, #tpu.memory_space<vmem>>
      %dma_wait3A_63 = arith.constant 0 : i32
      %dma_wait3A_64 = tpu.memref_slice %arg13[%add3A_59, %dma_wait3A_63] : memref<124x128xi32, #tpu.memory_space<vmem>> -> memref<1x128xi32, #tpu.memory_space<vmem>>
      %dma_wait3A_65 = tpu.memref_squeeze %dma_wait3A_64 : memref<1x128xi32, #tpu.memory_space<vmem>> -> memref<128xi32, #tpu.memory_space<vmem>>
      %dma_wait3A_66 = arith.constant 0 : i32
      %dma_wait3A_67 = tpu.memref_slice %arg2[%dma_wait3A_66] : memref<2048000xf32, #tpu.memory_space<hbm>> -> memref<2048000xf32, #tpu.memory_space<hbm>>
      tpu.wait_indirect_dma semaphore(%arg15 : memref<!tpu.dma_semaphore, #tpu.memory_space<semaphore_mem>>) src(%dma_wait3A_67 : memref<2048000xf32, #tpu.memory_space<hbm>>) dst(%dma_wait3A_62 : memref<128xf32, #tpu.memory_space<vmem>>)
      %mul3A_68 = arith.constant 4 : i32
      %mul3A_69 = arith.muli %scan3A_32, %mul3A_68 : i32
      %add3A_70 = arith.constant 3 : i32
      %add3A_71 = arith.addi %mul3A_69, %add3A_70 : i32
      %dma_wait3A_72 = arith.constant 0 : i32
      %dma_wait3A_73 = tpu.memref_slice %arg14[%add3A_71, %dma_wait3A_72] : memref<124x128xf32, #tpu.memory_space<vmem>> -> memref<1x128xf32, #tpu.memory_space<vmem>>
      %dma_wait3A_74 = tpu.memref_squeeze %dma_wait3A_73 : memref<1x128xf32, #tpu.memory_space<vmem>> -> memref<128xf32, #tpu.memory_space<vmem>>
      %dma_wait3A_75 = arith.constant 0 : i32
      %dma_wait3A_76 = tpu.memref_slice %arg13[%add3A_71, %dma_wait3A_75] : memref<124x128xi32, #tpu.memory_space<vmem>> -> memref<1x128xi32, #tpu.memory_space<vmem>>
      %dma_wait3A_77 = tpu.memref_squeeze %dma_wait3A_76 : memref<1x128xi32, #tpu.memory_space<vmem>> -> memref<128xi32, #tpu.memory_space<vmem>>
      %dma_wait3A_78 = arith.constant 0 : i32
      %dma_wait3A_79 = tpu.memref_slice %arg2[%dma_wait3A_78] : memref<2048000xf32, #tpu.memory_space<hbm>> -> memref<2048000xf32, #tpu.memory_space<hbm>>
      tpu.wait_indirect_dma semaphore(%arg15 : memref<!tpu.dma_semaphore, #tpu.memory_space<semaphore_mem>>) src(%dma_wait3A_79 : memref<2048000xf32, #tpu.memory_space<hbm>>) dst(%dma_wait3A_74 : memref<128xf32, #tpu.memory_space<vmem>>)
    }
    %scan3A_31 = arith.constant 31 : i32
    "tpu.trace_stop"() : () -> ()
    "tpu.trace_start"() <{level = 10 : i32, message = "ph_out"}> : () -> ()
    "tpu.region"() ({
      %run_scoped3A = tpu.sem_alloc : memref<!tpu.dma_semaphore, #tpu.memory_space<semaphore_mem>>
      %dma_start3A = arith.constant 0 : i32
      %dma_start3A_32 = arith.constant 0 : i32
      %dma_start3A_33 = tpu.memref_slice %arg7[%add3A, %dma_start3A, %dma_start3A_32] : memref<32x124x128xf32, #tpu.memory_space<hbm>> -> memref<1x124x128xf32, #tpu.memory_space<hbm>>
      %dma_start3A_34 = tpu.memref_squeeze %dma_start3A_33 : memref<1x124x128xf32, #tpu.memory_space<hbm>> -> memref<124x128xf32, #tpu.memory_space<hbm>>
      %dma_start3A_35 = arith.constant 0 : i32
      %dma_start3A_36 = arith.constant 0 : i32
      %dma_start3A_37 = tpu.memref_slice %arg7[%add3A, %dma_start3A_35, %dma_start3A_36] : memref<32x124x128xf32, #tpu.memory_space<hbm>> -> memref<1x124x128xf32, #tpu.memory_space<hbm>>
      %dma_start3A_38 = tpu.memref_squeeze %dma_start3A_37 : memref<1x124x128xf32, #tpu.memory_space<hbm>> -> memref<124x128xf32, #tpu.memory_space<hbm>>
      tpu.enqueue_dma source(%arg14 : memref<124x128xf32, #tpu.memory_space<vmem>>) target(%dma_start3A_38 : memref<124x128xf32, #tpu.memory_space<hbm>>) target_semaphore(%run_scoped3A : memref<!tpu.dma_semaphore, #tpu.memory_space<semaphore_mem>>)
      %dma_wait3A = arith.constant 0 : i32
      %dma_wait3A_39 = arith.constant 0 : i32
      %dma_wait3A_40 = tpu.memref_slice %arg7[%add3A, %dma_wait3A, %dma_wait3A_39] : memref<32x124x128xf32, #tpu.memory_space<hbm>> -> memref<1x124x128xf32, #tpu.memory_space<hbm>>
      %dma_wait3A_41 = tpu.memref_squeeze %dma_wait3A_40 : memref<1x124x128xf32, #tpu.memory_space<hbm>> -> memref<124x128xf32, #tpu.memory_space<hbm>>
      %dma_wait3A_42 = arith.constant 0 : i32
      %dma_wait3A_43 = arith.constant 0 : i32
      %dma_wait3A_44 = tpu.memref_slice %arg7[%add3A, %dma_wait3A_42, %dma_wait3A_43] : memref<32x124x128xf32, #tpu.memory_space<hbm>> -> memref<1x124x128xf32, #tpu.memory_space<hbm>>
      %dma_wait3A_45 = tpu.memref_squeeze %dma_wait3A_44 : memref<1x124x128xf32, #tpu.memory_space<hbm>> -> memref<124x128xf32, #tpu.memory_space<hbm>>
      tpu.wait_dma2 semaphore(%run_scoped3A : memref<!tpu.dma_semaphore, #tpu.memory_space<semaphore_mem>>) src(%arg14 : memref<124x128xf32, #tpu.memory_space<vmem>>) dst(%dma_wait3A_45 : memref<124x128xf32, #tpu.memory_space<hbm>>)
      tpu.yield
    }) : () -> ()
    "tpu.trace_stop"() : () -> ()
    return
  }
}

module attributes {stable_mosaic.version = 14 : i64} {
  func.func @_heights_body(%arg0: i32, %arg1: memref<256xi32, #tpu.memory_space<smem>>, %arg2: memref<1x1x500xf32, #tpu.memory_space<vmem>>, %arg3: memref<1x1x500xf32, #tpu.memory_space<vmem>>, %arg4: memref<1x1x500xf32, #tpu.memory_space<vmem>>, %arg5: memref<1x1x500xf32, #tpu.memory_space<vmem>>, %arg6: memref<1x1x500xf32, #tpu.memory_space<vmem>>, %arg7: memref<1x1x500xf32, #tpu.memory_space<vmem>>, %arg8: memref<1x1x500xf32, #tpu.memory_space<vmem>>, %arg9: memref<1x1x500xf32, #tpu.memory_space<vmem>>, %arg10: memref<1x1x500xf32, #tpu.memory_space<vmem>>, %arg11: memref<1x1x500xf32, #tpu.memory_space<vmem>>, %arg12: memref<1x1x500xf32, #tpu.memory_space<vmem>>, %arg13: memref<1x1x500xf32, #tpu.memory_space<vmem>>, %arg14: memref<1x1x500xf32, #tpu.memory_space<vmem>>, %arg15: memref<1x1x500xf32, #tpu.memory_space<vmem>>, %arg16: memref<1x1x500xf32, #tpu.memory_space<vmem>>, %arg17: memref<1x1x500xf32, #tpu.memory_space<vmem>>, %arg18: memref<1x1x500xf32, #tpu.memory_space<vmem>>, %arg19: memref<1x1x500xf32, #tpu.memory_space<vmem>>, %arg20: memref<1x1x500xf32, #tpu.memory_space<vmem>>, %arg21: memref<1x1x500xf32, #tpu.memory_space<vmem>>, %arg22: memref<1x1x500xf32, #tpu.memory_space<vmem>>, %arg23: memref<1x1x500xf32, #tpu.memory_space<vmem>>, %arg24: memref<1x1x500xf32, #tpu.memory_space<vmem>>, %arg25: memref<1x1x500xf32, #tpu.memory_space<vmem>>, %arg26: memref<1x1x500xf32, #tpu.memory_space<vmem>>, %arg27: memref<1x1x500xf32, #tpu.memory_space<vmem>>, %arg28: memref<1x1x500xf32, #tpu.memory_space<vmem>>, %arg29: memref<1x1x500xf32, #tpu.memory_space<vmem>>, %arg30: memref<1x1x500xf32, #tpu.memory_space<vmem>>, %arg31: memref<1x1x500xf32, #tpu.memory_space<vmem>>, %arg32: memref<1x1x500xf32, #tpu.memory_space<vmem>>, %arg33: memref<1x1x500xf32, #tpu.memory_space<vmem>>, %arg34: memref<1x16x500xf32, #tpu.memory_space<vmem>>, %arg35: memref<1x16x500xf32, #tpu.memory_space<vmem>>, %arg36: memref<1x16x500xf32, #tpu.memory_space<vmem>>, %arg37: memref<1x16x500xf32, #tpu.memory_space<vmem>>, %arg38: memref<1x16x500xf32, #tpu.memory_space<vmem>>, %arg39: memref<1x16x500xf32, #tpu.memory_space<vmem>>, %arg40: memref<1x16x500xf32, #tpu.memory_space<vmem>>, %arg41: memref<1x16x500xf32, #tpu.memory_space<vmem>>, %arg42: memref<1x16x500xf32, #tpu.memory_space<vmem>>, %arg43: memref<1x16x500xf32, #tpu.memory_space<vmem>>, %arg44: memref<1x16x500xf32, #tpu.memory_space<vmem>>, %arg45: memref<1x16x500xf32, #tpu.memory_space<vmem>>, %arg46: memref<1x16x500xf32, #tpu.memory_space<vmem>>, %arg47: memref<1x16x500xf32, #tpu.memory_space<vmem>>, %arg48: memref<1x16x500xf32, #tpu.memory_space<vmem>>, %arg49: memref<1x16x500xf32, #tpu.memory_space<vmem>>, %arg50: memref<1x16x500xf32, #tpu.memory_space<vmem>>, %arg51: memref<1x16x500xf32, #tpu.memory_space<vmem>>, %arg52: memref<1x16x500xf32, #tpu.memory_space<vmem>>, %arg53: memref<1x16x500xf32, #tpu.memory_space<vmem>>, %arg54: memref<1x16x500xf32, #tpu.memory_space<vmem>>, %arg55: memref<1x16x500xf32, #tpu.memory_space<vmem>>, %arg56: memref<1x16x500xf32, #tpu.memory_space<vmem>>, %arg57: memref<1x16x500xf32, #tpu.memory_space<vmem>>, %arg58: memref<1x16x500xf32, #tpu.memory_space<vmem>>, %arg59: memref<1x16x500xf32, #tpu.memory_space<vmem>>, %arg60: memref<1x16x500xf32, #tpu.memory_space<vmem>>, %arg61: memref<1x16x500xf32, #tpu.memory_space<vmem>>, %arg62: memref<1x16x500xf32, #tpu.memory_space<vmem>>, %arg63: memref<1x16x500xf32, #tpu.memory_space<vmem>>, %arg64: memref<1x16x500xf32, #tpu.memory_space<vmem>>, %arg65: memref<1x16x500xf32, #tpu.memory_space<vmem>>, %arg66: memref<32x16x500xf32, #tpu.memory_space<vmem>>) attributes {dimension_semantics = [#tpu.dimension_semantics<arbitrary>], iteration_bounds = array<i64: 8>, scalar_prefetch = 1 : i64, scratch_operands = 0 : i64, tpu.core_type = #tpu.core_type<tc>, window_params = [{transform_indices = @transform_0, window_bounds = array<i64: 1, 1, 500>}, {transform_indices = @transform_1, window_bounds = array<i64: 1, 1, 500>}, {transform_indices = @transform_2, window_bounds = array<i64: 1, 1, 500>}, {transform_indices = @transform_3, window_bounds = array<i64: 1, 1, 500>}, {transform_indices = @transform_4, window_bounds = array<i64: 1, 1, 500>}, {transform_indices = @transform_5, window_bounds = array<i64: 1, 1, 500>}, {transform_indices = @transform_6, window_bounds = array<i64: 1, 1, 500>}, {transform_indices = @transform_7, window_bounds = array<i64: 1, 1, 500>}, {transform_indices = @transform_8, window_bounds = array<i64: 1, 1, 500>}, {transform_indices = @transform_9, window_bounds = array<i64: 1, 1, 500>}, {transform_indices = @transform_10, window_bounds = array<i64: 1, 1, 500>}, {transform_indices = @transform_11, window_bounds = array<i64: 1, 1, 500>}, {transform_indices = @transform_12, window_bounds = array<i64: 1, 1, 500>}, {transform_indices = @transform_13, window_bounds = array<i64: 1, 1, 500>}, {transform_indices = @transform_14, window_bounds = array<i64: 1, 1, 500>}, {transform_indices = @transform_15, window_bounds = array<i64: 1, 1, 500>}, {transform_indices = @transform_16, window_bounds = array<i64: 1, 1, 500>}, {transform_indices = @transform_17, window_bounds = array<i64: 1, 1, 500>}, {transform_indices = @transform_18, window_bounds = array<i64: 1, 1, 500>}, {transform_indices = @transform_19, window_bounds = array<i64: 1, 1, 500>}, {transform_indices = @transform_20, window_bounds = array<i64: 1, 1, 500>}, {transform_indices = @transform_21, window_bounds = array<i64: 1, 1, 500>}, {transform_indices = @transform_22, window_bounds = array<i64: 1, 1, 500>}, {transform_indices = @transform_23, window_bounds = array<i64: 1, 1, 500>}, {transform_indices = @transform_24, window_bounds = array<i64: 1, 1, 500>}, {transform_indices = @transform_25, window_bounds = array<i64: 1, 1, 500>}, {transform_indices = @transform_26, window_bounds = array<i64: 1, 1, 500>}, {transform_indices = @transform_27, window_bounds = array<i64: 1, 1, 500>}, {transform_indices = @transform_28, window_bounds = array<i64: 1, 1, 500>}, {transform_indices = @transform_29, window_bounds = array<i64: 1, 1, 500>}, {transform_indices = @transform_30, window_bounds = array<i64: 1, 1, 500>}, {transform_indices = @transform_31, window_bounds = array<i64: 1, 1, 500>}, {transform_indices = @transform_32, window_bounds = array<i64: 1, 16, 500>}, {transform_indices = @transform_33, window_bounds = array<i64: 1, 16, 500>}, {transform_indices = @transform_34, window_bounds = array<i64: 1, 16, 500>}, {transform_indices = @transform_35, window_bounds = array<i64: 1, 16, 500>}, {transform_indices = @transform_36, window_bounds = array<i64: 1, 16, 500>}, {transform_indices = @transform_37, window_bounds = array<i64: 1, 16, 500>}, {transform_indices = @transform_38, window_bounds = array<i64: 1, 16, 500>}, {transform_indices = @transform_39, window_bounds = array<i64: 1, 16, 500>}, {transform_indices = @transform_40, window_bounds = array<i64: 1, 16, 500>}, {transform_indices = @transform_41, window_bounds = array<i64: 1, 16, 500>}, {transform_indices = @transform_42, window_bounds = array<i64: 1, 16, 500>}, {transform_indices = @transform_43, window_bounds = array<i64: 1, 16, 500>}, {transform_indices = @transform_44, window_bounds = array<i64: 1, 16, 500>}, {transform_indices = @transform_45, window_bounds = array<i64: 1, 16, 500>}, {transform_indices = @transform_46, window_bounds = array<i64: 1, 16, 500>}, {transform_indices = @transform_47, window_bounds = array<i64: 1, 16, 500>}, {transform_indices = @transform_48, window_bounds = array<i64: 1, 16, 500>}, {transform_indices = @transform_49, window_bounds = array<i64: 1, 16, 500>}, {transform_indices = @transform_50, window_bounds = array<i64: 1, 16, 500>}, {transform_indices = @transform_51, window_bounds = array<i64: 1, 16, 500>}, {transform_indices = @transform_52, window_bounds = array<i64: 1, 16, 500>}, {transform_indices = @transform_53, window_bounds = array<i64: 1, 16, 500>}, {transform_indices = @transform_54, window_bounds = array<i64: 1, 16, 500>}, {transform_indices = @transform_55, window_bounds = array<i64: 1, 16, 500>}, {transform_indices = @transform_56, window_bounds = array<i64: 1, 16, 500>}, {transform_indices = @transform_57, window_bounds = array<i64: 1, 16, 500>}, {transform_indices = @transform_58, window_bounds = array<i64: 1, 16, 500>}, {transform_indices = @transform_59, window_bounds = array<i64: 1, 16, 500>}, {transform_indices = @transform_60, window_bounds = array<i64: 1, 16, 500>}, {transform_indices = @transform_61, window_bounds = array<i64: 1, 16, 500>}, {transform_indices = @transform_62, window_bounds = array<i64: 1, 16, 500>}, {transform_indices = @transform_63, window_bounds = array<i64: 1, 16, 500>}, {transform_indices = @transform_64, window_bounds = array<i64: 32, 16, 500>}]} {
    %get3A = arith.constant 0 : index
    %get3A_0 = arith.constant 0 : index
    %get3A_1 = arith.constant 0 : index
    %get3A_2 = vector.load %arg2[%get3A, %get3A_0, %get3A_1] : memref<1x1x500xf32, #tpu.memory_space<vmem>>, vector<1x1x500xf32>
    %get3A_3 = vector.shape_cast %get3A_2 : vector<1x1x500xf32> to vector<1x500xf32>
    %get3A_4 = arith.constant 0 : index
    %get3A_5 = arith.constant 0 : index
    %get3A_6 = arith.constant 0 : index
    %get3A_7 = vector.load %arg34[%get3A_4, %get3A_5, %get3A_6] : memref<1x16x500xf32, #tpu.memory_space<vmem>>, vector<1x16x500xf32>
    %get3A_8 = vector.shape_cast %get3A_7 : vector<1x16x500xf32> to vector<16x500xf32>
    %add3A = vector.broadcast %get3A_3 : vector<1x500xf32> to vector<16x500xf32>
    %add3A_9 = arith.addf %add3A, %get3A_8 : vector<16x500xf32>
    %reduce_max3A = arith.constant dense<0xFF800000> : vector<16xf32>
    %reduce_max3A_10 = vector.multi_reduction <maximumf>, %add3A_9, %reduce_max3A [1] : vector<16x500xf32> to vector<16xf32>
    %broadcast_in_dim3A = vector.shape_cast %reduce_max3A_10 : vector<16xf32> to vector<16x1xf32>
    %sub3A = vector.broadcast %broadcast_in_dim3A : vector<16x1xf32> to vector<16x500xf32>
    %sub3A_11 = arith.subf %add3A_9, %sub3A : vector<16x500xf32>
    %exp3A = math.exp %sub3A_11 : vector<16x500xf32>
    %reduce_sum3A = arith.constant dense<0.000000e+00> : vector<16xf32>
    %reduce_sum3A_12 = vector.multi_reduction <add>, %exp3A, %reduce_sum3A [1] : vector<16x500xf32> to vector<16xf32>
    %broadcast_in_dim3A_13 = vector.shape_cast %reduce_sum3A_12 : vector<16xf32> to vector<16x1xf32>
    %log3A = math.log %broadcast_in_dim3A_13 : vector<16x1xf32>
    %add3A_14 = arith.addf %log3A, %broadcast_in_dim3A : vector<16x1xf32>
    %sub3A_15 = vector.broadcast %add3A_14 : vector<16x1xf32> to vector<16x500xf32>
    %sub3A_16 = arith.subf %add3A_9, %sub3A_15 : vector<16x500xf32>
    %sub3A_17 = arith.constant 5.29831743 : f32
    %sub3A_18 = vector.broadcast %sub3A_17 : f32 to vector<16x500xf32>
    %sub3A_19 = arith.subf %sub3A_16, %sub3A_18 : vector<16x500xf32>
    %swap3A = arith.constant 0 : index
    %swap3A_20 = arith.constant 0 : index
    %swap3A_21 = arith.constant 0 : index
    %swap3A_22 = vector.load %arg66[%swap3A, %swap3A_20, %swap3A_21] : memref<32x16x500xf32, #tpu.memory_space<vmem>>, vector<1x16x500xf32>
    %swap3A_23 = vector.shape_cast %swap3A_22 : vector<1x16x500xf32> to vector<16x500xf32>
    %swap3A_24 = vector.shape_cast %sub3A_19 : vector<16x500xf32> to vector<1x16x500xf32>
    tpu.vector_store %arg66[%swap3A, %swap3A_20, %swap3A_21], %swap3A_24 {strides = array<i32>} : memref<32x16x500xf32, #tpu.memory_space<vmem>>, vector<1x16x500xf32>,
    %get3A_25 = arith.constant 0 : index
    %get3A_26 = arith.constant 0 : index
    %get3A_27 = arith.constant 0 : index
    %get3A_28 = vector.load %arg3[%get3A_25, %get3A_26, %get3A_27] : memref<1x1x500xf32, #tpu.memory_space<vmem>>, vector<1x1x500xf32>
    %get3A_29 = vector.shape_cast %get3A_28 : vector<1x1x500xf32> to vector<1x500xf32>
    %get3A_30 = arith.constant 0 : index
    %get3A_31 = arith.constant 0 : index
    %get3A_32 = arith.constant 0 : index
    %get3A_33 = vector.load %arg35[%get3A_30, %get3A_31, %get3A_32] : memref<1x16x500xf32, #tpu.memory_space<vmem>>, vector<1x16x500xf32>
    %get3A_34 = vector.shape_cast %get3A_33 : vector<1x16x500xf32> to vector<16x500xf32>
    %add3A_35 = vector.broadcast %get3A_29 : vector<1x500xf32> to vector<16x500xf32>
    %add3A_36 = arith.addf %add3A_35, %get3A_34 : vector<16x500xf32>
    %reduce_max3A_37 = arith.constant dense<0xFF800000> : vector<16xf32>
    %reduce_max3A_38 = vector.multi_reduction <maximumf>, %add3A_36, %reduce_max3A_37 [1] : vector<16x500xf32> to vector<16xf32>
    %broadcast_in_dim3A_39 = vector.shape_cast %reduce_max3A_38 : vector<16xf32> to vector<16x1xf32>
    %sub3A_40 = vector.broadcast %broadcast_in_dim3A_39 : vector<16x1xf32> to vector<16x500xf32>
    %sub3A_41 = arith.subf %add3A_36, %sub3A_40 : vector<16x500xf32>
    %exp3A_42 = math.exp %sub3A_41 : vector<16x500xf32>
    %reduce_sum3A_43 = arith.constant dense<0.000000e+00> : vector<16xf32>
    %reduce_sum3A_44 = vector.multi_reduction <add>, %exp3A_42, %reduce_sum3A_43 [1] : vector<16x500xf32> to vector<16xf32>
    %broadcast_in_dim3A_45 = vector.shape_cast %reduce_sum3A_44 : vector<16xf32> to vector<16x1xf32>
    %log3A_46 = math.log %broadcast_in_dim3A_45 : vector<16x1xf32>
    %add3A_47 = arith.addf %log3A_46, %broadcast_in_dim3A_39 : vector<16x1xf32>
    %sub3A_48 = vector.broadcast %add3A_47 : vector<16x1xf32> to vector<16x500xf32>
    %sub3A_49 = arith.subf %add3A_36, %sub3A_48 : vector<16x500xf32>
    %sub3A_50 = arith.constant 5.29831743 : f32
    %sub3A_51 = vector.broadcast %sub3A_50 : f32 to vector<16x500xf32>
    %sub3A_52 = arith.subf %sub3A_49, %sub3A_51 : vector<16x500xf32>
    %swap3A_53 = arith.constant 1 : index
    %swap3A_54 = arith.constant 0 : index
    %swap3A_55 = arith.constant 0 : index
    %swap3A_56 = vector.load %arg66[%swap3A_53, %swap3A_54, %swap3A_55] : memref<32x16x500xf32, #tpu.memory_space<vmem>>, vector<1x16x500xf32>
    %swap3A_57 = vector.shape_cast %swap3A_56 : vector<1x16x500xf32> to vector<16x500xf32>
    %swap3A_58 = vector.shape_cast %sub3A_52 : vector<16x500xf32> to vector<1x16x500xf32>
    tpu.vector_store %arg66[%swap3A_53, %swap3A_54, %swap3A_55], %swap3A_58 {strides = array<i32>} : memref<32x16x500xf32, #tpu.memory_space<vmem>>, vector<1x16x500xf32>,
    %get3A_59 = arith.constant 0 : index
    %get3A_60 = arith.constant 0 : index
    %get3A_61 = arith.constant 0 : index
    %get3A_62 = vector.load %arg4[%get3A_59, %get3A_60, %get3A_61] : memref<1x1x500xf32, #tpu.memory_space<vmem>>, vector<1x1x500xf32>
    %get3A_63 = vector.shape_cast %get3A_62 : vector<1x1x500xf32> to vector<1x500xf32>
    %get3A_64 = arith.constant 0 : index
    %get3A_65 = arith.constant 0 : index
    %get3A_66 = arith.constant 0 : index
    %get3A_67 = vector.load %arg36[%get3A_64, %get3A_65, %get3A_66] : memref<1x16x500xf32, #tpu.memory_space<vmem>>, vector<1x16x500xf32>
    %get3A_68 = vector.shape_cast %get3A_67 : vector<1x16x500xf32> to vector<16x500xf32>
    %add3A_69 = vector.broadcast %get3A_63 : vector<1x500xf32> to vector<16x500xf32>
    %add3A_70 = arith.addf %add3A_69, %get3A_68 : vector<16x500xf32>
    %reduce_max3A_71 = arith.constant dense<0xFF800000> : vector<16xf32>
    %reduce_max3A_72 = vector.multi_reduction <maximumf>, %add3A_70, %reduce_max3A_71 [1] : vector<16x500xf32> to vector<16xf32>
    %broadcast_in_dim3A_73 = vector.shape_cast %reduce_max3A_72 : vector<16xf32> to vector<16x1xf32>
    %sub3A_74 = vector.broadcast %broadcast_in_dim3A_73 : vector<16x1xf32> to vector<16x500xf32>
    %sub3A_75 = arith.subf %add3A_70, %sub3A_74 : vector<16x500xf32>
    %exp3A_76 = math.exp %sub3A_75 : vector<16x500xf32>
    %reduce_sum3A_77 = arith.constant dense<0.000000e+00> : vector<16xf32>
    %reduce_sum3A_78 = vector.multi_reduction <add>, %exp3A_76, %reduce_sum3A_77 [1] : vector<16x500xf32> to vector<16xf32>
    %broadcast_in_dim3A_79 = vector.shape_cast %reduce_sum3A_78 : vector<16xf32> to vector<16x1xf32>
    %log3A_80 = math.log %broadcast_in_dim3A_79 : vector<16x1xf32>
    %add3A_81 = arith.addf %log3A_80, %broadcast_in_dim3A_73 : vector<16x1xf32>
    %sub3A_82 = vector.broadcast %add3A_81 : vector<16x1xf32> to vector<16x500xf32>
    %sub3A_83 = arith.subf %add3A_70, %sub3A_82 : vector<16x500xf32>
    %sub3A_84 = arith.constant 5.29831743 : f32
    %sub3A_85 = vector.broadcast %sub3A_84 : f32 to vector<16x500xf32>
    %sub3A_86 = arith.subf %sub3A_83, %sub3A_85 : vector<16x500xf32>
    %swap3A_87 = arith.constant 2 : index
    %swap3A_88 = arith.constant 0 : index
    %swap3A_89 = arith.constant 0 : index
    %swap3A_90 = vector.load %arg66[%swap3A_87, %swap3A_88, %swap3A_89] : memref<32x16x500xf32, #tpu.memory_space<vmem>>, vector<1x16x500xf32>
    %swap3A_91 = vector.shape_cast %swap3A_90 : vector<1x16x500xf32> to vector<16x500xf32>
    %swap3A_92 = vector.shape_cast %sub3A_86 : vector<16x500xf32> to vector<1x16x500xf32>
    tpu.vector_store %arg66[%swap3A_87, %swap3A_88, %swap3A_89], %swap3A_92 {strides = array<i32>} : memref<32x16x500xf32, #tpu.memory_space<vmem>>, vector<1x16x500xf32>,
    %get3A_93 = arith.constant 0 : index
    %get3A_94 = arith.constant 0 : index
    %get3A_95 = arith.constant 0 : index
    %get3A_96 = vector.load %arg5[%get3A_93, %get3A_94, %get3A_95] : memref<1x1x500xf32, #tpu.memory_space<vmem>>, vector<1x1x500xf32>
    %get3A_97 = vector.shape_cast %get3A_96 : vector<1x1x500xf32> to vector<1x500xf32>
    %get3A_98 = arith.constant 0 : index
    %get3A_99 = arith.constant 0 : index
    %get3A_100 = arith.constant 0 : index
    %get3A_101 = vector.load %arg37[%get3A_98, %get3A_99, %get3A_100] : memref<1x16x500xf32, #tpu.memory_space<vmem>>, vector<1x16x500xf32>
    %get3A_102 = vector.shape_cast %get3A_101 : vector<1x16x500xf32> to vector<16x500xf32>
    %add3A_103 = vector.broadcast %get3A_97 : vector<1x500xf32> to vector<16x500xf32>
    %add3A_104 = arith.addf %add3A_103, %get3A_102 : vector<16x500xf32>
    %reduce_max3A_105 = arith.constant dense<0xFF800000> : vector<16xf32>
    %reduce_max3A_106 = vector.multi_reduction <maximumf>, %add3A_104, %reduce_max3A_105 [1] : vector<16x500xf32> to vector<16xf32>
    %broadcast_in_dim3A_107 = vector.shape_cast %reduce_max3A_106 : vector<16xf32> to vector<16x1xf32>
    %sub3A_108 = vector.broadcast %broadcast_in_dim3A_107 : vector<16x1xf32> to vector<16x500xf32>
    %sub3A_109 = arith.subf %add3A_104, %sub3A_108 : vector<16x500xf32>
    %exp3A_110 = math.exp %sub3A_109 : vector<16x500xf32>
    %reduce_sum3A_111 = arith.constant dense<0.000000e+00> : vector<16xf32>
    %reduce_sum3A_112 = vector.multi_reduction <add>, %exp3A_110, %reduce_sum3A_111 [1] : vector<16x500xf32> to vector<16xf32>
    %broadcast_in_dim3A_113 = vector.shape_cast %reduce_sum3A_112 : vector<16xf32> to vector<16x1xf32>
    %log3A_114 = math.log %broadcast_in_dim3A_113 : vector<16x1xf32>
    %add3A_115 = arith.addf %log3A_114, %broadcast_in_dim3A_107 : vector<16x1xf32>
    %sub3A_116 = vector.broadcast %add3A_115 : vector<16x1xf32> to vector<16x500xf32>
    %sub3A_117 = arith.subf %add3A_104, %sub3A_116 : vector<16x500xf32>
    %sub3A_118 = arith.constant 5.29831743 : f32
    %sub3A_119 = vector.broadcast %sub3A_118 : f32 to vector<16x500xf32>
    %sub3A_120 = arith.subf %sub3A_117, %sub3A_119 : vector<16x500xf32>
    %swap3A_121 = arith.constant 3 : index
    %swap3A_122 = arith.constant 0 : index
    %swap3A_123 = arith.constant 0 : index
    %swap3A_124 = vector.load %arg66[%swap3A_121, %swap3A_122, %swap3A_123] : memref<32x16x500xf32, #tpu.memory_space<vmem>>, vector<1x16x500xf32>
    %swap3A_125 = vector.shape_cast %swap3A_124 : vector<1x16x500xf32> to vector<16x500xf32>
    %swap3A_126 = vector.shape_cast %sub3A_120 : vector<16x500xf32> to vector<1x16x500xf32>
    tpu.vector_store %arg66[%swap3A_121, %swap3A_122, %swap3A_123], %swap3A_126 {strides = array<i32>} : memref<32x16x500xf32, #tpu.memory_space<vmem>>, vector<1x16x500xf32>,
    %get3A_127 = arith.constant 0 : index
    %get3A_128 = arith.constant 0 : index
    %get3A_129 = arith.constant 0 : index
    %get3A_130 = vector.load %arg6[%get3A_127, %get3A_128, %get3A_129] : memref<1x1x500xf32, #tpu.memory_space<vmem>>, vector<1x1x500xf32>
    %get3A_131 = vector.shape_cast %get3A_130 : vector<1x1x500xf32> to vector<1x500xf32>
    %get3A_132 = arith.constant 0 : index
    %get3A_133 = arith.constant 0 : index
    %get3A_134 = arith.constant 0 : index
    %get3A_135 = vector.load %arg38[%get3A_132, %get3A_133, %get3A_134] : memref<1x16x500xf32, #tpu.memory_space<vmem>>, vector<1x16x500xf32>
    %get3A_136 = vector.shape_cast %get3A_135 : vector<1x16x500xf32> to vector<16x500xf32>
    %add3A_137 = vector.broadcast %get3A_131 : vector<1x500xf32> to vector<16x500xf32>
    %add3A_138 = arith.addf %add3A_137, %get3A_136 : vector<16x500xf32>
    %reduce_max3A_139 = arith.constant dense<0xFF800000> : vector<16xf32>
    %reduce_max3A_140 = vector.multi_reduction <maximumf>, %add3A_138, %reduce_max3A_139 [1] : vector<16x500xf32> to vector<16xf32>
    %broadcast_in_dim3A_141 = vector.shape_cast %reduce_max3A_140 : vector<16xf32> to vector<16x1xf32>
    %sub3A_142 = vector.broadcast %broadcast_in_dim3A_141 : vector<16x1xf32> to vector<16x500xf32>
    %sub3A_143 = arith.subf %add3A_138, %sub3A_142 : vector<16x500xf32>
    %exp3A_144 = math.exp %sub3A_143 : vector<16x500xf32>
    %reduce_sum3A_145 = arith.constant dense<0.000000e+00> : vector<16xf32>
    %reduce_sum3A_146 = vector.multi_reduction <add>, %exp3A_144, %reduce_sum3A_145 [1] : vector<16x500xf32> to vector<16xf32>
    %broadcast_in_dim3A_147 = vector.shape_cast %reduce_sum3A_146 : vector<16xf32> to vector<16x1xf32>
    %log3A_148 = math.log %broadcast_in_dim3A_147 : vector<16x1xf32>
    %add3A_149 = arith.addf %log3A_148, %broadcast_in_dim3A_141 : vector<16x1xf32>
    %sub3A_150 = vector.broadcast %add3A_149 : vector<16x1xf32> to vector<16x500xf32>
    %sub3A_151 = arith.subf %add3A_138, %sub3A_150 : vector<16x500xf32>
    %sub3A_152 = arith.constant 5.29831743 : f32
    %sub3A_153 = vector.broadcast %sub3A_152 : f32 to vector<16x500xf32>
    %sub3A_154 = arith.subf %sub3A_151, %sub3A_153 : vector<16x500xf32>
    %swap3A_155 = arith.constant 4 : index
    %swap3A_156 = arith.constant 0 : index
    %swap3A_157 = arith.constant 0 : index
    %swap3A_158 = vector.load %arg66[%swap3A_155, %swap3A_156, %swap3A_157] : memref<32x16x500xf32, #tpu.memory_space<vmem>>, vector<1x16x500xf32>
    %swap3A_159 = vector.shape_cast %swap3A_158 : vector<1x16x500xf32> to vector<16x500xf32>
    %swap3A_160 = vector.shape_cast %sub3A_154 : vector<16x500xf32> to vector<1x16x500xf32>
    tpu.vector_store %arg66[%swap3A_155, %swap3A_156, %swap3A_157], %swap3A_160 {strides = array<i32>} : memref<32x16x500xf32, #tpu.memory_space<vmem>>, vector<1x16x500xf32>,
    %get3A_161 = arith.constant 0 : index
    %get3A_162 = arith.constant 0 : index
    %get3A_163 = arith.constant 0 : index
    %get3A_164 = vector.load %arg7[%get3A_161, %get3A_162, %get3A_163] : memref<1x1x500xf32, #tpu.memory_space<vmem>>, vector<1x1x500xf32>
    %get3A_165 = vector.shape_cast %get3A_164 : vector<1x1x500xf32> to vector<1x500xf32>
    %get3A_166 = arith.constant 0 : index
    %get3A_167 = arith.constant 0 : index
    %get3A_168 = arith.constant 0 : index
    %get3A_169 = vector.load %arg39[%get3A_166, %get3A_167, %get3A_168] : memref<1x16x500xf32, #tpu.memory_space<vmem>>, vector<1x16x500xf32>
    %get3A_170 = vector.shape_cast %get3A_169 : vector<1x16x500xf32> to vector<16x500xf32>
    %add3A_171 = vector.broadcast %get3A_165 : vector<1x500xf32> to vector<16x500xf32>
    %add3A_172 = arith.addf %add3A_171, %get3A_170 : vector<16x500xf32>
    %reduce_max3A_173 = arith.constant dense<0xFF800000> : vector<16xf32>
    %reduce_max3A_174 = vector.multi_reduction <maximumf>, %add3A_172, %reduce_max3A_173 [1] : vector<16x500xf32> to vector<16xf32>
    %broadcast_in_dim3A_175 = vector.shape_cast %reduce_max3A_174 : vector<16xf32> to vector<16x1xf32>
    %sub3A_176 = vector.broadcast %broadcast_in_dim3A_175 : vector<16x1xf32> to vector<16x500xf32>
    %sub3A_177 = arith.subf %add3A_172, %sub3A_176 : vector<16x500xf32>
    %exp3A_178 = math.exp %sub3A_177 : vector<16x500xf32>
    %reduce_sum3A_179 = arith.constant dense<0.000000e+00> : vector<16xf32>
    %reduce_sum3A_180 = vector.multi_reduction <add>, %exp3A_178, %reduce_sum3A_179 [1] : vector<16x500xf32> to vector<16xf32>
    %broadcast_in_dim3A_181 = vector.shape_cast %reduce_sum3A_180 : vector<16xf32> to vector<16x1xf32>
    %log3A_182 = math.log %broadcast_in_dim3A_181 : vector<16x1xf32>
    %add3A_183 = arith.addf %log3A_182, %broadcast_in_dim3A_175 : vector<16x1xf32>
    %sub3A_184 = vector.broadcast %add3A_183 : vector<16x1xf32> to vector<16x500xf32>
    %sub3A_185 = arith.subf %add3A_172, %sub3A_184 : vector<16x500xf32>
    %sub3A_186 = arith.constant 5.29831743 : f32
    %sub3A_187 = vector.broadcast %sub3A_186 : f32 to vector<16x500xf32>
    %sub3A_188 = arith.subf %sub3A_185, %sub3A_187 : vector<16x500xf32>
    %swap3A_189 = arith.constant 5 : index
    %swap3A_190 = arith.constant 0 : index
    %swap3A_191 = arith.constant 0 : index
    %swap3A_192 = vector.load %arg66[%swap3A_189, %swap3A_190, %swap3A_191] : memref<32x16x500xf32, #tpu.memory_space<vmem>>, vector<1x16x500xf32>
    %swap3A_193 = vector.shape_cast %swap3A_192 : vector<1x16x500xf32> to vector<16x500xf32>
    %swap3A_194 = vector.shape_cast %sub3A_188 : vector<16x500xf32> to vector<1x16x500xf32>
    tpu.vector_store %arg66[%swap3A_189, %swap3A_190, %swap3A_191], %swap3A_194 {strides = array<i32>} : memref<32x16x500xf32, #tpu.memory_space<vmem>>, vector<1x16x500xf32>,
    %get3A_195 = arith.constant 0 : index
    %get3A_196 = arith.constant 0 : index
    %get3A_197 = arith.constant 0 : index
    %get3A_198 = vector.load %arg8[%get3A_195, %get3A_196, %get3A_197] : memref<1x1x500xf32, #tpu.memory_space<vmem>>, vector<1x1x500xf32>
    %get3A_199 = vector.shape_cast %get3A_198 : vector<1x1x500xf32> to vector<1x500xf32>
    %get3A_200 = arith.constant 0 : index
    %get3A_201 = arith.constant 0 : index
    %get3A_202 = arith.constant 0 : index
    %get3A_203 = vector.load %arg40[%get3A_200, %get3A_201, %get3A_202] : memref<1x16x500xf32, #tpu.memory_space<vmem>>, vector<1x16x500xf32>
    %get3A_204 = vector.shape_cast %get3A_203 : vector<1x16x500xf32> to vector<16x500xf32>
    %add3A_205 = vector.broadcast %get3A_199 : vector<1x500xf32> to vector<16x500xf32>
    %add3A_206 = arith.addf %add3A_205, %get3A_204 : vector<16x500xf32>
    %reduce_max3A_207 = arith.constant dense<0xFF800000> : vector<16xf32>
    %reduce_max3A_208 = vector.multi_reduction <maximumf>, %add3A_206, %reduce_max3A_207 [1] : vector<16x500xf32> to vector<16xf32>
    %broadcast_in_dim3A_209 = vector.shape_cast %reduce_max3A_208 : vector<16xf32> to vector<16x1xf32>
    %sub3A_210 = vector.broadcast %broadcast_in_dim3A_209 : vector<16x1xf32> to vector<16x500xf32>
    %sub3A_211 = arith.subf %add3A_206, %sub3A_210 : vector<16x500xf32>
    %exp3A_212 = math.exp %sub3A_211 : vector<16x500xf32>
    %reduce_sum3A_213 = arith.constant dense<0.000000e+00> : vector<16xf32>
    %reduce_sum3A_214 = vector.multi_reduction <add>, %exp3A_212, %reduce_sum3A_213 [1] : vector<16x500xf32> to vector<16xf32>
    %broadcast_in_dim3A_215 = vector.shape_cast %reduce_sum3A_214 : vector<16xf32> to vector<16x1xf32>
    %log3A_216 = math.log %broadcast_in_dim3A_215 : vector<16x1xf32>
    %add3A_217 = arith.addf %log3A_216, %broadcast_in_dim3A_209 : vector<16x1xf32>
    %sub3A_218 = vector.broadcast %add3A_217 : vector<16x1xf32> to vector<16x500xf32>
    %sub3A_219 = arith.subf %add3A_206, %sub3A_218 : vector<16x500xf32>
    %sub3A_220 = arith.constant 5.29831743 : f32
    %sub3A_221 = vector.broadcast %sub3A_220 : f32 to vector<16x500xf32>
    %sub3A_222 = arith.subf %sub3A_219, %sub3A_221 : vector<16x500xf32>
    %swap3A_223 = arith.constant 6 : index
    %swap3A_224 = arith.constant 0 : index
    %swap3A_225 = arith.constant 0 : index
    %swap3A_226 = vector.load %arg66[%swap3A_223, %swap3A_224, %swap3A_225] : memref<32x16x500xf32, #tpu.memory_space<vmem>>, vector<1x16x500xf32>
    %swap3A_227 = vector.shape_cast %swap3A_226 : vector<1x16x500xf32> to vector<16x500xf32>
    %swap3A_228 = vector.shape_cast %sub3A_222 : vector<16x500xf32> to vector<1x16x500xf32>
    tpu.vector_store %arg66[%swap3A_223, %swap3A_224, %swap3A_225], %swap3A_228 {strides = array<i32>} : memref<32x16x500xf32, #tpu.memory_space<vmem>>, vector<1x16x500xf32>,
    %get3A_229 = arith.constant 0 : index
    %get3A_230 = arith.constant 0 : index
    %get3A_231 = arith.constant 0 : index
    %get3A_232 = vector.load %arg9[%get3A_229, %get3A_230, %get3A_231] : memref<1x1x500xf32, #tpu.memory_space<vmem>>, vector<1x1x500xf32>
    %get3A_233 = vector.shape_cast %get3A_232 : vector<1x1x500xf32> to vector<1x500xf32>
    %get3A_234 = arith.constant 0 : index
    %get3A_235 = arith.constant 0 : index
    %get3A_236 = arith.constant 0 : index
    %get3A_237 = vector.load %arg41[%get3A_234, %get3A_235, %get3A_236] : memref<1x16x500xf32, #tpu.memory_space<vmem>>, vector<1x16x500xf32>
    %get3A_238 = vector.shape_cast %get3A_237 : vector<1x16x500xf32> to vector<16x500xf32>
    %add3A_239 = vector.broadcast %get3A_233 : vector<1x500xf32> to vector<16x500xf32>
    %add3A_240 = arith.addf %add3A_239, %get3A_238 : vector<16x500xf32>
    %reduce_max3A_241 = arith.constant dense<0xFF800000> : vector<16xf32>
    %reduce_max3A_242 = vector.multi_reduction <maximumf>, %add3A_240, %reduce_max3A_241 [1] : vector<16x500xf32> to vector<16xf32>
    %broadcast_in_dim3A_243 = vector.shape_cast %reduce_max3A_242 : vector<16xf32> to vector<16x1xf32>
    %sub3A_244 = vector.broadcast %broadcast_in_dim3A_243 : vector<16x1xf32> to vector<16x500xf32>
    %sub3A_245 = arith.subf %add3A_240, %sub3A_244 : vector<16x500xf32>
    %exp3A_246 = math.exp %sub3A_245 : vector<16x500xf32>
    %reduce_sum3A_247 = arith.constant dense<0.000000e+00> : vector<16xf32>
    %reduce_sum3A_248 = vector.multi_reduction <add>, %exp3A_246, %reduce_sum3A_247 [1] : vector<16x500xf32> to vector<16xf32>
    %broadcast_in_dim3A_249 = vector.shape_cast %reduce_sum3A_248 : vector<16xf32> to vector<16x1xf32>
    %log3A_250 = math.log %broadcast_in_dim3A_249 : vector<16x1xf32>
    %add3A_251 = arith.addf %log3A_250, %broadcast_in_dim3A_243 : vector<16x1xf32>
    %sub3A_252 = vector.broadcast %add3A_251 : vector<16x1xf32> to vector<16x500xf32>
    %sub3A_253 = arith.subf %add3A_240, %sub3A_252 : vector<16x500xf32>
    %sub3A_254 = arith.constant 5.29831743 : f32
    %sub3A_255 = vector.broadcast %sub3A_254 : f32 to vector<16x500xf32>
    %sub3A_256 = arith.subf %sub3A_253, %sub3A_255 : vector<16x500xf32>
    %swap3A_257 = arith.constant 7 : index
    %swap3A_258 = arith.constant 0 : index
    %swap3A_259 = arith.constant 0 : index
    %swap3A_260 = vector.load %arg66[%swap3A_257, %swap3A_258, %swap3A_259] : memref<32x16x500xf32, #tpu.memory_space<vmem>>, vector<1x16x500xf32>
    %swap3A_261 = vector.shape_cast %swap3A_260 : vector<1x16x500xf32> to vector<16x500xf32>
    %swap3A_262 = vector.shape_cast %sub3A_256 : vector<16x500xf32> to vector<1x16x500xf32>
    tpu.vector_store %arg66[%swap3A_257, %swap3A_258, %swap3A_259], %swap3A_262 {strides = array<i32>} : memref<32x16x500xf32, #tpu.memory_space<vmem>>, vector<1x16x500xf32>,
    %get3A_263 = arith.constant 0 : index
    %get3A_264 = arith.constant 0 : index
    %get3A_265 = arith.constant 0 : index
    %get3A_266 = vector.load %arg10[%get3A_263, %get3A_264, %get3A_265] : memref<1x1x500xf32, #tpu.memory_space<vmem>>, vector<1x1x500xf32>
    %get3A_267 = vector.shape_cast %get3A_266 : vector<1x1x500xf32> to vector<1x500xf32>
    %get3A_268 = arith.constant 0 : index
    %get3A_269 = arith.constant 0 : index
    %get3A_270 = arith.constant 0 : index
    %get3A_271 = vector.load %arg42[%get3A_268, %get3A_269, %get3A_270] : memref<1x16x500xf32, #tpu.memory_space<vmem>>, vector<1x16x500xf32>
    %get3A_272 = vector.shape_cast %get3A_271 : vector<1x16x500xf32> to vector<16x500xf32>
    %add3A_273 = vector.broadcast %get3A_267 : vector<1x500xf32> to vector<16x500xf32>
    %add3A_274 = arith.addf %add3A_273, %get3A_272 : vector<16x500xf32>
    %reduce_max3A_275 = arith.constant dense<0xFF800000> : vector<16xf32>
    %reduce_max3A_276 = vector.multi_reduction <maximumf>, %add3A_274, %reduce_max3A_275 [1] : vector<16x500xf32> to vector<16xf32>
    %broadcast_in_dim3A_277 = vector.shape_cast %reduce_max3A_276 : vector<16xf32> to vector<16x1xf32>
    %sub3A_278 = vector.broadcast %broadcast_in_dim3A_277 : vector<16x1xf32> to vector<16x500xf32>
    %sub3A_279 = arith.subf %add3A_274, %sub3A_278 : vector<16x500xf32>
    %exp3A_280 = math.exp %sub3A_279 : vector<16x500xf32>
    %reduce_sum3A_281 = arith.constant dense<0.000000e+00> : vector<16xf32>
    %reduce_sum3A_282 = vector.multi_reduction <add>, %exp3A_280, %reduce_sum3A_281 [1] : vector<16x500xf32> to vector<16xf32>
    %broadcast_in_dim3A_283 = vector.shape_cast %reduce_sum3A_282 : vector<16xf32> to vector<16x1xf32>
    %log3A_284 = math.log %broadcast_in_dim3A_283 : vector<16x1xf32>
    %add3A_285 = arith.addf %log3A_284, %broadcast_in_dim3A_277 : vector<16x1xf32>
    %sub3A_286 = vector.broadcast %add3A_285 : vector<16x1xf32> to vector<16x500xf32>
    %sub3A_287 = arith.subf %add3A_274, %sub3A_286 : vector<16x500xf32>
    %sub3A_288 = arith.constant 5.29831743 : f32
    %sub3A_289 = vector.broadcast %sub3A_288 : f32 to vector<16x500xf32>
    %sub3A_290 = arith.subf %sub3A_287, %sub3A_289 : vector<16x500xf32>
    %swap3A_291 = arith.constant 8 : index
    %swap3A_292 = arith.constant 0 : index
    %swap3A_293 = arith.constant 0 : index
    %swap3A_294 = vector.load %arg66[%swap3A_291, %swap3A_292, %swap3A_293] : memref<32x16x500xf32, #tpu.memory_space<vmem>>, vector<1x16x500xf32>
    %swap3A_295 = vector.shape_cast %swap3A_294 : vector<1x16x500xf32> to vector<16x500xf32>
    %swap3A_296 = vector.shape_cast %sub3A_290 : vector<16x500xf32> to vector<1x16x500xf32>
    tpu.vector_store %arg66[%swap3A_291, %swap3A_292, %swap3A_293], %swap3A_296 {strides = array<i32>} : memref<32x16x500xf32, #tpu.memory_space<vmem>>, vector<1x16x500xf32>,
    %get3A_297 = arith.constant 0 : index
    %get3A_298 = arith.constant 0 : index
    %get3A_299 = arith.constant 0 : index
    %get3A_300 = vector.load %arg11[%get3A_297, %get3A_298, %get3A_299] : memref<1x1x500xf32, #tpu.memory_space<vmem>>, vector<1x1x500xf32>
    %get3A_301 = vector.shape_cast %get3A_300 : vector<1x1x500xf32> to vector<1x500xf32>
    %get3A_302 = arith.constant 0 : index
    %get3A_303 = arith.constant 0 : index
    %get3A_304 = arith.constant 0 : index
    %get3A_305 = vector.load %arg43[%get3A_302, %get3A_303, %get3A_304] : memref<1x16x500xf32, #tpu.memory_space<vmem>>, vector<1x16x500xf32>
    %get3A_306 = vector.shape_cast %get3A_305 : vector<1x16x500xf32> to vector<16x500xf32>
    %add3A_307 = vector.broadcast %get3A_301 : vector<1x500xf32> to vector<16x500xf32>
    %add3A_308 = arith.addf %add3A_307, %get3A_306 : vector<16x500xf32>
    %reduce_max3A_309 = arith.constant dense<0xFF800000> : vector<16xf32>
    %reduce_max3A_310 = vector.multi_reduction <maximumf>, %add3A_308, %reduce_max3A_309 [1] : vector<16x500xf32> to vector<16xf32>
    %broadcast_in_dim3A_311 = vector.shape_cast %reduce_max3A_310 : vector<16xf32> to vector<16x1xf32>
    %sub3A_312 = vector.broadcast %broadcast_in_dim3A_311 : vector<16x1xf32> to vector<16x500xf32>
    %sub3A_313 = arith.subf %add3A_308, %sub3A_312 : vector<16x500xf32>
    %exp3A_314 = math.exp %sub3A_313 : vector<16x500xf32>
    %reduce_sum3A_315 = arith.constant dense<0.000000e+00> : vector<16xf32>
    %reduce_sum3A_316 = vector.multi_reduction <add>, %exp3A_314, %reduce_sum3A_315 [1] : vector<16x500xf32> to vector<16xf32>
    %broadcast_in_dim3A_317 = vector.shape_cast %reduce_sum3A_316 : vector<16xf32> to vector<16x1xf32>
    %log3A_318 = math.log %broadcast_in_dim3A_317 : vector<16x1xf32>
    %add3A_319 = arith.addf %log3A_318, %broadcast_in_dim3A_311 : vector<16x1xf32>
    %sub3A_320 = vector.broadcast %add3A_319 : vector<16x1xf32> to vector<16x500xf32>
    %sub3A_321 = arith.subf %add3A_308, %sub3A_320 : vector<16x500xf32>
    %sub3A_322 = arith.constant 5.29831743 : f32
    %sub3A_323 = vector.broadcast %sub3A_322 : f32 to vector<16x500xf32>
    %sub3A_324 = arith.subf %sub3A_321, %sub3A_323 : vector<16x500xf32>
    %swap3A_325 = arith.constant 9 : index
    %swap3A_326 = arith.constant 0 : index
    %swap3A_327 = arith.constant 0 : index
    %swap3A_328 = vector.load %arg66[%swap3A_325, %swap3A_326, %swap3A_327] : memref<32x16x500xf32, #tpu.memory_space<vmem>>, vector<1x16x500xf32>
    %swap3A_329 = vector.shape_cast %swap3A_328 : vector<1x16x500xf32> to vector<16x500xf32>
    %swap3A_330 = vector.shape_cast %sub3A_324 : vector<16x500xf32> to vector<1x16x500xf32>
    tpu.vector_store %arg66[%swap3A_325, %swap3A_326, %swap3A_327], %swap3A_330 {strides = array<i32>} : memref<32x16x500xf32, #tpu.memory_space<vmem>>, vector<1x16x500xf32>,
    %get3A_331 = arith.constant 0 : index
    %get3A_332 = arith.constant 0 : index
    %get3A_333 = arith.constant 0 : index
    %get3A_334 = vector.load %arg12[%get3A_331, %get3A_332, %get3A_333] : memref<1x1x500xf32, #tpu.memory_space<vmem>>, vector<1x1x500xf32>
    %get3A_335 = vector.shape_cast %get3A_334 : vector<1x1x500xf32> to vector<1x500xf32>
    %get3A_336 = arith.constant 0 : index
    %get3A_337 = arith.constant 0 : index
    %get3A_338 = arith.constant 0 : index
    %get3A_339 = vector.load %arg44[%get3A_336, %get3A_337, %get3A_338] : memref<1x16x500xf32, #tpu.memory_space<vmem>>, vector<1x16x500xf32>
    %get3A_340 = vector.shape_cast %get3A_339 : vector<1x16x500xf32> to vector<16x500xf32>
    %add3A_341 = vector.broadcast %get3A_335 : vector<1x500xf32> to vector<16x500xf32>
    %add3A_342 = arith.addf %add3A_341, %get3A_340 : vector<16x500xf32>
    %reduce_max3A_343 = arith.constant dense<0xFF800000> : vector<16xf32>
    %reduce_max3A_344 = vector.multi_reduction <maximumf>, %add3A_342, %reduce_max3A_343 [1] : vector<16x500xf32> to vector<16xf32>
    %broadcast_in_dim3A_345 = vector.shape_cast %reduce_max3A_344 : vector<16xf32> to vector<16x1xf32>
    %sub3A_346 = vector.broadcast %broadcast_in_dim3A_345 : vector<16x1xf32> to vector<16x500xf32>
    %sub3A_347 = arith.subf %add3A_342, %sub3A_346 : vector<16x500xf32>
    %exp3A_348 = math.exp %sub3A_347 : vector<16x500xf32>
    %reduce_sum3A_349 = arith.constant dense<0.000000e+00> : vector<16xf32>
    %reduce_sum3A_350 = vector.multi_reduction <add>, %exp3A_348, %reduce_sum3A_349 [1] : vector<16x500xf32> to vector<16xf32>
    %broadcast_in_dim3A_351 = vector.shape_cast %reduce_sum3A_350 : vector<16xf32> to vector<16x1xf32>
    %log3A_352 = math.log %broadcast_in_dim3A_351 : vector<16x1xf32>
    %add3A_353 = arith.addf %log3A_352, %broadcast_in_dim3A_345 : vector<16x1xf32>
    %sub3A_354 = vector.broadcast %add3A_353 : vector<16x1xf32> to vector<16x500xf32>
    %sub3A_355 = arith.subf %add3A_342, %sub3A_354 : vector<16x500xf32>
    %sub3A_356 = arith.constant 5.29831743 : f32
    %sub3A_357 = vector.broadcast %sub3A_356 : f32 to vector<16x500xf32>
    %sub3A_358 = arith.subf %sub3A_355, %sub3A_357 : vector<16x500xf32>
    %swap3A_359 = arith.constant 10 : index
    %swap3A_360 = arith.constant 0 : index
    %swap3A_361 = arith.constant 0 : index
    %swap3A_362 = vector.load %arg66[%swap3A_359, %swap3A_360, %swap3A_361] : memref<32x16x500xf32, #tpu.memory_space<vmem>>, vector<1x16x500xf32>
    %swap3A_363 = vector.shape_cast %swap3A_362 : vector<1x16x500xf32> to vector<16x500xf32>
    %swap3A_364 = vector.shape_cast %sub3A_358 : vector<16x500xf32> to vector<1x16x500xf32>
    tpu.vector_store %arg66[%swap3A_359, %swap3A_360, %swap3A_361], %swap3A_364 {strides = array<i32>} : memref<32x16x500xf32, #tpu.memory_space<vmem>>, vector<1x16x500xf32>,
    %get3A_365 = arith.constant 0 : index
    %get3A_366 = arith.constant 0 : index
    %get3A_367 = arith.constant 0 : index
    %get3A_368 = vector.load %arg13[%get3A_365, %get3A_366, %get3A_367] : memref<1x1x500xf32, #tpu.memory_space<vmem>>, vector<1x1x500xf32>
    %get3A_369 = vector.shape_cast %get3A_368 : vector<1x1x500xf32> to vector<1x500xf32>
    %get3A_370 = arith.constant 0 : index
    %get3A_371 = arith.constant 0 : index
    %get3A_372 = arith.constant 0 : index
    %get3A_373 = vector.load %arg45[%get3A_370, %get3A_371, %get3A_372] : memref<1x16x500xf32, #tpu.memory_space<vmem>>, vector<1x16x500xf32>
    %get3A_374 = vector.shape_cast %get3A_373 : vector<1x16x500xf32> to vector<16x500xf32>
    %add3A_375 = vector.broadcast %get3A_369 : vector<1x500xf32> to vector<16x500xf32>
    %add3A_376 = arith.addf %add3A_375, %get3A_374 : vector<16x500xf32>
    %reduce_max3A_377 = arith.constant dense<0xFF800000> : vector<16xf32>
    %reduce_max3A_378 = vector.multi_reduction <maximumf>, %add3A_376, %reduce_max3A_377 [1] : vector<16x500xf32> to vector<16xf32>
    %broadcast_in_dim3A_379 = vector.shape_cast %reduce_max3A_378 : vector<16xf32> to vector<16x1xf32>
    %sub3A_380 = vector.broadcast %broadcast_in_dim3A_379 : vector<16x1xf32> to vector<16x500xf32>
    %sub3A_381 = arith.subf %add3A_376, %sub3A_380 : vector<16x500xf32>
    %exp3A_382 = math.exp %sub3A_381 : vector<16x500xf32>
    %reduce_sum3A_383 = arith.constant dense<0.000000e+00> : vector<16xf32>
    %reduce_sum3A_384 = vector.multi_reduction <add>, %exp3A_382, %reduce_sum3A_383 [1] : vector<16x500xf32> to vector<16xf32>
    %broadcast_in_dim3A_385 = vector.shape_cast %reduce_sum3A_384 : vector<16xf32> to vector<16x1xf32>
    %log3A_386 = math.log %broadcast_in_dim3A_385 : vector<16x1xf32>
    %add3A_387 = arith.addf %log3A_386, %broadcast_in_dim3A_379 : vector<16x1xf32>
    %sub3A_388 = vector.broadcast %add3A_387 : vector<16x1xf32> to vector<16x500xf32>
    %sub3A_389 = arith.subf %add3A_376, %sub3A_388 : vector<16x500xf32>
    %sub3A_390 = arith.constant 5.29831743 : f32
    %sub3A_391 = vector.broadcast %sub3A_390 : f32 to vector<16x500xf32>
    %sub3A_392 = arith.subf %sub3A_389, %sub3A_391 : vector<16x500xf32>
    %swap3A_393 = arith.constant 11 : index
    %swap3A_394 = arith.constant 0 : index
    %swap3A_395 = arith.constant 0 : index
    %swap3A_396 = vector.load %arg66[%swap3A_393, %swap3A_394, %swap3A_395] : memref<32x16x500xf32, #tpu.memory_space<vmem>>, vector<1x16x500xf32>
    %swap3A_397 = vector.shape_cast %swap3A_396 : vector<1x16x500xf32> to vector<16x500xf32>
    %swap3A_398 = vector.shape_cast %sub3A_392 : vector<16x500xf32> to vector<1x16x500xf32>
    tpu.vector_store %arg66[%swap3A_393, %swap3A_394, %swap3A_395], %swap3A_398 {strides = array<i32>} : memref<32x16x500xf32, #tpu.memory_space<vmem>>, vector<1x16x500xf32>,
    %get3A_399 = arith.constant 0 : index
    %get3A_400 = arith.constant 0 : index
    %get3A_401 = arith.constant 0 : index
    %get3A_402 = vector.load %arg14[%get3A_399, %get3A_400, %get3A_401] : memref<1x1x500xf32, #tpu.memory_space<vmem>>, vector<1x1x500xf32>
    %get3A_403 = vector.shape_cast %get3A_402 : vector<1x1x500xf32> to vector<1x500xf32>
    %get3A_404 = arith.constant 0 : index
    %get3A_405 = arith.constant 0 : index
    %get3A_406 = arith.constant 0 : index
    %get3A_407 = vector.load %arg46[%get3A_404, %get3A_405, %get3A_406] : memref<1x16x500xf32, #tpu.memory_space<vmem>>, vector<1x16x500xf32>
    %get3A_408 = vector.shape_cast %get3A_407 : vector<1x16x500xf32> to vector<16x500xf32>
    %add3A_409 = vector.broadcast %get3A_403 : vector<1x500xf32> to vector<16x500xf32>
    %add3A_410 = arith.addf %add3A_409, %get3A_408 : vector<16x500xf32>
    %reduce_max3A_411 = arith.constant dense<0xFF800000> : vector<16xf32>
    %reduce_max3A_412 = vector.multi_reduction <maximumf>, %add3A_410, %reduce_max3A_411 [1] : vector<16x500xf32> to vector<16xf32>
    %broadcast_in_dim3A_413 = vector.shape_cast %reduce_max3A_412 : vector<16xf32> to vector<16x1xf32>
    %sub3A_414 = vector.broadcast %broadcast_in_dim3A_413 : vector<16x1xf32> to vector<16x500xf32>
    %sub3A_415 = arith.subf %add3A_410, %sub3A_414 : vector<16x500xf32>
    %exp3A_416 = math.exp %sub3A_415 : vector<16x500xf32>
    %reduce_sum3A_417 = arith.constant dense<0.000000e+00> : vector<16xf32>
    %reduce_sum3A_418 = vector.multi_reduction <add>, %exp3A_416, %reduce_sum3A_417 [1] : vector<16x500xf32> to vector<16xf32>
    %broadcast_in_dim3A_419 = vector.shape_cast %reduce_sum3A_418 : vector<16xf32> to vector<16x1xf32>
    %log3A_420 = math.log %broadcast_in_dim3A_419 : vector<16x1xf32>
    %add3A_421 = arith.addf %log3A_420, %broadcast_in_dim3A_413 : vector<16x1xf32>
    %sub3A_422 = vector.broadcast %add3A_421 : vector<16x1xf32> to vector<16x500xf32>
    %sub3A_423 = arith.subf %add3A_410, %sub3A_422 : vector<16x500xf32>
    %sub3A_424 = arith.constant 5.29831743 : f32
    %sub3A_425 = vector.broadcast %sub3A_424 : f32 to vector<16x500xf32>
    %sub3A_426 = arith.subf %sub3A_423, %sub3A_425 : vector<16x500xf32>
    %swap3A_427 = arith.constant 12 : index
    %swap3A_428 = arith.constant 0 : index
    %swap3A_429 = arith.constant 0 : index
    %swap3A_430 = vector.load %arg66[%swap3A_427, %swap3A_428, %swap3A_429] : memref<32x16x500xf32, #tpu.memory_space<vmem>>, vector<1x16x500xf32>
    %swap3A_431 = vector.shape_cast %swap3A_430 : vector<1x16x500xf32> to vector<16x500xf32>
    %swap3A_432 = vector.shape_cast %sub3A_426 : vector<16x500xf32> to vector<1x16x500xf32>
    tpu.vector_store %arg66[%swap3A_427, %swap3A_428, %swap3A_429], %swap3A_432 {strides = array<i32>} : memref<32x16x500xf32, #tpu.memory_space<vmem>>, vector<1x16x500xf32>,
    %get3A_433 = arith.constant 0 : index
    %get3A_434 = arith.constant 0 : index
    %get3A_435 = arith.constant 0 : index
    %get3A_436 = vector.load %arg15[%get3A_433, %get3A_434, %get3A_435] : memref<1x1x500xf32, #tpu.memory_space<vmem>>, vector<1x1x500xf32>
    %get3A_437 = vector.shape_cast %get3A_436 : vector<1x1x500xf32> to vector<1x500xf32>
    %get3A_438 = arith.constant 0 : index
    %get3A_439 = arith.constant 0 : index
    %get3A_440 = arith.constant 0 : index
    %get3A_441 = vector.load %arg47[%get3A_438, %get3A_439, %get3A_440] : memref<1x16x500xf32, #tpu.memory_space<vmem>>, vector<1x16x500xf32>
    %get3A_442 = vector.shape_cast %get3A_441 : vector<1x16x500xf32> to vector<16x500xf32>
    %add3A_443 = vector.broadcast %get3A_437 : vector<1x500xf32> to vector<16x500xf32>
    %add3A_444 = arith.addf %add3A_443, %get3A_442 : vector<16x500xf32>
    %reduce_max3A_445 = arith.constant dense<0xFF800000> : vector<16xf32>
    %reduce_max3A_446 = vector.multi_reduction <maximumf>, %add3A_444, %reduce_max3A_445 [1] : vector<16x500xf32> to vector<16xf32>
    %broadcast_in_dim3A_447 = vector.shape_cast %reduce_max3A_446 : vector<16xf32> to vector<16x1xf32>
    %sub3A_448 = vector.broadcast %broadcast_in_dim3A_447 : vector<16x1xf32> to vector<16x500xf32>
    %sub3A_449 = arith.subf %add3A_444, %sub3A_448 : vector<16x500xf32>
    %exp3A_450 = math.exp %sub3A_449 : vector<16x500xf32>
    %reduce_sum3A_451 = arith.constant dense<0.000000e+00> : vector<16xf32>
    %reduce_sum3A_452 = vector.multi_reduction <add>, %exp3A_450, %reduce_sum3A_451 [1] : vector<16x500xf32> to vector<16xf32>
    %broadcast_in_dim3A_453 = vector.shape_cast %reduce_sum3A_452 : vector<16xf32> to vector<16x1xf32>
    %log3A_454 = math.log %broadcast_in_dim3A_453 : vector<16x1xf32>
    %add3A_455 = arith.addf %log3A_454, %broadcast_in_dim3A_447 : vector<16x1xf32>
    %sub3A_456 = vector.broadcast %add3A_455 : vector<16x1xf32> to vector<16x500xf32>
    %sub3A_457 = arith.subf %add3A_444, %sub3A_456 : vector<16x500xf32>
    %sub3A_458 = arith.constant 5.29831743 : f32
    %sub3A_459 = vector.broadcast %sub3A_458 : f32 to vector<16x500xf32>
    %sub3A_460 = arith.subf %sub3A_457, %sub3A_459 : vector<16x500xf32>
    %swap3A_461 = arith.constant 13 : index
    %swap3A_462 = arith.constant 0 : index
    %swap3A_463 = arith.constant 0 : index
    %swap3A_464 = vector.load %arg66[%swap3A_461, %swap3A_462, %swap3A_463] : memref<32x16x500xf32, #tpu.memory_space<vmem>>, vector<1x16x500xf32>
    %swap3A_465 = vector.shape_cast %swap3A_464 : vector<1x16x500xf32> to vector<16x500xf32>
    %swap3A_466 = vector.shape_cast %sub3A_460 : vector<16x500xf32> to vector<1x16x500xf32>
    tpu.vector_store %arg66[%swap3A_461, %swap3A_462, %swap3A_463], %swap3A_466 {strides = array<i32>} : memref<32x16x500xf32, #tpu.memory_space<vmem>>, vector<1x16x500xf32>,
    %get3A_467 = arith.constant 0 : index
    %get3A_468 = arith.constant 0 : index
    %get3A_469 = arith.constant 0 : index
    %get3A_470 = vector.load %arg16[%get3A_467, %get3A_468, %get3A_469] : memref<1x1x500xf32, #tpu.memory_space<vmem>>, vector<1x1x500xf32>
    %get3A_471 = vector.shape_cast %get3A_470 : vector<1x1x500xf32> to vector<1x500xf32>
    %get3A_472 = arith.constant 0 : index
    %get3A_473 = arith.constant 0 : index
    %get3A_474 = arith.constant 0 : index
    %get3A_475 = vector.load %arg48[%get3A_472, %get3A_473, %get3A_474] : memref<1x16x500xf32, #tpu.memory_space<vmem>>, vector<1x16x500xf32>
    %get3A_476 = vector.shape_cast %get3A_475 : vector<1x16x500xf32> to vector<16x500xf32>
    %add3A_477 = vector.broadcast %get3A_471 : vector<1x500xf32> to vector<16x500xf32>
    %add3A_478 = arith.addf %add3A_477, %get3A_476 : vector<16x500xf32>
    %reduce_max3A_479 = arith.constant dense<0xFF800000> : vector<16xf32>
    %reduce_max3A_480 = vector.multi_reduction <maximumf>, %add3A_478, %reduce_max3A_479 [1] : vector<16x500xf32> to vector<16xf32>
    %broadcast_in_dim3A_481 = vector.shape_cast %reduce_max3A_480 : vector<16xf32> to vector<16x1xf32>
    %sub3A_482 = vector.broadcast %broadcast_in_dim3A_481 : vector<16x1xf32> to vector<16x500xf32>
    %sub3A_483 = arith.subf %add3A_478, %sub3A_482 : vector<16x500xf32>
    %exp3A_484 = math.exp %sub3A_483 : vector<16x500xf32>
    %reduce_sum3A_485 = arith.constant dense<0.000000e+00> : vector<16xf32>
    %reduce_sum3A_486 = vector.multi_reduction <add>, %exp3A_484, %reduce_sum3A_485 [1] : vector<16x500xf32> to vector<16xf32>
    %broadcast_in_dim3A_487 = vector.shape_cast %reduce_sum3A_486 : vector<16xf32> to vector<16x1xf32>
    %log3A_488 = math.log %broadcast_in_dim3A_487 : vector<16x1xf32>
    %add3A_489 = arith.addf %log3A_488, %broadcast_in_dim3A_481 : vector<16x1xf32>
    %sub3A_490 = vector.broadcast %add3A_489 : vector<16x1xf32> to vector<16x500xf32>
    %sub3A_491 = arith.subf %add3A_478, %sub3A_490 : vector<16x500xf32>
    %sub3A_492 = arith.constant 5.29831743 : f32
    %sub3A_493 = vector.broadcast %sub3A_492 : f32 to vector<16x500xf32>
    %sub3A_494 = arith.subf %sub3A_491, %sub3A_493 : vector<16x500xf32>
    %swap3A_495 = arith.constant 14 : index
    %swap3A_496 = arith.constant 0 : index
    %swap3A_497 = arith.constant 0 : index
    %swap3A_498 = vector.load %arg66[%swap3A_495, %swap3A_496, %swap3A_497] : memref<32x16x500xf32, #tpu.memory_space<vmem>>, vector<1x16x500xf32>
    %swap3A_499 = vector.shape_cast %swap3A_498 : vector<1x16x500xf32> to vector<16x500xf32>
    %swap3A_500 = vector.shape_cast %sub3A_494 : vector<16x500xf32> to vector<1x16x500xf32>
    tpu.vector_store %arg66[%swap3A_495, %swap3A_496, %swap3A_497], %swap3A_500 {strides = array<i32>} : memref<32x16x500xf32, #tpu.memory_space<vmem>>, vector<1x16x500xf32>,
    %get3A_501 = arith.constant 0 : index
    %get3A_502 = arith.constant 0 : index
    %get3A_503 = arith.constant 0 : index
    %get3A_504 = vector.load %arg17[%get3A_501, %get3A_502, %get3A_503] : memref<1x1x500xf32, #tpu.memory_space<vmem>>, vector<1x1x500xf32>
    %get3A_505 = vector.shape_cast %get3A_504 : vector<1x1x500xf32> to vector<1x500xf32>
    %get3A_506 = arith.constant 0 : index
    %get3A_507 = arith.constant 0 : index
    %get3A_508 = arith.constant 0 : index
    %get3A_509 = vector.load %arg49[%get3A_506, %get3A_507, %get3A_508] : memref<1x16x500xf32, #tpu.memory_space<vmem>>, vector<1x16x500xf32>
    %get3A_510 = vector.shape_cast %get3A_509 : vector<1x16x500xf32> to vector<16x500xf32>
    %add3A_511 = vector.broadcast %get3A_505 : vector<1x500xf32> to vector<16x500xf32>
    %add3A_512 = arith.addf %add3A_511, %get3A_510 : vector<16x500xf32>
    %reduce_max3A_513 = arith.constant dense<0xFF800000> : vector<16xf32>
    %reduce_max3A_514 = vector.multi_reduction <maximumf>, %add3A_512, %reduce_max3A_513 [1] : vector<16x500xf32> to vector<16xf32>
    %broadcast_in_dim3A_515 = vector.shape_cast %reduce_max3A_514 : vector<16xf32> to vector<16x1xf32>
    %sub3A_516 = vector.broadcast %broadcast_in_dim3A_515 : vector<16x1xf32> to vector<16x500xf32>
    %sub3A_517 = arith.subf %add3A_512, %sub3A_516 : vector<16x500xf32>
    %exp3A_518 = math.exp %sub3A_517 : vector<16x500xf32>
    %reduce_sum3A_519 = arith.constant dense<0.000000e+00> : vector<16xf32>
    %reduce_sum3A_520 = vector.multi_reduction <add>, %exp3A_518, %reduce_sum3A_519 [1] : vector<16x500xf32> to vector<16xf32>
    %broadcast_in_dim3A_521 = vector.shape_cast %reduce_sum3A_520 : vector<16xf32> to vector<16x1xf32>
    %log3A_522 = math.log %broadcast_in_dim3A_521 : vector<16x1xf32>
    %add3A_523 = arith.addf %log3A_522, %broadcast_in_dim3A_515 : vector<16x1xf32>
    %sub3A_524 = vector.broadcast %add3A_523 : vector<16x1xf32> to vector<16x500xf32>
    %sub3A_525 = arith.subf %add3A_512, %sub3A_524 : vector<16x500xf32>
    %sub3A_526 = arith.constant 5.29831743 : f32
    %sub3A_527 = vector.broadcast %sub3A_526 : f32 to vector<16x500xf32>
    %sub3A_528 = arith.subf %sub3A_525, %sub3A_527 : vector<16x500xf32>
    %swap3A_529 = arith.constant 15 : index
    %swap3A_530 = arith.constant 0 : index
    %swap3A_531 = arith.constant 0 : index
    %swap3A_532 = vector.load %arg66[%swap3A_529, %swap3A_530, %swap3A_531] : memref<32x16x500xf32, #tpu.memory_space<vmem>>, vector<1x16x500xf32>
    %swap3A_533 = vector.shape_cast %swap3A_532 : vector<1x16x500xf32> to vector<16x500xf32>
    %swap3A_534 = vector.shape_cast %sub3A_528 : vector<16x500xf32> to vector<1x16x500xf32>
    tpu.vector_store %arg66[%swap3A_529, %swap3A_530, %swap3A_531], %swap3A_534 {strides = array<i32>} : memref<32x16x500xf32, #tpu.memory_space<vmem>>, vector<1x16x500xf32>,
    %get3A_535 = arith.constant 0 : index
    %get3A_536 = arith.constant 0 : index
    %get3A_537 = arith.constant 0 : index
    %get3A_538 = vector.load %arg18[%get3A_535, %get3A_536, %get3A_537] : memref<1x1x500xf32, #tpu.memory_space<vmem>>, vector<1x1x500xf32>
    %get3A_539 = vector.shape_cast %get3A_538 : vector<1x1x500xf32> to vector<1x500xf32>
    %get3A_540 = arith.constant 0 : index
    %get3A_541 = arith.constant 0 : index
    %get3A_542 = arith.constant 0 : index
    %get3A_543 = vector.load %arg50[%get3A_540, %get3A_541, %get3A_542] : memref<1x16x500xf32, #tpu.memory_space<vmem>>, vector<1x16x500xf32>
    %get3A_544 = vector.shape_cast %get3A_543 : vector<1x16x500xf32> to vector<16x500xf32>
    %add3A_545 = vector.broadcast %get3A_539 : vector<1x500xf32> to vector<16x500xf32>
    %add3A_546 = arith.addf %add3A_545, %get3A_544 : vector<16x500xf32>
    %reduce_max3A_547 = arith.constant dense<0xFF800000> : vector<16xf32>
    %reduce_max3A_548 = vector.multi_reduction <maximumf>, %add3A_546, %reduce_max3A_547 [1] : vector<16x500xf32> to vector<16xf32>
    %broadcast_in_dim3A_549 = vector.shape_cast %reduce_max3A_548 : vector<16xf32> to vector<16x1xf32>
    %sub3A_550 = vector.broadcast %broadcast_in_dim3A_549 : vector<16x1xf32> to vector<16x500xf32>
    %sub3A_551 = arith.subf %add3A_546, %sub3A_550 : vector<16x500xf32>
    %exp3A_552 = math.exp %sub3A_551 : vector<16x500xf32>
    %reduce_sum3A_553 = arith.constant dense<0.000000e+00> : vector<16xf32>
    %reduce_sum3A_554 = vector.multi_reduction <add>, %exp3A_552, %reduce_sum3A_553 [1] : vector<16x500xf32> to vector<16xf32>
    %broadcast_in_dim3A_555 = vector.shape_cast %reduce_sum3A_554 : vector<16xf32> to vector<16x1xf32>
    %log3A_556 = math.log %broadcast_in_dim3A_555 : vector<16x1xf32>
    %add3A_557 = arith.addf %log3A_556, %broadcast_in_dim3A_549 : vector<16x1xf32>
    %sub3A_558 = vector.broadcast %add3A_557 : vector<16x1xf32> to vector<16x500xf32>
    %sub3A_559 = arith.subf %add3A_546, %sub3A_558 : vector<16x500xf32>
    %sub3A_560 = arith.constant 5.29831743 : f32
    %sub3A_561 = vector.broadcast %sub3A_560 : f32 to vector<16x500xf32>
    %sub3A_562 = arith.subf %sub3A_559, %sub3A_561 : vector<16x500xf32>
    %swap3A_563 = arith.constant 16 : index
    %swap3A_564 = arith.constant 0 : index
    %swap3A_565 = arith.constant 0 : index
    %swap3A_566 = vector.load %arg66[%swap3A_563, %swap3A_564, %swap3A_565] : memref<32x16x500xf32, #tpu.memory_space<vmem>>, vector<1x16x500xf32>
    %swap3A_567 = vector.shape_cast %swap3A_566 : vector<1x16x500xf32> to vector<16x500xf32>
    %swap3A_568 = vector.shape_cast %sub3A_562 : vector<16x500xf32> to vector<1x16x500xf32>
    tpu.vector_store %arg66[%swap3A_563, %swap3A_564, %swap3A_565], %swap3A_568 {strides = array<i32>} : memref<32x16x500xf32, #tpu.memory_space<vmem>>, vector<1x16x500xf32>,
    %get3A_569 = arith.constant 0 : index
    %get3A_570 = arith.constant 0 : index
    %get3A_571 = arith.constant 0 : index
    %get3A_572 = vector.load %arg19[%get3A_569, %get3A_570, %get3A_571] : memref<1x1x500xf32, #tpu.memory_space<vmem>>, vector<1x1x500xf32>
    %get3A_573 = vector.shape_cast %get3A_572 : vector<1x1x500xf32> to vector<1x500xf32>
    %get3A_574 = arith.constant 0 : index
    %get3A_575 = arith.constant 0 : index
    %get3A_576 = arith.constant 0 : index
    %get3A_577 = vector.load %arg51[%get3A_574, %get3A_575, %get3A_576] : memref<1x16x500xf32, #tpu.memory_space<vmem>>, vector<1x16x500xf32>
    %get3A_578 = vector.shape_cast %get3A_577 : vector<1x16x500xf32> to vector<16x500xf32>
    %add3A_579 = vector.broadcast %get3A_573 : vector<1x500xf32> to vector<16x500xf32>
    %add3A_580 = arith.addf %add3A_579, %get3A_578 : vector<16x500xf32>
    %reduce_max3A_581 = arith.constant dense<0xFF800000> : vector<16xf32>
    %reduce_max3A_582 = vector.multi_reduction <maximumf>, %add3A_580, %reduce_max3A_581 [1] : vector<16x500xf32> to vector<16xf32>
    %broadcast_in_dim3A_583 = vector.shape_cast %reduce_max3A_582 : vector<16xf32> to vector<16x1xf32>
    %sub3A_584 = vector.broadcast %broadcast_in_dim3A_583 : vector<16x1xf32> to vector<16x500xf32>
    %sub3A_585 = arith.subf %add3A_580, %sub3A_584 : vector<16x500xf32>
    %exp3A_586 = math.exp %sub3A_585 : vector<16x500xf32>
    %reduce_sum3A_587 = arith.constant dense<0.000000e+00> : vector<16xf32>
    %reduce_sum3A_588 = vector.multi_reduction <add>, %exp3A_586, %reduce_sum3A_587 [1] : vector<16x500xf32> to vector<16xf32>
    %broadcast_in_dim3A_589 = vector.shape_cast %reduce_sum3A_588 : vector<16xf32> to vector<16x1xf32>
    %log3A_590 = math.log %broadcast_in_dim3A_589 : vector<16x1xf32>
    %add3A_591 = arith.addf %log3A_590, %broadcast_in_dim3A_583 : vector<16x1xf32>
    %sub3A_592 = vector.broadcast %add3A_591 : vector<16x1xf32> to vector<16x500xf32>
    %sub3A_593 = arith.subf %add3A_580, %sub3A_592 : vector<16x500xf32>
    %sub3A_594 = arith.constant 5.29831743 : f32
    %sub3A_595 = vector.broadcast %sub3A_594 : f32 to vector<16x500xf32>
    %sub3A_596 = arith.subf %sub3A_593, %sub3A_595 : vector<16x500xf32>
    %swap3A_597 = arith.constant 17 : index
    %swap3A_598 = arith.constant 0 : index
    %swap3A_599 = arith.constant 0 : index
    %swap3A_600 = vector.load %arg66[%swap3A_597, %swap3A_598, %swap3A_599] : memref<32x16x500xf32, #tpu.memory_space<vmem>>, vector<1x16x500xf32>
    %swap3A_601 = vector.shape_cast %swap3A_600 : vector<1x16x500xf32> to vector<16x500xf32>
    %swap3A_602 = vector.shape_cast %sub3A_596 : vector<16x500xf32> to vector<1x16x500xf32>
    tpu.vector_store %arg66[%swap3A_597, %swap3A_598, %swap3A_599], %swap3A_602 {strides = array<i32>} : memref<32x16x500xf32, #tpu.memory_space<vmem>>, vector<1x16x500xf32>,
    %get3A_603 = arith.constant 0 : index
    %get3A_604 = arith.constant 0 : index
    %get3A_605 = arith.constant 0 : index
    %get3A_606 = vector.load %arg20[%get3A_603, %get3A_604, %get3A_605] : memref<1x1x500xf32, #tpu.memory_space<vmem>>, vector<1x1x500xf32>
    %get3A_607 = vector.shape_cast %get3A_606 : vector<1x1x500xf32> to vector<1x500xf32>
    %get3A_608 = arith.constant 0 : index
    %get3A_609 = arith.constant 0 : index
    %get3A_610 = arith.constant 0 : index
    %get3A_611 = vector.load %arg52[%get3A_608, %get3A_609, %get3A_610] : memref<1x16x500xf32, #tpu.memory_space<vmem>>, vector<1x16x500xf32>
    %get3A_612 = vector.shape_cast %get3A_611 : vector<1x16x500xf32> to vector<16x500xf32>
    %add3A_613 = vector.broadcast %get3A_607 : vector<1x500xf32> to vector<16x500xf32>
    %add3A_614 = arith.addf %add3A_613, %get3A_612 : vector<16x500xf32>
    %reduce_max3A_615 = arith.constant dense<0xFF800000> : vector<16xf32>
    %reduce_max3A_616 = vector.multi_reduction <maximumf>, %add3A_614, %reduce_max3A_615 [1] : vector<16x500xf32> to vector<16xf32>
    %broadcast_in_dim3A_617 = vector.shape_cast %reduce_max3A_616 : vector<16xf32> to vector<16x1xf32>
    %sub3A_618 = vector.broadcast %broadcast_in_dim3A_617 : vector<16x1xf32> to vector<16x500xf32>
    %sub3A_619 = arith.subf %add3A_614, %sub3A_618 : vector<16x500xf32>
    %exp3A_620 = math.exp %sub3A_619 : vector<16x500xf32>
    %reduce_sum3A_621 = arith.constant dense<0.000000e+00> : vector<16xf32>
    %reduce_sum3A_622 = vector.multi_reduction <add>, %exp3A_620, %reduce_sum3A_621 [1] : vector<16x500xf32> to vector<16xf32>
    %broadcast_in_dim3A_623 = vector.shape_cast %reduce_sum3A_622 : vector<16xf32> to vector<16x1xf32>
    %log3A_624 = math.log %broadcast_in_dim3A_623 : vector<16x1xf32>
    %add3A_625 = arith.addf %log3A_624, %broadcast_in_dim3A_617 : vector<16x1xf32>
    %sub3A_626 = vector.broadcast %add3A_625 : vector<16x1xf32> to vector<16x500xf32>
    %sub3A_627 = arith.subf %add3A_614, %sub3A_626 : vector<16x500xf32>
    %sub3A_628 = arith.constant 5.29831743 : f32
    %sub3A_629 = vector.broadcast %sub3A_628 : f32 to vector<16x500xf32>
    %sub3A_630 = arith.subf %sub3A_627, %sub3A_629 : vector<16x500xf32>
    %swap3A_631 = arith.constant 18 : index
    %swap3A_632 = arith.constant 0 : index
    %swap3A_633 = arith.constant 0 : index
    %swap3A_634 = vector.load %arg66[%swap3A_631, %swap3A_632, %swap3A_633] : memref<32x16x500xf32, #tpu.memory_space<vmem>>, vector<1x16x500xf32>
    %swap3A_635 = vector.shape_cast %swap3A_634 : vector<1x16x500xf32> to vector<16x500xf32>
    %swap3A_636 = vector.shape_cast %sub3A_630 : vector<16x500xf32> to vector<1x16x500xf32>
    tpu.vector_store %arg66[%swap3A_631, %swap3A_632, %swap3A_633], %swap3A_636 {strides = array<i32>} : memref<32x16x500xf32, #tpu.memory_space<vmem>>, vector<1x16x500xf32>,
    %get3A_637 = arith.constant 0 : index
    %get3A_638 = arith.constant 0 : index
    %get3A_639 = arith.constant 0 : index
    %get3A_640 = vector.load %arg21[%get3A_637, %get3A_638, %get3A_639] : memref<1x1x500xf32, #tpu.memory_space<vmem>>, vector<1x1x500xf32>
    %get3A_641 = vector.shape_cast %get3A_640 : vector<1x1x500xf32> to vector<1x500xf32>
    %get3A_642 = arith.constant 0 : index
    %get3A_643 = arith.constant 0 : index
    %get3A_644 = arith.constant 0 : index
    %get3A_645 = vector.load %arg53[%get3A_642, %get3A_643, %get3A_644] : memref<1x16x500xf32, #tpu.memory_space<vmem>>, vector<1x16x500xf32>
    %get3A_646 = vector.shape_cast %get3A_645 : vector<1x16x500xf32> to vector<16x500xf32>
    %add3A_647 = vector.broadcast %get3A_641 : vector<1x500xf32> to vector<16x500xf32>
    %add3A_648 = arith.addf %add3A_647, %get3A_646 : vector<16x500xf32>
    %reduce_max3A_649 = arith.constant dense<0xFF800000> : vector<16xf32>
    %reduce_max3A_650 = vector.multi_reduction <maximumf>, %add3A_648, %reduce_max3A_649 [1] : vector<16x500xf32> to vector<16xf32>
    %broadcast_in_dim3A_651 = vector.shape_cast %reduce_max3A_650 : vector<16xf32> to vector<16x1xf32>
    %sub3A_652 = vector.broadcast %broadcast_in_dim3A_651 : vector<16x1xf32> to vector<16x500xf32>
    %sub3A_653 = arith.subf %add3A_648, %sub3A_652 : vector<16x500xf32>
    %exp3A_654 = math.exp %sub3A_653 : vector<16x500xf32>
    %reduce_sum3A_655 = arith.constant dense<0.000000e+00> : vector<16xf32>
    %reduce_sum3A_656 = vector.multi_reduction <add>, %exp3A_654, %reduce_sum3A_655 [1] : vector<16x500xf32> to vector<16xf32>
    %broadcast_in_dim3A_657 = vector.shape_cast %reduce_sum3A_656 : vector<16xf32> to vector<16x1xf32>
    %log3A_658 = math.log %broadcast_in_dim3A_657 : vector<16x1xf32>
    %add3A_659 = arith.addf %log3A_658, %broadcast_in_dim3A_651 : vector<16x1xf32>
    %sub3A_660 = vector.broadcast %add3A_659 : vector<16x1xf32> to vector<16x500xf32>
    %sub3A_661 = arith.subf %add3A_648, %sub3A_660 : vector<16x500xf32>
    %sub3A_662 = arith.constant 5.29831743 : f32
    %sub3A_663 = vector.broadcast %sub3A_662 : f32 to vector<16x500xf32>
    %sub3A_664 = arith.subf %sub3A_661, %sub3A_663 : vector<16x500xf32>
    %swap3A_665 = arith.constant 19 : index
    %swap3A_666 = arith.constant 0 : index
    %swap3A_667 = arith.constant 0 : index
    %swap3A_668 = vector.load %arg66[%swap3A_665, %swap3A_666, %swap3A_667] : memref<32x16x500xf32, #tpu.memory_space<vmem>>, vector<1x16x500xf32>
    %swap3A_669 = vector.shape_cast %swap3A_668 : vector<1x16x500xf32> to vector<16x500xf32>
    %swap3A_670 = vector.shape_cast %sub3A_664 : vector<16x500xf32> to vector<1x16x500xf32>
    tpu.vector_store %arg66[%swap3A_665, %swap3A_666, %swap3A_667], %swap3A_670 {strides = array<i32>} : memref<32x16x500xf32, #tpu.memory_space<vmem>>, vector<1x16x500xf32>,
    %get3A_671 = arith.constant 0 : index
    %get3A_672 = arith.constant 0 : index
    %get3A_673 = arith.constant 0 : index
    %get3A_674 = vector.load %arg22[%get3A_671, %get3A_672, %get3A_673] : memref<1x1x500xf32, #tpu.memory_space<vmem>>, vector<1x1x500xf32>
    %get3A_675 = vector.shape_cast %get3A_674 : vector<1x1x500xf32> to vector<1x500xf32>
    %get3A_676 = arith.constant 0 : index
    %get3A_677 = arith.constant 0 : index
    %get3A_678 = arith.constant 0 : index
    %get3A_679 = vector.load %arg54[%get3A_676, %get3A_677, %get3A_678] : memref<1x16x500xf32, #tpu.memory_space<vmem>>, vector<1x16x500xf32>
    %get3A_680 = vector.shape_cast %get3A_679 : vector<1x16x500xf32> to vector<16x500xf32>
    %add3A_681 = vector.broadcast %get3A_675 : vector<1x500xf32> to vector<16x500xf32>
    %add3A_682 = arith.addf %add3A_681, %get3A_680 : vector<16x500xf32>
    %reduce_max3A_683 = arith.constant dense<0xFF800000> : vector<16xf32>
    %reduce_max3A_684 = vector.multi_reduction <maximumf>, %add3A_682, %reduce_max3A_683 [1] : vector<16x500xf32> to vector<16xf32>
    %broadcast_in_dim3A_685 = vector.shape_cast %reduce_max3A_684 : vector<16xf32> to vector<16x1xf32>
    %sub3A_686 = vector.broadcast %broadcast_in_dim3A_685 : vector<16x1xf32> to vector<16x500xf32>
    %sub3A_687 = arith.subf %add3A_682, %sub3A_686 : vector<16x500xf32>
    %exp3A_688 = math.exp %sub3A_687 : vector<16x500xf32>
    %reduce_sum3A_689 = arith.constant dense<0.000000e+00> : vector<16xf32>
    %reduce_sum3A_690 = vector.multi_reduction <add>, %exp3A_688, %reduce_sum3A_689 [1] : vector<16x500xf32> to vector<16xf32>
    %broadcast_in_dim3A_691 = vector.shape_cast %reduce_sum3A_690 : vector<16xf32> to vector<16x1xf32>
    %log3A_692 = math.log %broadcast_in_dim3A_691 : vector<16x1xf32>
    %add3A_693 = arith.addf %log3A_692, %broadcast_in_dim3A_685 : vector<16x1xf32>
    %sub3A_694 = vector.broadcast %add3A_693 : vector<16x1xf32> to vector<16x500xf32>
    %sub3A_695 = arith.subf %add3A_682, %sub3A_694 : vector<16x500xf32>
    %sub3A_696 = arith.constant 5.29831743 : f32
    %sub3A_697 = vector.broadcast %sub3A_696 : f32 to vector<16x500xf32>
    %sub3A_698 = arith.subf %sub3A_695, %sub3A_697 : vector<16x500xf32>
    %swap3A_699 = arith.constant 20 : index
    %swap3A_700 = arith.constant 0 : index
    %swap3A_701 = arith.constant 0 : index
    %swap3A_702 = vector.load %arg66[%swap3A_699, %swap3A_700, %swap3A_701] : memref<32x16x500xf32, #tpu.memory_space<vmem>>, vector<1x16x500xf32>
    %swap3A_703 = vector.shape_cast %swap3A_702 : vector<1x16x500xf32> to vector<16x500xf32>
    %swap3A_704 = vector.shape_cast %sub3A_698 : vector<16x500xf32> to vector<1x16x500xf32>
    tpu.vector_store %arg66[%swap3A_699, %swap3A_700, %swap3A_701], %swap3A_704 {strides = array<i32>} : memref<32x16x500xf32, #tpu.memory_space<vmem>>, vector<1x16x500xf32>,
    %get3A_705 = arith.constant 0 : index
    %get3A_706 = arith.constant 0 : index
    %get3A_707 = arith.constant 0 : index
    %get3A_708 = vector.load %arg23[%get3A_705, %get3A_706, %get3A_707] : memref<1x1x500xf32, #tpu.memory_space<vmem>>, vector<1x1x500xf32>
    %get3A_709 = vector.shape_cast %get3A_708 : vector<1x1x500xf32> to vector<1x500xf32>
    %get3A_710 = arith.constant 0 : index
    %get3A_711 = arith.constant 0 : index
    %get3A_712 = arith.constant 0 : index
    %get3A_713 = vector.load %arg55[%get3A_710, %get3A_711, %get3A_712] : memref<1x16x500xf32, #tpu.memory_space<vmem>>, vector<1x16x500xf32>
    %get3A_714 = vector.shape_cast %get3A_713 : vector<1x16x500xf32> to vector<16x500xf32>
    %add3A_715 = vector.broadcast %get3A_709 : vector<1x500xf32> to vector<16x500xf32>
    %add3A_716 = arith.addf %add3A_715, %get3A_714 : vector<16x500xf32>
    %reduce_max3A_717 = arith.constant dense<0xFF800000> : vector<16xf32>
    %reduce_max3A_718 = vector.multi_reduction <maximumf>, %add3A_716, %reduce_max3A_717 [1] : vector<16x500xf32> to vector<16xf32>
    %broadcast_in_dim3A_719 = vector.shape_cast %reduce_max3A_718 : vector<16xf32> to vector<16x1xf32>
    %sub3A_720 = vector.broadcast %broadcast_in_dim3A_719 : vector<16x1xf32> to vector<16x500xf32>
    %sub3A_721 = arith.subf %add3A_716, %sub3A_720 : vector<16x500xf32>
    %exp3A_722 = math.exp %sub3A_721 : vector<16x500xf32>
    %reduce_sum3A_723 = arith.constant dense<0.000000e+00> : vector<16xf32>
    %reduce_sum3A_724 = vector.multi_reduction <add>, %exp3A_722, %reduce_sum3A_723 [1] : vector<16x500xf32> to vector<16xf32>
    %broadcast_in_dim3A_725 = vector.shape_cast %reduce_sum3A_724 : vector<16xf32> to vector<16x1xf32>
    %log3A_726 = math.log %broadcast_in_dim3A_725 : vector<16x1xf32>
    %add3A_727 = arith.addf %log3A_726, %broadcast_in_dim3A_719 : vector<16x1xf32>
    %sub3A_728 = vector.broadcast %add3A_727 : vector<16x1xf32> to vector<16x500xf32>
    %sub3A_729 = arith.subf %add3A_716, %sub3A_728 : vector<16x500xf32>
    %sub3A_730 = arith.constant 5.29831743 : f32
    %sub3A_731 = vector.broadcast %sub3A_730 : f32 to vector<16x500xf32>
    %sub3A_732 = arith.subf %sub3A_729, %sub3A_731 : vector<16x500xf32>
    %swap3A_733 = arith.constant 21 : index
    %swap3A_734 = arith.constant 0 : index
    %swap3A_735 = arith.constant 0 : index
    %swap3A_736 = vector.load %arg66[%swap3A_733, %swap3A_734, %swap3A_735] : memref<32x16x500xf32, #tpu.memory_space<vmem>>, vector<1x16x500xf32>
    %swap3A_737 = vector.shape_cast %swap3A_736 : vector<1x16x500xf32> to vector<16x500xf32>
    %swap3A_738 = vector.shape_cast %sub3A_732 : vector<16x500xf32> to vector<1x16x500xf32>
    tpu.vector_store %arg66[%swap3A_733, %swap3A_734, %swap3A_735], %swap3A_738 {strides = array<i32>} : memref<32x16x500xf32, #tpu.memory_space<vmem>>, vector<1x16x500xf32>,
    %get3A_739 = arith.constant 0 : index
    %get3A_740 = arith.constant 0 : index
    %get3A_741 = arith.constant 0 : index
    %get3A_742 = vector.load %arg24[%get3A_739, %get3A_740, %get3A_741] : memref<1x1x500xf32, #tpu.memory_space<vmem>>, vector<1x1x500xf32>
    %get3A_743 = vector.shape_cast %get3A_742 : vector<1x1x500xf32> to vector<1x500xf32>
    %get3A_744 = arith.constant 0 : index
    %get3A_745 = arith.constant 0 : index
    %get3A_746 = arith.constant 0 : index
    %get3A_747 = vector.load %arg56[%get3A_744, %get3A_745, %get3A_746] : memref<1x16x500xf32, #tpu.memory_space<vmem>>, vector<1x16x500xf32>
    %get3A_748 = vector.shape_cast %get3A_747 : vector<1x16x500xf32> to vector<16x500xf32>
    %add3A_749 = vector.broadcast %get3A_743 : vector<1x500xf32> to vector<16x500xf32>
    %add3A_750 = arith.addf %add3A_749, %get3A_748 : vector<16x500xf32>
    %reduce_max3A_751 = arith.constant dense<0xFF800000> : vector<16xf32>
    %reduce_max3A_752 = vector.multi_reduction <maximumf>, %add3A_750, %reduce_max3A_751 [1] : vector<16x500xf32> to vector<16xf32>
    %broadcast_in_dim3A_753 = vector.shape_cast %reduce_max3A_752 : vector<16xf32> to vector<16x1xf32>
    %sub3A_754 = vector.broadcast %broadcast_in_dim3A_753 : vector<16x1xf32> to vector<16x500xf32>
    %sub3A_755 = arith.subf %add3A_750, %sub3A_754 : vector<16x500xf32>
    %exp3A_756 = math.exp %sub3A_755 : vector<16x500xf32>
    %reduce_sum3A_757 = arith.constant dense<0.000000e+00> : vector<16xf32>
    %reduce_sum3A_758 = vector.multi_reduction <add>, %exp3A_756, %reduce_sum3A_757 [1] : vector<16x500xf32> to vector<16xf32>
    %broadcast_in_dim3A_759 = vector.shape_cast %reduce_sum3A_758 : vector<16xf32> to vector<16x1xf32>
    %log3A_760 = math.log %broadcast_in_dim3A_759 : vector<16x1xf32>
    %add3A_761 = arith.addf %log3A_760, %broadcast_in_dim3A_753 : vector<16x1xf32>
    %sub3A_762 = vector.broadcast %add3A_761 : vector<16x1xf32> to vector<16x500xf32>
    %sub3A_763 = arith.subf %add3A_750, %sub3A_762 : vector<16x500xf32>
    %sub3A_764 = arith.constant 5.29831743 : f32
    %sub3A_765 = vector.broadcast %sub3A_764 : f32 to vector<16x500xf32>
    %sub3A_766 = arith.subf %sub3A_763, %sub3A_765 : vector<16x500xf32>
    %swap3A_767 = arith.constant 22 : index
    %swap3A_768 = arith.constant 0 : index
    %swap3A_769 = arith.constant 0 : index
    %swap3A_770 = vector.load %arg66[%swap3A_767, %swap3A_768, %swap3A_769] : memref<32x16x500xf32, #tpu.memory_space<vmem>>, vector<1x16x500xf32>
    %swap3A_771 = vector.shape_cast %swap3A_770 : vector<1x16x500xf32> to vector<16x500xf32>
    %swap3A_772 = vector.shape_cast %sub3A_766 : vector<16x500xf32> to vector<1x16x500xf32>
    tpu.vector_store %arg66[%swap3A_767, %swap3A_768, %swap3A_769], %swap3A_772 {strides = array<i32>} : memref<32x16x500xf32, #tpu.memory_space<vmem>>, vector<1x16x500xf32>,
    %get3A_773 = arith.constant 0 : index
    %get3A_774 = arith.constant 0 : index
    %get3A_775 = arith.constant 0 : index
    %get3A_776 = vector.load %arg25[%get3A_773, %get3A_774, %get3A_775] : memref<1x1x500xf32, #tpu.memory_space<vmem>>, vector<1x1x500xf32>
    %get3A_777 = vector.shape_cast %get3A_776 : vector<1x1x500xf32> to vector<1x500xf32>
    %get3A_778 = arith.constant 0 : index
    %get3A_779 = arith.constant 0 : index
    %get3A_780 = arith.constant 0 : index
    %get3A_781 = vector.load %arg57[%get3A_778, %get3A_779, %get3A_780] : memref<1x16x500xf32, #tpu.memory_space<vmem>>, vector<1x16x500xf32>
    %get3A_782 = vector.shape_cast %get3A_781 : vector<1x16x500xf32> to vector<16x500xf32>
    %add3A_783 = vector.broadcast %get3A_777 : vector<1x500xf32> to vector<16x500xf32>
    %add3A_784 = arith.addf %add3A_783, %get3A_782 : vector<16x500xf32>
    %reduce_max3A_785 = arith.constant dense<0xFF800000> : vector<16xf32>
    %reduce_max3A_786 = vector.multi_reduction <maximumf>, %add3A_784, %reduce_max3A_785 [1] : vector<16x500xf32> to vector<16xf32>
    %broadcast_in_dim3A_787 = vector.shape_cast %reduce_max3A_786 : vector<16xf32> to vector<16x1xf32>
    %sub3A_788 = vector.broadcast %broadcast_in_dim3A_787 : vector<16x1xf32> to vector<16x500xf32>
    %sub3A_789 = arith.subf %add3A_784, %sub3A_788 : vector<16x500xf32>
    %exp3A_790 = math.exp %sub3A_789 : vector<16x500xf32>
    %reduce_sum3A_791 = arith.constant dense<0.000000e+00> : vector<16xf32>
    %reduce_sum3A_792 = vector.multi_reduction <add>, %exp3A_790, %reduce_sum3A_791 [1] : vector<16x500xf32> to vector<16xf32>
    %broadcast_in_dim3A_793 = vector.shape_cast %reduce_sum3A_792 : vector<16xf32> to vector<16x1xf32>
    %log3A_794 = math.log %broadcast_in_dim3A_793 : vector<16x1xf32>
    %add3A_795 = arith.addf %log3A_794, %broadcast_in_dim3A_787 : vector<16x1xf32>
    %sub3A_796 = vector.broadcast %add3A_795 : vector<16x1xf32> to vector<16x500xf32>
    %sub3A_797 = arith.subf %add3A_784, %sub3A_796 : vector<16x500xf32>
    %sub3A_798 = arith.constant 5.29831743 : f32
    %sub3A_799 = vector.broadcast %sub3A_798 : f32 to vector<16x500xf32>
    %sub3A_800 = arith.subf %sub3A_797, %sub3A_799 : vector<16x500xf32>
    %swap3A_801 = arith.constant 23 : index
    %swap3A_802 = arith.constant 0 : index
    %swap3A_803 = arith.constant 0 : index
    %swap3A_804 = vector.load %arg66[%swap3A_801, %swap3A_802, %swap3A_803] : memref<32x16x500xf32, #tpu.memory_space<vmem>>, vector<1x16x500xf32>
    %swap3A_805 = vector.shape_cast %swap3A_804 : vector<1x16x500xf32> to vector<16x500xf32>
    %swap3A_806 = vector.shape_cast %sub3A_800 : vector<16x500xf32> to vector<1x16x500xf32>
    tpu.vector_store %arg66[%swap3A_801, %swap3A_802, %swap3A_803], %swap3A_806 {strides = array<i32>} : memref<32x16x500xf32, #tpu.memory_space<vmem>>, vector<1x16x500xf32>,
    %get3A_807 = arith.constant 0 : index
    %get3A_808 = arith.constant 0 : index
    %get3A_809 = arith.constant 0 : index
    %get3A_810 = vector.load %arg26[%get3A_807, %get3A_808, %get3A_809] : memref<1x1x500xf32, #tpu.memory_space<vmem>>, vector<1x1x500xf32>
    %get3A_811 = vector.shape_cast %get3A_810 : vector<1x1x500xf32> to vector<1x500xf32>
    %get3A_812 = arith.constant 0 : index
    %get3A_813 = arith.constant 0 : index
    %get3A_814 = arith.constant 0 : index
    %get3A_815 = vector.load %arg58[%get3A_812, %get3A_813, %get3A_814] : memref<1x16x500xf32, #tpu.memory_space<vmem>>, vector<1x16x500xf32>
    %get3A_816 = vector.shape_cast %get3A_815 : vector<1x16x500xf32> to vector<16x500xf32>
    %add3A_817 = vector.broadcast %get3A_811 : vector<1x500xf32> to vector<16x500xf32>
    %add3A_818 = arith.addf %add3A_817, %get3A_816 : vector<16x500xf32>
    %reduce_max3A_819 = arith.constant dense<0xFF800000> : vector<16xf32>
    %reduce_max3A_820 = vector.multi_reduction <maximumf>, %add3A_818, %reduce_max3A_819 [1] : vector<16x500xf32> to vector<16xf32>
    %broadcast_in_dim3A_821 = vector.shape_cast %reduce_max3A_820 : vector<16xf32> to vector<16x1xf32>
    %sub3A_822 = vector.broadcast %broadcast_in_dim3A_821 : vector<16x1xf32> to vector<16x500xf32>
    %sub3A_823 = arith.subf %add3A_818, %sub3A_822 : vector<16x500xf32>
    %exp3A_824 = math.exp %sub3A_823 : vector<16x500xf32>
    %reduce_sum3A_825 = arith.constant dense<0.000000e+00> : vector<16xf32>
    %reduce_sum3A_826 = vector.multi_reduction <add>, %exp3A_824, %reduce_sum3A_825 [1] : vector<16x500xf32> to vector<16xf32>
    %broadcast_in_dim3A_827 = vector.shape_cast %reduce_sum3A_826 : vector<16xf32> to vector<16x1xf32>
    %log3A_828 = math.log %broadcast_in_dim3A_827 : vector<16x1xf32>
    %add3A_829 = arith.addf %log3A_828, %broadcast_in_dim3A_821 : vector<16x1xf32>
    %sub3A_830 = vector.broadcast %add3A_829 : vector<16x1xf32> to vector<16x500xf32>
    %sub3A_831 = arith.subf %add3A_818, %sub3A_830 : vector<16x500xf32>
    %sub3A_832 = arith.constant 5.29831743 : f32
    %sub3A_833 = vector.broadcast %sub3A_832 : f32 to vector<16x500xf32>
    %sub3A_834 = arith.subf %sub3A_831, %sub3A_833 : vector<16x500xf32>
    %swap3A_835 = arith.constant 24 : index
    %swap3A_836 = arith.constant 0 : index
    %swap3A_837 = arith.constant 0 : index
    %swap3A_838 = vector.load %arg66[%swap3A_835, %swap3A_836, %swap3A_837] : memref<32x16x500xf32, #tpu.memory_space<vmem>>, vector<1x16x500xf32>
    %swap3A_839 = vector.shape_cast %swap3A_838 : vector<1x16x500xf32> to vector<16x500xf32>
    %swap3A_840 = vector.shape_cast %sub3A_834 : vector<16x500xf32> to vector<1x16x500xf32>
    tpu.vector_store %arg66[%swap3A_835, %swap3A_836, %swap3A_837], %swap3A_840 {strides = array<i32>} : memref<32x16x500xf32, #tpu.memory_space<vmem>>, vector<1x16x500xf32>,
    %get3A_841 = arith.constant 0 : index
    %get3A_842 = arith.constant 0 : index
    %get3A_843 = arith.constant 0 : index
    %get3A_844 = vector.load %arg27[%get3A_841, %get3A_842, %get3A_843] : memref<1x1x500xf32, #tpu.memory_space<vmem>>, vector<1x1x500xf32>
    %get3A_845 = vector.shape_cast %get3A_844 : vector<1x1x500xf32> to vector<1x500xf32>
    %get3A_846 = arith.constant 0 : index
    %get3A_847 = arith.constant 0 : index
    %get3A_848 = arith.constant 0 : index
    %get3A_849 = vector.load %arg59[%get3A_846, %get3A_847, %get3A_848] : memref<1x16x500xf32, #tpu.memory_space<vmem>>, vector<1x16x500xf32>
    %get3A_850 = vector.shape_cast %get3A_849 : vector<1x16x500xf32> to vector<16x500xf32>
    %add3A_851 = vector.broadcast %get3A_845 : vector<1x500xf32> to vector<16x500xf32>
    %add3A_852 = arith.addf %add3A_851, %get3A_850 : vector<16x500xf32>
    %reduce_max3A_853 = arith.constant dense<0xFF800000> : vector<16xf32>
    %reduce_max3A_854 = vector.multi_reduction <maximumf>, %add3A_852, %reduce_max3A_853 [1] : vector<16x500xf32> to vector<16xf32>
    %broadcast_in_dim3A_855 = vector.shape_cast %reduce_max3A_854 : vector<16xf32> to vector<16x1xf32>
    %sub3A_856 = vector.broadcast %broadcast_in_dim3A_855 : vector<16x1xf32> to vector<16x500xf32>
    %sub3A_857 = arith.subf %add3A_852, %sub3A_856 : vector<16x500xf32>
    %exp3A_858 = math.exp %sub3A_857 : vector<16x500xf32>
    %reduce_sum3A_859 = arith.constant dense<0.000000e+00> : vector<16xf32>
    %reduce_sum3A_860 = vector.multi_reduction <add>, %exp3A_858, %reduce_sum3A_859 [1] : vector<16x500xf32> to vector<16xf32>
    %broadcast_in_dim3A_861 = vector.shape_cast %reduce_sum3A_860 : vector<16xf32> to vector<16x1xf32>
    %log3A_862 = math.log %broadcast_in_dim3A_861 : vector<16x1xf32>
    %add3A_863 = arith.addf %log3A_862, %broadcast_in_dim3A_855 : vector<16x1xf32>
    %sub3A_864 = vector.broadcast %add3A_863 : vector<16x1xf32> to vector<16x500xf32>
    %sub3A_865 = arith.subf %add3A_852, %sub3A_864 : vector<16x500xf32>
    %sub3A_866 = arith.constant 5.29831743 : f32
    %sub3A_867 = vector.broadcast %sub3A_866 : f32 to vector<16x500xf32>
    %sub3A_868 = arith.subf %sub3A_865, %sub3A_867 : vector<16x500xf32>
    %swap3A_869 = arith.constant 25 : index
    %swap3A_870 = arith.constant 0 : index
    %swap3A_871 = arith.constant 0 : index
    %swap3A_872 = vector.load %arg66[%swap3A_869, %swap3A_870, %swap3A_871] : memref<32x16x500xf32, #tpu.memory_space<vmem>>, vector<1x16x500xf32>
    %swap3A_873 = vector.shape_cast %swap3A_872 : vector<1x16x500xf32> to vector<16x500xf32>
    %swap3A_874 = vector.shape_cast %sub3A_868 : vector<16x500xf32> to vector<1x16x500xf32>
    tpu.vector_store %arg66[%swap3A_869, %swap3A_870, %swap3A_871], %swap3A_874 {strides = array<i32>} : memref<32x16x500xf32, #tpu.memory_space<vmem>>, vector<1x16x500xf32>,
    %get3A_875 = arith.constant 0 : index
    %get3A_876 = arith.constant 0 : index
    %get3A_877 = arith.constant 0 : index
    %get3A_878 = vector.load %arg28[%get3A_875, %get3A_876, %get3A_877] : memref<1x1x500xf32, #tpu.memory_space<vmem>>, vector<1x1x500xf32>
    %get3A_879 = vector.shape_cast %get3A_878 : vector<1x1x500xf32> to vector<1x500xf32>
    %get3A_880 = arith.constant 0 : index
    %get3A_881 = arith.constant 0 : index
    %get3A_882 = arith.constant 0 : index
    %get3A_883 = vector.load %arg60[%get3A_880, %get3A_881, %get3A_882] : memref<1x16x500xf32, #tpu.memory_space<vmem>>, vector<1x16x500xf32>
    %get3A_884 = vector.shape_cast %get3A_883 : vector<1x16x500xf32> to vector<16x500xf32>
    %add3A_885 = vector.broadcast %get3A_879 : vector<1x500xf32> to vector<16x500xf32>
    %add3A_886 = arith.addf %add3A_885, %get3A_884 : vector<16x500xf32>
    %reduce_max3A_887 = arith.constant dense<0xFF800000> : vector<16xf32>
    %reduce_max3A_888 = vector.multi_reduction <maximumf>, %add3A_886, %reduce_max3A_887 [1] : vector<16x500xf32> to vector<16xf32>
    %broadcast_in_dim3A_889 = vector.shape_cast %reduce_max3A_888 : vector<16xf32> to vector<16x1xf32>
    %sub3A_890 = vector.broadcast %broadcast_in_dim3A_889 : vector<16x1xf32> to vector<16x500xf32>
    %sub3A_891 = arith.subf %add3A_886, %sub3A_890 : vector<16x500xf32>
    %exp3A_892 = math.exp %sub3A_891 : vector<16x500xf32>
    %reduce_sum3A_893 = arith.constant dense<0.000000e+00> : vector<16xf32>
    %reduce_sum3A_894 = vector.multi_reduction <add>, %exp3A_892, %reduce_sum3A_893 [1] : vector<16x500xf32> to vector<16xf32>
    %broadcast_in_dim3A_895 = vector.shape_cast %reduce_sum3A_894 : vector<16xf32> to vector<16x1xf32>
    %log3A_896 = math.log %broadcast_in_dim3A_895 : vector<16x1xf32>
    %add3A_897 = arith.addf %log3A_896, %broadcast_in_dim3A_889 : vector<16x1xf32>
    %sub3A_898 = vector.broadcast %add3A_897 : vector<16x1xf32> to vector<16x500xf32>
    %sub3A_899 = arith.subf %add3A_886, %sub3A_898 : vector<16x500xf32>
    %sub3A_900 = arith.constant 5.29831743 : f32
    %sub3A_901 = vector.broadcast %sub3A_900 : f32 to vector<16x500xf32>
    %sub3A_902 = arith.subf %sub3A_899, %sub3A_901 : vector<16x500xf32>
    %swap3A_903 = arith.constant 26 : index
    %swap3A_904 = arith.constant 0 : index
    %swap3A_905 = arith.constant 0 : index
    %swap3A_906 = vector.load %arg66[%swap3A_903, %swap3A_904, %swap3A_905] : memref<32x16x500xf32, #tpu.memory_space<vmem>>, vector<1x16x500xf32>
    %swap3A_907 = vector.shape_cast %swap3A_906 : vector<1x16x500xf32> to vector<16x500xf32>
    %swap3A_908 = vector.shape_cast %sub3A_902 : vector<16x500xf32> to vector<1x16x500xf32>
    tpu.vector_store %arg66[%swap3A_903, %swap3A_904, %swap3A_905], %swap3A_908 {strides = array<i32>} : memref<32x16x500xf32, #tpu.memory_space<vmem>>, vector<1x16x500xf32>,
    %get3A_909 = arith.constant 0 : index
    %get3A_910 = arith.constant 0 : index
    %get3A_911 = arith.constant 0 : index
    %get3A_912 = vector.load %arg29[%get3A_909, %get3A_910, %get3A_911] : memref<1x1x500xf32, #tpu.memory_space<vmem>>, vector<1x1x500xf32>
    %get3A_913 = vector.shape_cast %get3A_912 : vector<1x1x500xf32> to vector<1x500xf32>
    %get3A_914 = arith.constant 0 : index
    %get3A_915 = arith.constant 0 : index
    %get3A_916 = arith.constant 0 : index
    %get3A_917 = vector.load %arg61[%get3A_914, %get3A_915, %get3A_916] : memref<1x16x500xf32, #tpu.memory_space<vmem>>, vector<1x16x500xf32>
    %get3A_918 = vector.shape_cast %get3A_917 : vector<1x16x500xf32> to vector<16x500xf32>
    %add3A_919 = vector.broadcast %get3A_913 : vector<1x500xf32> to vector<16x500xf32>
    %add3A_920 = arith.addf %add3A_919, %get3A_918 : vector<16x500xf32>
    %reduce_max3A_921 = arith.constant dense<0xFF800000> : vector<16xf32>
    %reduce_max3A_922 = vector.multi_reduction <maximumf>, %add3A_920, %reduce_max3A_921 [1] : vector<16x500xf32> to vector<16xf32>
    %broadcast_in_dim3A_923 = vector.shape_cast %reduce_max3A_922 : vector<16xf32> to vector<16x1xf32>
    %sub3A_924 = vector.broadcast %broadcast_in_dim3A_923 : vector<16x1xf32> to vector<16x500xf32>
    %sub3A_925 = arith.subf %add3A_920, %sub3A_924 : vector<16x500xf32>
    %exp3A_926 = math.exp %sub3A_925 : vector<16x500xf32>
    %reduce_sum3A_927 = arith.constant dense<0.000000e+00> : vector<16xf32>
    %reduce_sum3A_928 = vector.multi_reduction <add>, %exp3A_926, %reduce_sum3A_927 [1] : vector<16x500xf32> to vector<16xf32>
    %broadcast_in_dim3A_929 = vector.shape_cast %reduce_sum3A_928 : vector<16xf32> to vector<16x1xf32>
    %log3A_930 = math.log %broadcast_in_dim3A_929 : vector<16x1xf32>
    %add3A_931 = arith.addf %log3A_930, %broadcast_in_dim3A_923 : vector<16x1xf32>
    %sub3A_932 = vector.broadcast %add3A_931 : vector<16x1xf32> to vector<16x500xf32>
    %sub3A_933 = arith.subf %add3A_920, %sub3A_932 : vector<16x500xf32>
    %sub3A_934 = arith.constant 5.29831743 : f32
    %sub3A_935 = vector.broadcast %sub3A_934 : f32 to vector<16x500xf32>
    %sub3A_936 = arith.subf %sub3A_933, %sub3A_935 : vector<16x500xf32>
    %swap3A_937 = arith.constant 27 : index
    %swap3A_938 = arith.constant 0 : index
    %swap3A_939 = arith.constant 0 : index
    %swap3A_940 = vector.load %arg66[%swap3A_937, %swap3A_938, %swap3A_939] : memref<32x16x500xf32, #tpu.memory_space<vmem>>, vector<1x16x500xf32>
    %swap3A_941 = vector.shape_cast %swap3A_940 : vector<1x16x500xf32> to vector<16x500xf32>
    %swap3A_942 = vector.shape_cast %sub3A_936 : vector<16x500xf32> to vector<1x16x500xf32>
    tpu.vector_store %arg66[%swap3A_937, %swap3A_938, %swap3A_939], %swap3A_942 {strides = array<i32>} : memref<32x16x500xf32, #tpu.memory_space<vmem>>, vector<1x16x500xf32>,
    %get3A_943 = arith.constant 0 : index
    %get3A_944 = arith.constant 0 : index
    %get3A_945 = arith.constant 0 : index
    %get3A_946 = vector.load %arg30[%get3A_943, %get3A_944, %get3A_945] : memref<1x1x500xf32, #tpu.memory_space<vmem>>, vector<1x1x500xf32>
    %get3A_947 = vector.shape_cast %get3A_946 : vector<1x1x500xf32> to vector<1x500xf32>
    %get3A_948 = arith.constant 0 : index
    %get3A_949 = arith.constant 0 : index
    %get3A_950 = arith.constant 0 : index
    %get3A_951 = vector.load %arg62[%get3A_948, %get3A_949, %get3A_950] : memref<1x16x500xf32, #tpu.memory_space<vmem>>, vector<1x16x500xf32>
    %get3A_952 = vector.shape_cast %get3A_951 : vector<1x16x500xf32> to vector<16x500xf32>
    %add3A_953 = vector.broadcast %get3A_947 : vector<1x500xf32> to vector<16x500xf32>
    %add3A_954 = arith.addf %add3A_953, %get3A_952 : vector<16x500xf32>
    %reduce_max3A_955 = arith.constant dense<0xFF800000> : vector<16xf32>
    %reduce_max3A_956 = vector.multi_reduction <maximumf>, %add3A_954, %reduce_max3A_955 [1] : vector<16x500xf32> to vector<16xf32>
    %broadcast_in_dim3A_957 = vector.shape_cast %reduce_max3A_956 : vector<16xf32> to vector<16x1xf32>
    %sub3A_958 = vector.broadcast %broadcast_in_dim3A_957 : vector<16x1xf32> to vector<16x500xf32>
    %sub3A_959 = arith.subf %add3A_954, %sub3A_958 : vector<16x500xf32>
    %exp3A_960 = math.exp %sub3A_959 : vector<16x500xf32>
    %reduce_sum3A_961 = arith.constant dense<0.000000e+00> : vector<16xf32>
    %reduce_sum3A_962 = vector.multi_reduction <add>, %exp3A_960, %reduce_sum3A_961 [1] : vector<16x500xf32> to vector<16xf32>
    %broadcast_in_dim3A_963 = vector.shape_cast %reduce_sum3A_962 : vector<16xf32> to vector<16x1xf32>
    %log3A_964 = math.log %broadcast_in_dim3A_963 : vector<16x1xf32>
    %add3A_965 = arith.addf %log3A_964, %broadcast_in_dim3A_957 : vector<16x1xf32>
    %sub3A_966 = vector.broadcast %add3A_965 : vector<16x1xf32> to vector<16x500xf32>
    %sub3A_967 = arith.subf %add3A_954, %sub3A_966 : vector<16x500xf32>
    %sub3A_968 = arith.constant 5.29831743 : f32
    %sub3A_969 = vector.broadcast %sub3A_968 : f32 to vector<16x500xf32>
    %sub3A_970 = arith.subf %sub3A_967, %sub3A_969 : vector<16x500xf32>
    %swap3A_971 = arith.constant 28 : index
    %swap3A_972 = arith.constant 0 : index
    %swap3A_973 = arith.constant 0 : index
    %swap3A_974 = vector.load %arg66[%swap3A_971, %swap3A_972, %swap3A_973] : memref<32x16x500xf32, #tpu.memory_space<vmem>>, vector<1x16x500xf32>
    %swap3A_975 = vector.shape_cast %swap3A_974 : vector<1x16x500xf32> to vector<16x500xf32>
    %swap3A_976 = vector.shape_cast %sub3A_970 : vector<16x500xf32> to vector<1x16x500xf32>
    tpu.vector_store %arg66[%swap3A_971, %swap3A_972, %swap3A_973], %swap3A_976 {strides = array<i32>} : memref<32x16x500xf32, #tpu.memory_space<vmem>>, vector<1x16x500xf32>,
    %get3A_977 = arith.constant 0 : index
    %get3A_978 = arith.constant 0 : index
    %get3A_979 = arith.constant 0 : index
    %get3A_980 = vector.load %arg31[%get3A_977, %get3A_978, %get3A_979] : memref<1x1x500xf32, #tpu.memory_space<vmem>>, vector<1x1x500xf32>
    %get3A_981 = vector.shape_cast %get3A_980 : vector<1x1x500xf32> to vector<1x500xf32>
    %get3A_982 = arith.constant 0 : index
    %get3A_983 = arith.constant 0 : index
    %get3A_984 = arith.constant 0 : index
    %get3A_985 = vector.load %arg63[%get3A_982, %get3A_983, %get3A_984] : memref<1x16x500xf32, #tpu.memory_space<vmem>>, vector<1x16x500xf32>
    %get3A_986 = vector.shape_cast %get3A_985 : vector<1x16x500xf32> to vector<16x500xf32>
    %add3A_987 = vector.broadcast %get3A_981 : vector<1x500xf32> to vector<16x500xf32>
    %add3A_988 = arith.addf %add3A_987, %get3A_986 : vector<16x500xf32>
    %reduce_max3A_989 = arith.constant dense<0xFF800000> : vector<16xf32>
    %reduce_max3A_990 = vector.multi_reduction <maximumf>, %add3A_988, %reduce_max3A_989 [1] : vector<16x500xf32> to vector<16xf32>
    %broadcast_in_dim3A_991 = vector.shape_cast %reduce_max3A_990 : vector<16xf32> to vector<16x1xf32>
    %sub3A_992 = vector.broadcast %broadcast_in_dim3A_991 : vector<16x1xf32> to vector<16x500xf32>
    %sub3A_993 = arith.subf %add3A_988, %sub3A_992 : vector<16x500xf32>
    %exp3A_994 = math.exp %sub3A_993 : vector<16x500xf32>
    %reduce_sum3A_995 = arith.constant dense<0.000000e+00> : vector<16xf32>
    %reduce_sum3A_996 = vector.multi_reduction <add>, %exp3A_994, %reduce_sum3A_995 [1] : vector<16x500xf32> to vector<16xf32>
    %broadcast_in_dim3A_997 = vector.shape_cast %reduce_sum3A_996 : vector<16xf32> to vector<16x1xf32>
    %log3A_998 = math.log %broadcast_in_dim3A_997 : vector<16x1xf32>
    %add3A_999 = arith.addf %log3A_998, %broadcast_in_dim3A_991 : vector<16x1xf32>
    %sub3A_1000 = vector.broadcast %add3A_999 : vector<16x1xf32> to vector<16x500xf32>
    %sub3A_1001 = arith.subf %add3A_988, %sub3A_1000 : vector<16x500xf32>
    %sub3A_1002 = arith.constant 5.29831743 : f32
    %sub3A_1003 = vector.broadcast %sub3A_1002 : f32 to vector<16x500xf32>
    %sub3A_1004 = arith.subf %sub3A_1001, %sub3A_1003 : vector<16x500xf32>
    %swap3A_1005 = arith.constant 29 : index
    %swap3A_1006 = arith.constant 0 : index
    %swap3A_1007 = arith.constant 0 : index
    %swap3A_1008 = vector.load %arg66[%swap3A_1005, %swap3A_1006, %swap3A_1007] : memref<32x16x500xf32, #tpu.memory_space<vmem>>, vector<1x16x500xf32>
    %swap3A_1009 = vector.shape_cast %swap3A_1008 : vector<1x16x500xf32> to vector<16x500xf32>
    %swap3A_1010 = vector.shape_cast %sub3A_1004 : vector<16x500xf32> to vector<1x16x500xf32>
    tpu.vector_store %arg66[%swap3A_1005, %swap3A_1006, %swap3A_1007], %swap3A_1010 {strides = array<i32>} : memref<32x16x500xf32, #tpu.memory_space<vmem>>, vector<1x16x500xf32>,
    %get3A_1011 = arith.constant 0 : index
    %get3A_1012 = arith.constant 0 : index
    %get3A_1013 = arith.constant 0 : index
    %get3A_1014 = vector.load %arg32[%get3A_1011, %get3A_1012, %get3A_1013] : memref<1x1x500xf32, #tpu.memory_space<vmem>>, vector<1x1x500xf32>
    %get3A_1015 = vector.shape_cast %get3A_1014 : vector<1x1x500xf32> to vector<1x500xf32>
    %get3A_1016 = arith.constant 0 : index
    %get3A_1017 = arith.constant 0 : index
    %get3A_1018 = arith.constant 0 : index
    %get3A_1019 = vector.load %arg64[%get3A_1016, %get3A_1017, %get3A_1018] : memref<1x16x500xf32, #tpu.memory_space<vmem>>, vector<1x16x500xf32>
    %get3A_1020 = vector.shape_cast %get3A_1019 : vector<1x16x500xf32> to vector<16x500xf32>
    %add3A_1021 = vector.broadcast %get3A_1015 : vector<1x500xf32> to vector<16x500xf32>
    %add3A_1022 = arith.addf %add3A_1021, %get3A_1020 : vector<16x500xf32>
    %reduce_max3A_1023 = arith.constant dense<0xFF800000> : vector<16xf32>
    %reduce_max3A_1024 = vector.multi_reduction <maximumf>, %add3A_1022, %reduce_max3A_1023 [1] : vector<16x500xf32> to vector<16xf32>
    %broadcast_in_dim3A_1025 = vector.shape_cast %reduce_max3A_1024 : vector<16xf32> to vector<16x1xf32>
    %sub3A_1026 = vector.broadcast %broadcast_in_dim3A_1025 : vector<16x1xf32> to vector<16x500xf32>
    %sub3A_1027 = arith.subf %add3A_1022, %sub3A_1026 : vector<16x500xf32>
    %exp3A_1028 = math.exp %sub3A_1027 : vector<16x500xf32>
    %reduce_sum3A_1029 = arith.constant dense<0.000000e+00> : vector<16xf32>
    %reduce_sum3A_1030 = vector.multi_reduction <add>, %exp3A_1028, %reduce_sum3A_1029 [1] : vector<16x500xf32> to vector<16xf32>
    %broadcast_in_dim3A_1031 = vector.shape_cast %reduce_sum3A_1030 : vector<16xf32> to vector<16x1xf32>
    %log3A_1032 = math.log %broadcast_in_dim3A_1031 : vector<16x1xf32>
    %add3A_1033 = arith.addf %log3A_1032, %broadcast_in_dim3A_1025 : vector<16x1xf32>
    %sub3A_1034 = vector.broadcast %add3A_1033 : vector<16x1xf32> to vector<16x500xf32>
    %sub3A_1035 = arith.subf %add3A_1022, %sub3A_1034 : vector<16x500xf32>
    %sub3A_1036 = arith.constant 5.29831743 : f32
    %sub3A_1037 = vector.broadcast %sub3A_1036 : f32 to vector<16x500xf32>
    %sub3A_1038 = arith.subf %sub3A_1035, %sub3A_1037 : vector<16x500xf32>
    %swap3A_1039 = arith.constant 30 : index
    %swap3A_1040 = arith.constant 0 : index
    %swap3A_1041 = arith.constant 0 : index
    %swap3A_1042 = vector.load %arg66[%swap3A_1039, %swap3A_1040, %swap3A_1041] : memref<32x16x500xf32, #tpu.memory_space<vmem>>, vector<1x16x500xf32>
    %swap3A_1043 = vector.shape_cast %swap3A_1042 : vector<1x16x500xf32> to vector<16x500xf32>
    %swap3A_1044 = vector.shape_cast %sub3A_1038 : vector<16x500xf32> to vector<1x16x500xf32>
    tpu.vector_store %arg66[%swap3A_1039, %swap3A_1040, %swap3A_1041], %swap3A_1044 {strides = array<i32>} : memref<32x16x500xf32, #tpu.memory_space<vmem>>, vector<1x16x500xf32>,
    %get3A_1045 = arith.constant 0 : index
    %get3A_1046 = arith.constant 0 : index
    %get3A_1047 = arith.constant 0 : index
    %get3A_1048 = vector.load %arg33[%get3A_1045, %get3A_1046, %get3A_1047] : memref<1x1x500xf32, #tpu.memory_space<vmem>>, vector<1x1x500xf32>
    %get3A_1049 = vector.shape_cast %get3A_1048 : vector<1x1x500xf32> to vector<1x500xf32>
    %get3A_1050 = arith.constant 0 : index
    %get3A_1051 = arith.constant 0 : index
    %get3A_1052 = arith.constant 0 : index
    %get3A_1053 = vector.load %arg65[%get3A_1050, %get3A_1051, %get3A_1052] : memref<1x16x500xf32, #tpu.memory_space<vmem>>, vector<1x16x500xf32>
    %get3A_1054 = vector.shape_cast %get3A_1053 : vector<1x16x500xf32> to vector<16x500xf32>
    %add3A_1055 = vector.broadcast %get3A_1049 : vector<1x500xf32> to vector<16x500xf32>
    %add3A_1056 = arith.addf %add3A_1055, %get3A_1054 : vector<16x500xf32>
    %reduce_max3A_1057 = arith.constant dense<0xFF800000> : vector<16xf32>
    %reduce_max3A_1058 = vector.multi_reduction <maximumf>, %add3A_1056, %reduce_max3A_1057 [1] : vector<16x500xf32> to vector<16xf32>
    %broadcast_in_dim3A_1059 = vector.shape_cast %reduce_max3A_1058 : vector<16xf32> to vector<16x1xf32>
    %sub3A_1060 = vector.broadcast %broadcast_in_dim3A_1059 : vector<16x1xf32> to vector<16x500xf32>
    %sub3A_1061 = arith.subf %add3A_1056, %sub3A_1060 : vector<16x500xf32>
    %exp3A_1062 = math.exp %sub3A_1061 : vector<16x500xf32>
    %reduce_sum3A_1063 = arith.constant dense<0.000000e+00> : vector<16xf32>
    %reduce_sum3A_1064 = vector.multi_reduction <add>, %exp3A_1062, %reduce_sum3A_1063 [1] : vector<16x500xf32> to vector<16xf32>
    %broadcast_in_dim3A_1065 = vector.shape_cast %reduce_sum3A_1064 : vector<16xf32> to vector<16x1xf32>
    %log3A_1066 = math.log %broadcast_in_dim3A_1065 : vector<16x1xf32>
    %add3A_1067 = arith.addf %log3A_1066, %broadcast_in_dim3A_1059 : vector<16x1xf32>
    %sub3A_1068 = vector.broadcast %add3A_1067 : vector<16x1xf32> to vector<16x500xf32>
    %sub3A_1069 = arith.subf %add3A_1056, %sub3A_1068 : vector<16x500xf32>
    %sub3A_1070 = arith.constant 5.29831743 : f32
    %sub3A_1071 = vector.broadcast %sub3A_1070 : f32 to vector<16x500xf32>
    %sub3A_1072 = arith.subf %sub3A_1069, %sub3A_1071 : vector<16x500xf32>
    %swap3A_1073 = arith.constant 31 : index
    %swap3A_1074 = arith.constant 0 : index
    %swap3A_1075 = arith.constant 0 : index
    %swap3A_1076 = vector.load %arg66[%swap3A_1073, %swap3A_1074, %swap3A_1075] : memref<32x16x500xf32, #tpu.memory_space<vmem>>, vector<1x16x500xf32>
    %swap3A_1077 = vector.shape_cast %swap3A_1076 : vector<1x16x500xf32> to vector<16x500xf32>
    %swap3A_1078 = vector.shape_cast %sub3A_1072 : vector<16x500xf32> to vector<1x16x500xf32>
    tpu.vector_store %arg66[%swap3A_1073, %swap3A_1074, %swap3A_1075], %swap3A_1078 {strides = array<i32>} : memref<32x16x500xf32, #tpu.memory_space<vmem>>, vector<1x16x500xf32>,
    return
  }
  func.func @transform_0(%arg0: i32, %arg1: memref<256xi32, #tpu.memory_space<smem>>) -> (i32, i32, i32) {
    %mul3A = arith.constant 32 : i32
    %mul3A_0 = arith.muli %arg0, %mul3A : i32
    %add3A = arith.constant 0 : i32
    %add3A_1 = arith.addi %mul3A_0, %add3A : i32
    %get3A = arith.index_cast %add3A_1 : i32 to index
    %get3A_2 = memref.load %arg1[%get3A] : memref<256xi32, #tpu.memory_space<smem>>
    %c0_i32 = arith.constant 0 : i32
    %c0_i32_3 = arith.constant 0 : i32
    %c0_i32_4 = arith.constant 0 : i32
    return %get3A_2, %c0_i32, %c0_i32_3 : i32, i32, i32
  }
  func.func @transform_1(%arg0: i32, %arg1: memref<256xi32, #tpu.memory_space<smem>>) -> (i32, i32, i32) {
    %mul3A = arith.constant 32 : i32
    %mul3A_0 = arith.muli %arg0, %mul3A : i32
    %add3A = arith.constant 1 : i32
    %add3A_1 = arith.addi %mul3A_0, %add3A : i32
    %get3A = arith.index_cast %add3A_1 : i32 to index
    %get3A_2 = memref.load %arg1[%get3A] : memref<256xi32, #tpu.memory_space<smem>>
    %c0_i32 = arith.constant 0 : i32
    %c0_i32_3 = arith.constant 0 : i32
    %c0_i32_4 = arith.constant 0 : i32
    return %get3A_2, %c0_i32, %c0_i32_3 : i32, i32, i32
  }
  func.func @transform_2(%arg0: i32, %arg1: memref<256xi32, #tpu.memory_space<smem>>) -> (i32, i32, i32) {
    %mul3A = arith.constant 32 : i32
    %mul3A_0 = arith.muli %arg0, %mul3A : i32
    %add3A = arith.constant 2 : i32
    %add3A_1 = arith.addi %mul3A_0, %add3A : i32
    %get3A = arith.index_cast %add3A_1 : i32 to index
    %get3A_2 = memref.load %arg1[%get3A] : memref<256xi32, #tpu.memory_space<smem>>
    %c0_i32 = arith.constant 0 : i32
    %c0_i32_3 = arith.constant 0 : i32
    %c0_i32_4 = arith.constant 0 : i32
    return %get3A_2, %c0_i32, %c0_i32_3 : i32, i32, i32
  }
  func.func @transform_3(%arg0: i32, %arg1: memref<256xi32, #tpu.memory_space<smem>>) -> (i32, i32, i32) {
    %mul3A = arith.constant 32 : i32
    %mul3A_0 = arith.muli %arg0, %mul3A : i32
    %add3A = arith.constant 3 : i32
    %add3A_1 = arith.addi %mul3A_0, %add3A : i32
    %get3A = arith.index_cast %add3A_1 : i32 to index
    %get3A_2 = memref.load %arg1[%get3A] : memref<256xi32, #tpu.memory_space<smem>>
    %c0_i32 = arith.constant 0 : i32
    %c0_i32_3 = arith.constant 0 : i32
    %c0_i32_4 = arith.constant 0 : i32
    return %get3A_2, %c0_i32, %c0_i32_3 : i32, i32, i32
  }
  func.func @transform_4(%arg0: i32, %arg1: memref<256xi32, #tpu.memory_space<smem>>) -> (i32, i32, i32) {
    %mul3A = arith.constant 32 : i32
    %mul3A_0 = arith.muli %arg0, %mul3A : i32
    %add3A = arith.constant 4 : i32
    %add3A_1 = arith.addi %mul3A_0, %add3A : i32
    %get3A = arith.index_cast %add3A_1 : i32 to index
    %get3A_2 = memref.load %arg1[%get3A] : memref<256xi32, #tpu.memory_space<smem>>
    %c0_i32 = arith.constant 0 : i32
    %c0_i32_3 = arith.constant 0 : i32
    %c0_i32_4 = arith.constant 0 : i32
    return %get3A_2, %c0_i32, %c0_i32_3 : i32, i32, i32
  }
  func.func @transform_5(%arg0: i32, %arg1: memref<256xi32, #tpu.memory_space<smem>>) -> (i32, i32, i32) {
    %mul3A = arith.constant 32 : i32
    %mul3A_0 = arith.muli %arg0, %mul3A : i32
    %add3A = arith.constant 5 : i32
    %add3A_1 = arith.addi %mul3A_0, %add3A : i32
    %get3A = arith.index_cast %add3A_1 : i32 to index
    %get3A_2 = memref.load %arg1[%get3A] : memref<256xi32, #tpu.memory_space<smem>>
    %c0_i32 = arith.constant 0 : i32
    %c0_i32_3 = arith.constant 0 : i32
    %c0_i32_4 = arith.constant 0 : i32
    return %get3A_2, %c0_i32, %c0_i32_3 : i32, i32, i32
  }
  func.func @transform_6(%arg0: i32, %arg1: memref<256xi32, #tpu.memory_space<smem>>) -> (i32, i32, i32) {
    %mul3A = arith.constant 32 : i32
    %mul3A_0 = arith.muli %arg0, %mul3A : i32
    %add3A = arith.constant 6 : i32
    %add3A_1 = arith.addi %mul3A_0, %add3A : i32
    %get3A = arith.index_cast %add3A_1 : i32 to index
    %get3A_2 = memref.load %arg1[%get3A] : memref<256xi32, #tpu.memory_space<smem>>
    %c0_i32 = arith.constant 0 : i32
    %c0_i32_3 = arith.constant 0 : i32
    %c0_i32_4 = arith.constant 0 : i32
    return %get3A_2, %c0_i32, %c0_i32_3 : i32, i32, i32
  }
  func.func @transform_7(%arg0: i32, %arg1: memref<256xi32, #tpu.memory_space<smem>>) -> (i32, i32, i32) {
    %mul3A = arith.constant 32 : i32
    %mul3A_0 = arith.muli %arg0, %mul3A : i32
    %add3A = arith.constant 7 : i32
    %add3A_1 = arith.addi %mul3A_0, %add3A : i32
    %get3A = arith.index_cast %add3A_1 : i32 to index
    %get3A_2 = memref.load %arg1[%get3A] : memref<256xi32, #tpu.memory_space<smem>>
    %c0_i32 = arith.constant 0 : i32
    %c0_i32_3 = arith.constant 0 : i32
    %c0_i32_4 = arith.constant 0 : i32
    return %get3A_2, %c0_i32, %c0_i32_3 : i32, i32, i32
  }
  func.func @transform_8(%arg0: i32, %arg1: memref<256xi32, #tpu.memory_space<smem>>) -> (i32, i32, i32) {
    %mul3A = arith.constant 32 : i32
    %mul3A_0 = arith.muli %arg0, %mul3A : i32
    %add3A = arith.constant 8 : i32
    %add3A_1 = arith.addi %mul3A_0, %add3A : i32
    %get3A = arith.index_cast %add3A_1 : i32 to index
    %get3A_2 = memref.load %arg1[%get3A] : memref<256xi32, #tpu.memory_space<smem>>
    %c0_i32 = arith.constant 0 : i32
    %c0_i32_3 = arith.constant 0 : i32
    %c0_i32_4 = arith.constant 0 : i32
    return %get3A_2, %c0_i32, %c0_i32_3 : i32, i32, i32
  }
  func.func @transform_9(%arg0: i32, %arg1: memref<256xi32, #tpu.memory_space<smem>>) -> (i32, i32, i32) {
    %mul3A = arith.constant 32 : i32
    %mul3A_0 = arith.muli %arg0, %mul3A : i32
    %add3A = arith.constant 9 : i32
    %add3A_1 = arith.addi %mul3A_0, %add3A : i32
    %get3A = arith.index_cast %add3A_1 : i32 to index
    %get3A_2 = memref.load %arg1[%get3A] : memref<256xi32, #tpu.memory_space<smem>>
    %c0_i32 = arith.constant 0 : i32
    %c0_i32_3 = arith.constant 0 : i32
    %c0_i32_4 = arith.constant 0 : i32
    return %get3A_2, %c0_i32, %c0_i32_3 : i32, i32, i32
  }
  func.func @transform_10(%arg0: i32, %arg1: memref<256xi32, #tpu.memory_space<smem>>) -> (i32, i32, i32) {
    %mul3A = arith.constant 32 : i32
    %mul3A_0 = arith.muli %arg0, %mul3A : i32
    %add3A = arith.constant 10 : i32
    %add3A_1 = arith.addi %mul3A_0, %add3A : i32
    %get3A = arith.index_cast %add3A_1 : i32 to index
    %get3A_2 = memref.load %arg1[%get3A] : memref<256xi32, #tpu.memory_space<smem>>
    %c0_i32 = arith.constant 0 : i32
    %c0_i32_3 = arith.constant 0 : i32
    %c0_i32_4 = arith.constant 0 : i32
    return %get3A_2, %c0_i32, %c0_i32_3 : i32, i32, i32
  }
  func.func @transform_11(%arg0: i32, %arg1: memref<256xi32, #tpu.memory_space<smem>>) -> (i32, i32, i32) {
    %mul3A = arith.constant 32 : i32
    %mul3A_0 = arith.muli %arg0, %mul3A : i32
    %add3A = arith.constant 11 : i32
    %add3A_1 = arith.addi %mul3A_0, %add3A : i32
    %get3A = arith.index_cast %add3A_1 : i32 to index
    %get3A_2 = memref.load %arg1[%get3A] : memref<256xi32, #tpu.memory_space<smem>>
    %c0_i32 = arith.constant 0 : i32
    %c0_i32_3 = arith.constant 0 : i32
    %c0_i32_4 = arith.constant 0 : i32
    return %get3A_2, %c0_i32, %c0_i32_3 : i32, i32, i32
  }
  func.func @transform_12(%arg0: i32, %arg1: memref<256xi32, #tpu.memory_space<smem>>) -> (i32, i32, i32) {
    %mul3A = arith.constant 32 : i32
    %mul3A_0 = arith.muli %arg0, %mul3A : i32
    %add3A = arith.constant 12 : i32
    %add3A_1 = arith.addi %mul3A_0, %add3A : i32
    %get3A = arith.index_cast %add3A_1 : i32 to index
    %get3A_2 = memref.load %arg1[%get3A] : memref<256xi32, #tpu.memory_space<smem>>
    %c0_i32 = arith.constant 0 : i32
    %c0_i32_3 = arith.constant 0 : i32
    %c0_i32_4 = arith.constant 0 : i32
    return %get3A_2, %c0_i32, %c0_i32_3 : i32, i32, i32
  }
  func.func @transform_13(%arg0: i32, %arg1: memref<256xi32, #tpu.memory_space<smem>>) -> (i32, i32, i32) {
    %mul3A = arith.constant 32 : i32
    %mul3A_0 = arith.muli %arg0, %mul3A : i32
    %add3A = arith.constant 13 : i32
    %add3A_1 = arith.addi %mul3A_0, %add3A : i32
    %get3A = arith.index_cast %add3A_1 : i32 to index
    %get3A_2 = memref.load %arg1[%get3A] : memref<256xi32, #tpu.memory_space<smem>>
    %c0_i32 = arith.constant 0 : i32
    %c0_i32_3 = arith.constant 0 : i32
    %c0_i32_4 = arith.constant 0 : i32
    return %get3A_2, %c0_i32, %c0_i32_3 : i32, i32, i32
  }
  func.func @transform_14(%arg0: i32, %arg1: memref<256xi32, #tpu.memory_space<smem>>) -> (i32, i32, i32) {
    %mul3A = arith.constant 32 : i32
    %mul3A_0 = arith.muli %arg0, %mul3A : i32
    %add3A = arith.constant 14 : i32
    %add3A_1 = arith.addi %mul3A_0, %add3A : i32
    %get3A = arith.index_cast %add3A_1 : i32 to index
    %get3A_2 = memref.load %arg1[%get3A] : memref<256xi32, #tpu.memory_space<smem>>
    %c0_i32 = arith.constant 0 : i32
    %c0_i32_3 = arith.constant 0 : i32
    %c0_i32_4 = arith.constant 0 : i32
    return %get3A_2, %c0_i32, %c0_i32_3 : i32, i32, i32
  }
  func.func @transform_15(%arg0: i32, %arg1: memref<256xi32, #tpu.memory_space<smem>>) -> (i32, i32, i32) {
    %mul3A = arith.constant 32 : i32
    %mul3A_0 = arith.muli %arg0, %mul3A : i32
    %add3A = arith.constant 15 : i32
    %add3A_1 = arith.addi %mul3A_0, %add3A : i32
    %get3A = arith.index_cast %add3A_1 : i32 to index
    %get3A_2 = memref.load %arg1[%get3A] : memref<256xi32, #tpu.memory_space<smem>>
    %c0_i32 = arith.constant 0 : i32
    %c0_i32_3 = arith.constant 0 : i32
    %c0_i32_4 = arith.constant 0 : i32
    return %get3A_2, %c0_i32, %c0_i32_3 : i32, i32, i32
  }
  func.func @transform_16(%arg0: i32, %arg1: memref<256xi32, #tpu.memory_space<smem>>) -> (i32, i32, i32) {
    %mul3A = arith.constant 32 : i32
    %mul3A_0 = arith.muli %arg0, %mul3A : i32
    %add3A = arith.constant 16 : i32
    %add3A_1 = arith.addi %mul3A_0, %add3A : i32
    %get3A = arith.index_cast %add3A_1 : i32 to index
    %get3A_2 = memref.load %arg1[%get3A] : memref<256xi32, #tpu.memory_space<smem>>
    %c0_i32 = arith.constant 0 : i32
    %c0_i32_3 = arith.constant 0 : i32
    %c0_i32_4 = arith.constant 0 : i32
    return %get3A_2, %c0_i32, %c0_i32_3 : i32, i32, i32
  }
  func.func @transform_17(%arg0: i32, %arg1: memref<256xi32, #tpu.memory_space<smem>>) -> (i32, i32, i32) {
    %mul3A = arith.constant 32 : i32
    %mul3A_0 = arith.muli %arg0, %mul3A : i32
    %add3A = arith.constant 17 : i32
    %add3A_1 = arith.addi %mul3A_0, %add3A : i32
    %get3A = arith.index_cast %add3A_1 : i32 to index
    %get3A_2 = memref.load %arg1[%get3A] : memref<256xi32, #tpu.memory_space<smem>>
    %c0_i32 = arith.constant 0 : i32
    %c0_i32_3 = arith.constant 0 : i32
    %c0_i32_4 = arith.constant 0 : i32
    return %get3A_2, %c0_i32, %c0_i32_3 : i32, i32, i32
  }
  func.func @transform_18(%arg0: i32, %arg1: memref<256xi32, #tpu.memory_space<smem>>) -> (i32, i32, i32) {
    %mul3A = arith.constant 32 : i32
    %mul3A_0 = arith.muli %arg0, %mul3A : i32
    %add3A = arith.constant 18 : i32
    %add3A_1 = arith.addi %mul3A_0, %add3A : i32
    %get3A = arith.index_cast %add3A_1 : i32 to index
    %get3A_2 = memref.load %arg1[%get3A] : memref<256xi32, #tpu.memory_space<smem>>
    %c0_i32 = arith.constant 0 : i32
    %c0_i32_3 = arith.constant 0 : i32
    %c0_i32_4 = arith.constant 0 : i32
    return %get3A_2, %c0_i32, %c0_i32_3 : i32, i32, i32
  }
  func.func @transform_19(%arg0: i32, %arg1: memref<256xi32, #tpu.memory_space<smem>>) -> (i32, i32, i32) {
    %mul3A = arith.constant 32 : i32
    %mul3A_0 = arith.muli %arg0, %mul3A : i32
    %add3A = arith.constant 19 : i32
    %add3A_1 = arith.addi %mul3A_0, %add3A : i32
    %get3A = arith.index_cast %add3A_1 : i32 to index
    %get3A_2 = memref.load %arg1[%get3A] : memref<256xi32, #tpu.memory_space<smem>>
    %c0_i32 = arith.constant 0 : i32
    %c0_i32_3 = arith.constant 0 : i32
    %c0_i32_4 = arith.constant 0 : i32
    return %get3A_2, %c0_i32, %c0_i32_3 : i32, i32, i32
  }
  func.func @transform_20(%arg0: i32, %arg1: memref<256xi32, #tpu.memory_space<smem>>) -> (i32, i32, i32) {
    %mul3A = arith.constant 32 : i32
    %mul3A_0 = arith.muli %arg0, %mul3A : i32
    %add3A = arith.constant 20 : i32
    %add3A_1 = arith.addi %mul3A_0, %add3A : i32
    %get3A = arith.index_cast %add3A_1 : i32 to index
    %get3A_2 = memref.load %arg1[%get3A] : memref<256xi32, #tpu.memory_space<smem>>
    %c0_i32 = arith.constant 0 : i32
    %c0_i32_3 = arith.constant 0 : i32
    %c0_i32_4 = arith.constant 0 : i32
    return %get3A_2, %c0_i32, %c0_i32_3 : i32, i32, i32
  }
  func.func @transform_21(%arg0: i32, %arg1: memref<256xi32, #tpu.memory_space<smem>>) -> (i32, i32, i32) {
    %mul3A = arith.constant 32 : i32
    %mul3A_0 = arith.muli %arg0, %mul3A : i32
    %add3A = arith.constant 21 : i32
    %add3A_1 = arith.addi %mul3A_0, %add3A : i32
    %get3A = arith.index_cast %add3A_1 : i32 to index
    %get3A_2 = memref.load %arg1[%get3A] : memref<256xi32, #tpu.memory_space<smem>>
    %c0_i32 = arith.constant 0 : i32
    %c0_i32_3 = arith.constant 0 : i32
    %c0_i32_4 = arith.constant 0 : i32
    return %get3A_2, %c0_i32, %c0_i32_3 : i32, i32, i32
  }
  func.func @transform_22(%arg0: i32, %arg1: memref<256xi32, #tpu.memory_space<smem>>) -> (i32, i32, i32) {
    %mul3A = arith.constant 32 : i32
    %mul3A_0 = arith.muli %arg0, %mul3A : i32
    %add3A = arith.constant 22 : i32
    %add3A_1 = arith.addi %mul3A_0, %add3A : i32
    %get3A = arith.index_cast %add3A_1 : i32 to index
    %get3A_2 = memref.load %arg1[%get3A] : memref<256xi32, #tpu.memory_space<smem>>
    %c0_i32 = arith.constant 0 : i32
    %c0_i32_3 = arith.constant 0 : i32
    %c0_i32_4 = arith.constant 0 : i32
    return %get3A_2, %c0_i32, %c0_i32_3 : i32, i32, i32
  }
  func.func @transform_23(%arg0: i32, %arg1: memref<256xi32, #tpu.memory_space<smem>>) -> (i32, i32, i32) {
    %mul3A = arith.constant 32 : i32
    %mul3A_0 = arith.muli %arg0, %mul3A : i32
    %add3A = arith.constant 23 : i32
    %add3A_1 = arith.addi %mul3A_0, %add3A : i32
    %get3A = arith.index_cast %add3A_1 : i32 to index
    %get3A_2 = memref.load %arg1[%get3A] : memref<256xi32, #tpu.memory_space<smem>>
    %c0_i32 = arith.constant 0 : i32
    %c0_i32_3 = arith.constant 0 : i32
    %c0_i32_4 = arith.constant 0 : i32
    return %get3A_2, %c0_i32, %c0_i32_3 : i32, i32, i32
  }
  func.func @transform_24(%arg0: i32, %arg1: memref<256xi32, #tpu.memory_space<smem>>) -> (i32, i32, i32) {
    %mul3A = arith.constant 32 : i32
    %mul3A_0 = arith.muli %arg0, %mul3A : i32
    %add3A = arith.constant 24 : i32
    %add3A_1 = arith.addi %mul3A_0, %add3A : i32
    %get3A = arith.index_cast %add3A_1 : i32 to index
    %get3A_2 = memref.load %arg1[%get3A] : memref<256xi32, #tpu.memory_space<smem>>
    %c0_i32 = arith.constant 0 : i32
    %c0_i32_3 = arith.constant 0 : i32
    %c0_i32_4 = arith.constant 0 : i32
    return %get3A_2, %c0_i32, %c0_i32_3 : i32, i32, i32
  }
  func.func @transform_25(%arg0: i32, %arg1: memref<256xi32, #tpu.memory_space<smem>>) -> (i32, i32, i32) {
    %mul3A = arith.constant 32 : i32
    %mul3A_0 = arith.muli %arg0, %mul3A : i32
    %add3A = arith.constant 25 : i32
    %add3A_1 = arith.addi %mul3A_0, %add3A : i32
    %get3A = arith.index_cast %add3A_1 : i32 to index
    %get3A_2 = memref.load %arg1[%get3A] : memref<256xi32, #tpu.memory_space<smem>>
    %c0_i32 = arith.constant 0 : i32
    %c0_i32_3 = arith.constant 0 : i32
    %c0_i32_4 = arith.constant 0 : i32
    return %get3A_2, %c0_i32, %c0_i32_3 : i32, i32, i32
  }
  func.func @transform_26(%arg0: i32, %arg1: memref<256xi32, #tpu.memory_space<smem>>) -> (i32, i32, i32) {
    %mul3A = arith.constant 32 : i32
    %mul3A_0 = arith.muli %arg0, %mul3A : i32
    %add3A = arith.constant 26 : i32
    %add3A_1 = arith.addi %mul3A_0, %add3A : i32
    %get3A = arith.index_cast %add3A_1 : i32 to index
    %get3A_2 = memref.load %arg1[%get3A] : memref<256xi32, #tpu.memory_space<smem>>
    %c0_i32 = arith.constant 0 : i32
    %c0_i32_3 = arith.constant 0 : i32
    %c0_i32_4 = arith.constant 0 : i32
    return %get3A_2, %c0_i32, %c0_i32_3 : i32, i32, i32
  }
  func.func @transform_27(%arg0: i32, %arg1: memref<256xi32, #tpu.memory_space<smem>>) -> (i32, i32, i32) {
    %mul3A = arith.constant 32 : i32
    %mul3A_0 = arith.muli %arg0, %mul3A : i32
    %add3A = arith.constant 27 : i32
    %add3A_1 = arith.addi %mul3A_0, %add3A : i32
    %get3A = arith.index_cast %add3A_1 : i32 to index
    %get3A_2 = memref.load %arg1[%get3A] : memref<256xi32, #tpu.memory_space<smem>>
    %c0_i32 = arith.constant 0 : i32
    %c0_i32_3 = arith.constant 0 : i32
    %c0_i32_4 = arith.constant 0 : i32
    return %get3A_2, %c0_i32, %c0_i32_3 : i32, i32, i32
  }
  func.func @transform_28(%arg0: i32, %arg1: memref<256xi32, #tpu.memory_space<smem>>) -> (i32, i32, i32) {
    %mul3A = arith.constant 32 : i32
    %mul3A_0 = arith.muli %arg0, %mul3A : i32
    %add3A = arith.constant 28 : i32
    %add3A_1 = arith.addi %mul3A_0, %add3A : i32
    %get3A = arith.index_cast %add3A_1 : i32 to index
    %get3A_2 = memref.load %arg1[%get3A] : memref<256xi32, #tpu.memory_space<smem>>
    %c0_i32 = arith.constant 0 : i32
    %c0_i32_3 = arith.constant 0 : i32
    %c0_i32_4 = arith.constant 0 : i32
    return %get3A_2, %c0_i32, %c0_i32_3 : i32, i32, i32
  }
  func.func @transform_29(%arg0: i32, %arg1: memref<256xi32, #tpu.memory_space<smem>>) -> (i32, i32, i32) {
    %mul3A = arith.constant 32 : i32
    %mul3A_0 = arith.muli %arg0, %mul3A : i32
    %add3A = arith.constant 29 : i32
    %add3A_1 = arith.addi %mul3A_0, %add3A : i32
    %get3A = arith.index_cast %add3A_1 : i32 to index
    %get3A_2 = memref.load %arg1[%get3A] : memref<256xi32, #tpu.memory_space<smem>>
    %c0_i32 = arith.constant 0 : i32
    %c0_i32_3 = arith.constant 0 : i32
    %c0_i32_4 = arith.constant 0 : i32
    return %get3A_2, %c0_i32, %c0_i32_3 : i32, i32, i32
  }
  func.func @transform_30(%arg0: i32, %arg1: memref<256xi32, #tpu.memory_space<smem>>) -> (i32, i32, i32) {
    %mul3A = arith.constant 32 : i32
    %mul3A_0 = arith.muli %arg0, %mul3A : i32
    %add3A = arith.constant 30 : i32
    %add3A_1 = arith.addi %mul3A_0, %add3A : i32
    %get3A = arith.index_cast %add3A_1 : i32 to index
    %get3A_2 = memref.load %arg1[%get3A] : memref<256xi32, #tpu.memory_space<smem>>
    %c0_i32 = arith.constant 0 : i32
    %c0_i32_3 = arith.constant 0 : i32
    %c0_i32_4 = arith.constant 0 : i32
    return %get3A_2, %c0_i32, %c0_i32_3 : i32, i32, i32
  }
  func.func @transform_31(%arg0: i32, %arg1: memref<256xi32, #tpu.memory_space<smem>>) -> (i32, i32, i32) {
    %mul3A = arith.constant 32 : i32
    %mul3A_0 = arith.muli %arg0, %mul3A : i32
    %add3A = arith.constant 31 : i32
    %add3A_1 = arith.addi %mul3A_0, %add3A : i32
    %get3A = arith.index_cast %add3A_1 : i32 to index
    %get3A_2 = memref.load %arg1[%get3A] : memref<256xi32, #tpu.memory_space<smem>>
    %c0_i32 = arith.constant 0 : i32
    %c0_i32_3 = arith.constant 0 : i32
    %c0_i32_4 = arith.constant 0 : i32
    return %get3A_2, %c0_i32, %c0_i32_3 : i32, i32, i32
  }
  func.func @transform_32(%arg0: i32, %arg1: memref<256xi32, #tpu.memory_space<smem>>) -> (i32, i32, i32) {
    %mul3A = arith.constant 32 : i32
    %mul3A_0 = arith.muli %arg0, %mul3A : i32
    %add3A = arith.constant 0 : i32
    %add3A_1 = arith.addi %mul3A_0, %add3A : i32
    %get3A = arith.index_cast %add3A_1 : i32 to index
    %get3A_2 = memref.load %arg1[%get3A] : memref<256xi32, #tpu.memory_space<smem>>
    %c0_i32 = arith.constant 0 : i32
    %c0_i32_3 = arith.constant 0 : i32
    %c0_i32_4 = arith.constant 0 : i32
    return %get3A_2, %c0_i32, %c0_i32_3 : i32, i32, i32
  }
  func.func @transform_33(%arg0: i32, %arg1: memref<256xi32, #tpu.memory_space<smem>>) -> (i32, i32, i32) {
    %mul3A = arith.constant 32 : i32
    %mul3A_0 = arith.muli %arg0, %mul3A : i32
    %add3A = arith.constant 1 : i32
    %add3A_1 = arith.addi %mul3A_0, %add3A : i32
    %get3A = arith.index_cast %add3A_1 : i32 to index
    %get3A_2 = memref.load %arg1[%get3A] : memref<256xi32, #tpu.memory_space<smem>>
    %c0_i32 = arith.constant 0 : i32
    %c0_i32_3 = arith.constant 0 : i32
    %c0_i32_4 = arith.constant 0 : i32
    return %get3A_2, %c0_i32, %c0_i32_3 : i32, i32, i32
  }
  func.func @transform_34(%arg0: i32, %arg1: memref<256xi32, #tpu.memory_space<smem>>) -> (i32, i32, i32) {
    %mul3A = arith.constant 32 : i32
    %mul3A_0 = arith.muli %arg0, %mul3A : i32
    %add3A = arith.constant 2 : i32
    %add3A_1 = arith.addi %mul3A_0, %add3A : i32
    %get3A = arith.index_cast %add3A_1 : i32 to index
    %get3A_2 = memref.load %arg1[%get3A] : memref<256xi32, #tpu.memory_space<smem>>
    %c0_i32 = arith.constant 0 : i32
    %c0_i32_3 = arith.constant 0 : i32
    %c0_i32_4 = arith.constant 0 : i32
    return %get3A_2, %c0_i32, %c0_i32_3 : i32, i32, i32
  }
  func.func @transform_35(%arg0: i32, %arg1: memref<256xi32, #tpu.memory_space<smem>>) -> (i32, i32, i32) {
    %mul3A = arith.constant 32 : i32
    %mul3A_0 = arith.muli %arg0, %mul3A : i32
    %add3A = arith.constant 3 : i32
    %add3A_1 = arith.addi %mul3A_0, %add3A : i32
    %get3A = arith.index_cast %add3A_1 : i32 to index
    %get3A_2 = memref.load %arg1[%get3A] : memref<256xi32, #tpu.memory_space<smem>>
    %c0_i32 = arith.constant 0 : i32
    %c0_i32_3 = arith.constant 0 : i32
    %c0_i32_4 = arith.constant 0 : i32
    return %get3A_2, %c0_i32, %c0_i32_3 : i32, i32, i32
  }
  func.func @transform_36(%arg0: i32, %arg1: memref<256xi32, #tpu.memory_space<smem>>) -> (i32, i32, i32) {
    %mul3A = arith.constant 32 : i32
    %mul3A_0 = arith.muli %arg0, %mul3A : i32
    %add3A = arith.constant 4 : i32
    %add3A_1 = arith.addi %mul3A_0, %add3A : i32
    %get3A = arith.index_cast %add3A_1 : i32 to index
    %get3A_2 = memref.load %arg1[%get3A] : memref<256xi32, #tpu.memory_space<smem>>
    %c0_i32 = arith.constant 0 : i32
    %c0_i32_3 = arith.constant 0 : i32
    %c0_i32_4 = arith.constant 0 : i32
    return %get3A_2, %c0_i32, %c0_i32_3 : i32, i32, i32
  }
  func.func @transform_37(%arg0: i32, %arg1: memref<256xi32, #tpu.memory_space<smem>>) -> (i32, i32, i32) {
    %mul3A = arith.constant 32 : i32
    %mul3A_0 = arith.muli %arg0, %mul3A : i32
    %add3A = arith.constant 5 : i32
    %add3A_1 = arith.addi %mul3A_0, %add3A : i32
    %get3A = arith.index_cast %add3A_1 : i32 to index
    %get3A_2 = memref.load %arg1[%get3A] : memref<256xi32, #tpu.memory_space<smem>>
    %c0_i32 = arith.constant 0 : i32
    %c0_i32_3 = arith.constant 0 : i32
    %c0_i32_4 = arith.constant 0 : i32
    return %get3A_2, %c0_i32, %c0_i32_3 : i32, i32, i32
  }
  func.func @transform_38(%arg0: i32, %arg1: memref<256xi32, #tpu.memory_space<smem>>) -> (i32, i32, i32) {
    %mul3A = arith.constant 32 : i32
    %mul3A_0 = arith.muli %arg0, %mul3A : i32
    %add3A = arith.constant 6 : i32
    %add3A_1 = arith.addi %mul3A_0, %add3A : i32
    %get3A = arith.index_cast %add3A_1 : i32 to index
    %get3A_2 = memref.load %arg1[%get3A] : memref<256xi32, #tpu.memory_space<smem>>
    %c0_i32 = arith.constant 0 : i32
    %c0_i32_3 = arith.constant 0 : i32
    %c0_i32_4 = arith.constant 0 : i32
    return %get3A_2, %c0_i32, %c0_i32_3 : i32, i32, i32
  }
  func.func @transform_39(%arg0: i32, %arg1: memref<256xi32, #tpu.memory_space<smem>>) -> (i32, i32, i32) {
    %mul3A = arith.constant 32 : i32
    %mul3A_0 = arith.muli %arg0, %mul3A : i32
    %add3A = arith.constant 7 : i32
    %add3A_1 = arith.addi %mul3A_0, %add3A : i32
    %get3A = arith.index_cast %add3A_1 : i32 to index
    %get3A_2 = memref.load %arg1[%get3A] : memref<256xi32, #tpu.memory_space<smem>>
    %c0_i32 = arith.constant 0 : i32
    %c0_i32_3 = arith.constant 0 : i32
    %c0_i32_4 = arith.constant 0 : i32
    return %get3A_2, %c0_i32, %c0_i32_3 : i32, i32, i32
  }
  func.func @transform_40(%arg0: i32, %arg1: memref<256xi32, #tpu.memory_space<smem>>) -> (i32, i32, i32) {
    %mul3A = arith.constant 32 : i32
    %mul3A_0 = arith.muli %arg0, %mul3A : i32
    %add3A = arith.constant 8 : i32
    %add3A_1 = arith.addi %mul3A_0, %add3A : i32
    %get3A = arith.index_cast %add3A_1 : i32 to index
    %get3A_2 = memref.load %arg1[%get3A] : memref<256xi32, #tpu.memory_space<smem>>
    %c0_i32 = arith.constant 0 : i32
    %c0_i32_3 = arith.constant 0 : i32
    %c0_i32_4 = arith.constant 0 : i32
    return %get3A_2, %c0_i32, %c0_i32_3 : i32, i32, i32
  }
  func.func @transform_41(%arg0: i32, %arg1: memref<256xi32, #tpu.memory_space<smem>>) -> (i32, i32, i32) {
    %mul3A = arith.constant 32 : i32
    %mul3A_0 = arith.muli %arg0, %mul3A : i32
    %add3A = arith.constant 9 : i32
    %add3A_1 = arith.addi %mul3A_0, %add3A : i32
    %get3A = arith.index_cast %add3A_1 : i32 to index
    %get3A_2 = memref.load %arg1[%get3A] : memref<256xi32, #tpu.memory_space<smem>>
    %c0_i32 = arith.constant 0 : i32
    %c0_i32_3 = arith.constant 0 : i32
    %c0_i32_4 = arith.constant 0 : i32
    return %get3A_2, %c0_i32, %c0_i32_3 : i32, i32, i32
  }
  func.func @transform_42(%arg0: i32, %arg1: memref<256xi32, #tpu.memory_space<smem>>) -> (i32, i32, i32) {
    %mul3A = arith.constant 32 : i32
    %mul3A_0 = arith.muli %arg0, %mul3A : i32
    %add3A = arith.constant 10 : i32
    %add3A_1 = arith.addi %mul3A_0, %add3A : i32
    %get3A = arith.index_cast %add3A_1 : i32 to index
    %get3A_2 = memref.load %arg1[%get3A] : memref<256xi32, #tpu.memory_space<smem>>
    %c0_i32 = arith.constant 0 : i32
    %c0_i32_3 = arith.constant 0 : i32
    %c0_i32_4 = arith.constant 0 : i32
    return %get3A_2, %c0_i32, %c0_i32_3 : i32, i32, i32
  }
  func.func @transform_43(%arg0: i32, %arg1: memref<256xi32, #tpu.memory_space<smem>>) -> (i32, i32, i32) {
    %mul3A = arith.constant 32 : i32
    %mul3A_0 = arith.muli %arg0, %mul3A : i32
    %add3A = arith.constant 11 : i32
    %add3A_1 = arith.addi %mul3A_0, %add3A : i32
    %get3A = arith.index_cast %add3A_1 : i32 to index
    %get3A_2 = memref.load %arg1[%get3A] : memref<256xi32, #tpu.memory_space<smem>>
    %c0_i32 = arith.constant 0 : i32
    %c0_i32_3 = arith.constant 0 : i32
    %c0_i32_4 = arith.constant 0 : i32
    return %get3A_2, %c0_i32, %c0_i32_3 : i32, i32, i32
  }
  func.func @transform_44(%arg0: i32, %arg1: memref<256xi32, #tpu.memory_space<smem>>) -> (i32, i32, i32) {
    %mul3A = arith.constant 32 : i32
    %mul3A_0 = arith.muli %arg0, %mul3A : i32
    %add3A = arith.constant 12 : i32
    %add3A_1 = arith.addi %mul3A_0, %add3A : i32
    %get3A = arith.index_cast %add3A_1 : i32 to index
    %get3A_2 = memref.load %arg1[%get3A] : memref<256xi32, #tpu.memory_space<smem>>
    %c0_i32 = arith.constant 0 : i32
    %c0_i32_3 = arith.constant 0 : i32
    %c0_i32_4 = arith.constant 0 : i32
    return %get3A_2, %c0_i32, %c0_i32_3 : i32, i32, i32
  }
  func.func @transform_45(%arg0: i32, %arg1: memref<256xi32, #tpu.memory_space<smem>>) -> (i32, i32, i32) {
    %mul3A = arith.constant 32 : i32
    %mul3A_0 = arith.muli %arg0, %mul3A : i32
    %add3A = arith.constant 13 : i32
    %add3A_1 = arith.addi %mul3A_0, %add3A : i32
    %get3A = arith.index_cast %add3A_1 : i32 to index
    %get3A_2 = memref.load %arg1[%get3A] : memref<256xi32, #tpu.memory_space<smem>>
    %c0_i32 = arith.constant 0 : i32
    %c0_i32_3 = arith.constant 0 : i32
    %c0_i32_4 = arith.constant 0 : i32
    return %get3A_2, %c0_i32, %c0_i32_3 : i32, i32, i32
  }
  func.func @transform_46(%arg0: i32, %arg1: memref<256xi32, #tpu.memory_space<smem>>) -> (i32, i32, i32) {
    %mul3A = arith.constant 32 : i32
    %mul3A_0 = arith.muli %arg0, %mul3A : i32
    %add3A = arith.constant 14 : i32
    %add3A_1 = arith.addi %mul3A_0, %add3A : i32
    %get3A = arith.index_cast %add3A_1 : i32 to index
    %get3A_2 = memref.load %arg1[%get3A] : memref<256xi32, #tpu.memory_space<smem>>
    %c0_i32 = arith.constant 0 : i32
    %c0_i32_3 = arith.constant 0 : i32
    %c0_i32_4 = arith.constant 0 : i32
    return %get3A_2, %c0_i32, %c0_i32_3 : i32, i32, i32
  }
  func.func @transform_47(%arg0: i32, %arg1: memref<256xi32, #tpu.memory_space<smem>>) -> (i32, i32, i32) {
    %mul3A = arith.constant 32 : i32
    %mul3A_0 = arith.muli %arg0, %mul3A : i32
    %add3A = arith.constant 15 : i32
    %add3A_1 = arith.addi %mul3A_0, %add3A : i32
    %get3A = arith.index_cast %add3A_1 : i32 to index
    %get3A_2 = memref.load %arg1[%get3A] : memref<256xi32, #tpu.memory_space<smem>>
    %c0_i32 = arith.constant 0 : i32
    %c0_i32_3 = arith.constant 0 : i32
    %c0_i32_4 = arith.constant 0 : i32
    return %get3A_2, %c0_i32, %c0_i32_3 : i32, i32, i32
  }
  func.func @transform_48(%arg0: i32, %arg1: memref<256xi32, #tpu.memory_space<smem>>) -> (i32, i32, i32) {
    %mul3A = arith.constant 32 : i32
    %mul3A_0 = arith.muli %arg0, %mul3A : i32
    %add3A = arith.constant 16 : i32
    %add3A_1 = arith.addi %mul3A_0, %add3A : i32
    %get3A = arith.index_cast %add3A_1 : i32 to index
    %get3A_2 = memref.load %arg1[%get3A] : memref<256xi32, #tpu.memory_space<smem>>
    %c0_i32 = arith.constant 0 : i32
    %c0_i32_3 = arith.constant 0 : i32
    %c0_i32_4 = arith.constant 0 : i32
    return %get3A_2, %c0_i32, %c0_i32_3 : i32, i32, i32
  }
  func.func @transform_49(%arg0: i32, %arg1: memref<256xi32, #tpu.memory_space<smem>>) -> (i32, i32, i32) {
    %mul3A = arith.constant 32 : i32
    %mul3A_0 = arith.muli %arg0, %mul3A : i32
    %add3A = arith.constant 17 : i32
    %add3A_1 = arith.addi %mul3A_0, %add3A : i32
    %get3A = arith.index_cast %add3A_1 : i32 to index
    %get3A_2 = memref.load %arg1[%get3A] : memref<256xi32, #tpu.memory_space<smem>>
    %c0_i32 = arith.constant 0 : i32
    %c0_i32_3 = arith.constant 0 : i32
    %c0_i32_4 = arith.constant 0 : i32
    return %get3A_2, %c0_i32, %c0_i32_3 : i32, i32, i32
  }
  func.func @transform_50(%arg0: i32, %arg1: memref<256xi32, #tpu.memory_space<smem>>) -> (i32, i32, i32) {
    %mul3A = arith.constant 32 : i32
    %mul3A_0 = arith.muli %arg0, %mul3A : i32
    %add3A = arith.constant 18 : i32
    %add3A_1 = arith.addi %mul3A_0, %add3A : i32
    %get3A = arith.index_cast %add3A_1 : i32 to index
    %get3A_2 = memref.load %arg1[%get3A] : memref<256xi32, #tpu.memory_space<smem>>
    %c0_i32 = arith.constant 0 : i32
    %c0_i32_3 = arith.constant 0 : i32
    %c0_i32_4 = arith.constant 0 : i32
    return %get3A_2, %c0_i32, %c0_i32_3 : i32, i32, i32
  }
  func.func @transform_51(%arg0: i32, %arg1: memref<256xi32, #tpu.memory_space<smem>>) -> (i32, i32, i32) {
    %mul3A = arith.constant 32 : i32
    %mul3A_0 = arith.muli %arg0, %mul3A : i32
    %add3A = arith.constant 19 : i32
    %add3A_1 = arith.addi %mul3A_0, %add3A : i32
    %get3A = arith.index_cast %add3A_1 : i32 to index
    %get3A_2 = memref.load %arg1[%get3A] : memref<256xi32, #tpu.memory_space<smem>>
    %c0_i32 = arith.constant 0 : i32
    %c0_i32_3 = arith.constant 0 : i32
    %c0_i32_4 = arith.constant 0 : i32
    return %get3A_2, %c0_i32, %c0_i32_3 : i32, i32, i32
  }
  func.func @transform_52(%arg0: i32, %arg1: memref<256xi32, #tpu.memory_space<smem>>) -> (i32, i32, i32) {
    %mul3A = arith.constant 32 : i32
    %mul3A_0 = arith.muli %arg0, %mul3A : i32
    %add3A = arith.constant 20 : i32
    %add3A_1 = arith.addi %mul3A_0, %add3A : i32
    %get3A = arith.index_cast %add3A_1 : i32 to index
    %get3A_2 = memref.load %arg1[%get3A] : memref<256xi32, #tpu.memory_space<smem>>
    %c0_i32 = arith.constant 0 : i32
    %c0_i32_3 = arith.constant 0 : i32
    %c0_i32_4 = arith.constant 0 : i32
    return %get3A_2, %c0_i32, %c0_i32_3 : i32, i32, i32
  }
  func.func @transform_53(%arg0: i32, %arg1: memref<256xi32, #tpu.memory_space<smem>>) -> (i32, i32, i32) {
    %mul3A = arith.constant 32 : i32
    %mul3A_0 = arith.muli %arg0, %mul3A : i32
    %add3A = arith.constant 21 : i32
    %add3A_1 = arith.addi %mul3A_0, %add3A : i32
    %get3A = arith.index_cast %add3A_1 : i32 to index
    %get3A_2 = memref.load %arg1[%get3A] : memref<256xi32, #tpu.memory_space<smem>>
    %c0_i32 = arith.constant 0 : i32
    %c0_i32_3 = arith.constant 0 : i32
    %c0_i32_4 = arith.constant 0 : i32
    return %get3A_2, %c0_i32, %c0_i32_3 : i32, i32, i32
  }
  func.func @transform_54(%arg0: i32, %arg1: memref<256xi32, #tpu.memory_space<smem>>) -> (i32, i32, i32) {
    %mul3A = arith.constant 32 : i32
    %mul3A_0 = arith.muli %arg0, %mul3A : i32
    %add3A = arith.constant 22 : i32
    %add3A_1 = arith.addi %mul3A_0, %add3A : i32
    %get3A = arith.index_cast %add3A_1 : i32 to index
    %get3A_2 = memref.load %arg1[%get3A] : memref<256xi32, #tpu.memory_space<smem>>
    %c0_i32 = arith.constant 0 : i32
    %c0_i32_3 = arith.constant 0 : i32
    %c0_i32_4 = arith.constant 0 : i32
    return %get3A_2, %c0_i32, %c0_i32_3 : i32, i32, i32
  }
  func.func @transform_55(%arg0: i32, %arg1: memref<256xi32, #tpu.memory_space<smem>>) -> (i32, i32, i32) {
    %mul3A = arith.constant 32 : i32
    %mul3A_0 = arith.muli %arg0, %mul3A : i32
    %add3A = arith.constant 23 : i32
    %add3A_1 = arith.addi %mul3A_0, %add3A : i32
    %get3A = arith.index_cast %add3A_1 : i32 to index
    %get3A_2 = memref.load %arg1[%get3A] : memref<256xi32, #tpu.memory_space<smem>>
    %c0_i32 = arith.constant 0 : i32
    %c0_i32_3 = arith.constant 0 : i32
    %c0_i32_4 = arith.constant 0 : i32
    return %get3A_2, %c0_i32, %c0_i32_3 : i32, i32, i32
  }
  func.func @transform_56(%arg0: i32, %arg1: memref<256xi32, #tpu.memory_space<smem>>) -> (i32, i32, i32) {
    %mul3A = arith.constant 32 : i32
    %mul3A_0 = arith.muli %arg0, %mul3A : i32
    %add3A = arith.constant 24 : i32
    %add3A_1 = arith.addi %mul3A_0, %add3A : i32
    %get3A = arith.index_cast %add3A_1 : i32 to index
    %get3A_2 = memref.load %arg1[%get3A] : memref<256xi32, #tpu.memory_space<smem>>
    %c0_i32 = arith.constant 0 : i32
    %c0_i32_3 = arith.constant 0 : i32
    %c0_i32_4 = arith.constant 0 : i32
    return %get3A_2, %c0_i32, %c0_i32_3 : i32, i32, i32
  }
  func.func @transform_57(%arg0: i32, %arg1: memref<256xi32, #tpu.memory_space<smem>>) -> (i32, i32, i32) {
    %mul3A = arith.constant 32 : i32
    %mul3A_0 = arith.muli %arg0, %mul3A : i32
    %add3A = arith.constant 25 : i32
    %add3A_1 = arith.addi %mul3A_0, %add3A : i32
    %get3A = arith.index_cast %add3A_1 : i32 to index
    %get3A_2 = memref.load %arg1[%get3A] : memref<256xi32, #tpu.memory_space<smem>>
    %c0_i32 = arith.constant 0 : i32
    %c0_i32_3 = arith.constant 0 : i32
    %c0_i32_4 = arith.constant 0 : i32
    return %get3A_2, %c0_i32, %c0_i32_3 : i32, i32, i32
  }
  func.func @transform_58(%arg0: i32, %arg1: memref<256xi32, #tpu.memory_space<smem>>) -> (i32, i32, i32) {
    %mul3A = arith.constant 32 : i32
    %mul3A_0 = arith.muli %arg0, %mul3A : i32
    %add3A = arith.constant 26 : i32
    %add3A_1 = arith.addi %mul3A_0, %add3A : i32
    %get3A = arith.index_cast %add3A_1 : i32 to index
    %get3A_2 = memref.load %arg1[%get3A] : memref<256xi32, #tpu.memory_space<smem>>
    %c0_i32 = arith.constant 0 : i32
    %c0_i32_3 = arith.constant 0 : i32
    %c0_i32_4 = arith.constant 0 : i32
    return %get3A_2, %c0_i32, %c0_i32_3 : i32, i32, i32
  }
  func.func @transform_59(%arg0: i32, %arg1: memref<256xi32, #tpu.memory_space<smem>>) -> (i32, i32, i32) {
    %mul3A = arith.constant 32 : i32
    %mul3A_0 = arith.muli %arg0, %mul3A : i32
    %add3A = arith.constant 27 : i32
    %add3A_1 = arith.addi %mul3A_0, %add3A : i32
    %get3A = arith.index_cast %add3A_1 : i32 to index
    %get3A_2 = memref.load %arg1[%get3A] : memref<256xi32, #tpu.memory_space<smem>>
    %c0_i32 = arith.constant 0 : i32
    %c0_i32_3 = arith.constant 0 : i32
    %c0_i32_4 = arith.constant 0 : i32
    return %get3A_2, %c0_i32, %c0_i32_3 : i32, i32, i32
  }
  func.func @transform_60(%arg0: i32, %arg1: memref<256xi32, #tpu.memory_space<smem>>) -> (i32, i32, i32) {
    %mul3A = arith.constant 32 : i32
    %mul3A_0 = arith.muli %arg0, %mul3A : i32
    %add3A = arith.constant 28 : i32
    %add3A_1 = arith.addi %mul3A_0, %add3A : i32
    %get3A = arith.index_cast %add3A_1 : i32 to index
    %get3A_2 = memref.load %arg1[%get3A] : memref<256xi32, #tpu.memory_space<smem>>
    %c0_i32 = arith.constant 0 : i32
    %c0_i32_3 = arith.constant 0 : i32
    %c0_i32_4 = arith.constant 0 : i32
    return %get3A_2, %c0_i32, %c0_i32_3 : i32, i32, i32
  }
  func.func @transform_61(%arg0: i32, %arg1: memref<256xi32, #tpu.memory_space<smem>>) -> (i32, i32, i32) {
    %mul3A = arith.constant 32 : i32
    %mul3A_0 = arith.muli %arg0, %mul3A : i32
    %add3A = arith.constant 29 : i32
    %add3A_1 = arith.addi %mul3A_0, %add3A : i32
    %get3A = arith.index_cast %add3A_1 : i32 to index
    %get3A_2 = memref.load %arg1[%get3A] : memref<256xi32, #tpu.memory_space<smem>>
    %c0_i32 = arith.constant 0 : i32
    %c0_i32_3 = arith.constant 0 : i32
    %c0_i32_4 = arith.constant 0 : i32
    return %get3A_2, %c0_i32, %c0_i32_3 : i32, i32, i32
  }
  func.func @transform_62(%arg0: i32, %arg1: memref<256xi32, #tpu.memory_space<smem>>) -> (i32, i32, i32) {
    %mul3A = arith.constant 32 : i32
    %mul3A_0 = arith.muli %arg0, %mul3A : i32
    %add3A = arith.constant 30 : i32
    %add3A_1 = arith.addi %mul3A_0, %add3A : i32
    %get3A = arith.index_cast %add3A_1 : i32 to index
    %get3A_2 = memref.load %arg1[%get3A] : memref<256xi32, #tpu.memory_space<smem>>
    %c0_i32 = arith.constant 0 : i32
    %c0_i32_3 = arith.constant 0 : i32
    %c0_i32_4 = arith.constant 0 : i32
    return %get3A_2, %c0_i32, %c0_i32_3 : i32, i32, i32
  }
  func.func @transform_63(%arg0: i32, %arg1: memref<256xi32, #tpu.memory_space<smem>>) -> (i32, i32, i32) {
    %mul3A = arith.constant 32 : i32
    %mul3A_0 = arith.muli %arg0, %mul3A : i32
    %add3A = arith.constant 31 : i32
    %add3A_1 = arith.addi %mul3A_0, %add3A : i32
    %get3A = arith.index_cast %add3A_1 : i32 to index
    %get3A_2 = memref.load %arg1[%get3A] : memref<256xi32, #tpu.memory_space<smem>>
    %c0_i32 = arith.constant 0 : i32
    %c0_i32_3 = arith.constant 0 : i32
    %c0_i32_4 = arith.constant 0 : i32
    return %get3A_2, %c0_i32, %c0_i32_3 : i32, i32, i32
  }
  func.func @transform_64(%arg0: i32, %arg1: memref<256xi32, #tpu.memory_space<smem>>) -> (i32, i32, i32) {
    %c0_i32 = arith.constant 0 : i32
    %c0_i32_0 = arith.constant 0 : i32
    %c0_i32_1 = arith.constant 0 : i32
    return %arg0, %c0_i32, %c0_i32_0 : i32, i32, i32
  }
}

</mosaic_0001>

<sc_bundles>
// kernel: kernel.4.cloned.1.call-start
scs
__scs_entry_jumppad:
0x0: {  	(pc) =	sbr.rel $0x88, $3  }
0x1: {  	(tag) =	ssettag $0x0;
	lr =	simm.s32 $0x1  }
0x2: {  	[smem:$0x3F9A] =	sst lr;
	_ =	strace $0xD0000000  }
0x3: {  	_ = 	snop  }
0x4: {  	_ = 	snop  }
0x5: {  	_ = 	snop  }
0x6: {  	_ = 	snop  }
0x7: {  	_ = 	snop  }
__scs_overlays_trampoline_lowered:
0x8: {  	[smem:$0x3FA9] =	sst s0  }
0x9: {  	[smem:$0x3FAA] =	sst s1  }
0xa: {  	[smem:$0x3FAB] =	sst s2  }
0xb: {  	[smem:$0x3FAC] =	sst s3  }
0xc: {  	[smem:$0x3FAD] =	sst s4  }
0xd: {  	[smem:$0x3FAE] =	sst s5  }
0xe: {  	[smem:$0x3FAF] =	sst s6  }
0xf: {  	[smem:$0x3FB0] =	sst s7  }
0x10: {  	[smem:$0x3FB1] =	sst s8  }
0x11: {  	[smem:$0x3FB2] =	sst s9;
	s0 =	simm.s32 @!p0 $0x0  }
0x12: {  	s1 =	sld [smem:$0x3F98];
	s0 =	simm.s32 @p0 $0x1  }
0x13: {  	[smem:$0x3FB3] =	sst s0;
	s0 =	simm.s32 @!p1 $0x0  }
0x14: {  	s2 =	sld [smem:$0x3F97];
	s0 =	simm.s32 @p1 $0x1  }
0x15: {  	[smem:$0x3FB4] =	sst s0;
	s0 =	simm.s32 @!p2 $0x0  }
0x16: {  	s3 =	sld [smem:$0x3FDB];
	s0 =	simm.s32 @p2 $0x1  }
0x17: {  	s4 =	simm.s32 $0x1BF5;
	[smem:$0x3FB6] =	sst s0  }
0x18: {  	s0 =	sld [smem:$0x3F99];
	_ =	swait.ge [sflag:s4], $0x0  }
0x19: {  	s7 =	sld [smem:$0x3F9A]  }
0x1a: {  	s8 =	sadd.s32 $0xFFFFE003, lr  }
0x1b: {  	s9 =	sadd.s32 $0xFFFFFEF7, lr;
	s5 =	simm.s32 $0xFFFFFFFF;
	p2 =	slt.u32 s8, $0xFFFFF086  }
0x1c: {  	p1 =	slt.u32 s9, $0xF7A;
	s5 =	simm.s32 @!p2 $0x0  }
0x1d: {  	s5 =	simm.s32 @p1 $0x1;
	p0 =	seq.s32 s7, s2  }
0x1e: {  	s7 =	smul.u32 @!p0 $0xF7A, s2;
	p2 =	seq.s32 @!p0 s5, $0x0  }
0x1f: {  	s9 =	smul.u32 $0xF7A, s1;
	s8 =	simm.s32 @!p0 $0x1BF5;
	p2 =	por !p2, p0  }
0x20: {  	[sflag:s8] =	ssyncset.s32 @!p0 $0xFFFFF086;
	s6 =	sadd.s32 @!p0 s3, s7;
	s7 =	simm.s32 @!p0 $0x108  }
0x21: {  	s3 =	sadd.s32 s3, s9;
	s6 =	sadd.s32 @!p0 $0x88, s6;
	s7 =	simm.s32 @p2 $0x1082  }
0x22: {  	[simem:s7], [sflag:s8] =	dma.local @!p0 [hbm:s6], $0xF7A  }
0x23: {  	s9 =	sor.u32 $0xD0000000, s2;
	s6 =	simm.s32 $0x108;
	_ =	swait.ge @!p0 [sflag:s8], $0x0  }
0x24: {  	s3 =	sadd.s32 $0x88, s3;
	s6 =	simm.s32 @!p1 $0x1082;
	[sflag:s4] =	ssyncset.s32 $0xFFFFF086  }
0x25: {  	[simem:s6], [sflag:s4] =	dma.local [hbm:s3], $0xF7A  }
0x26: {  	[smem:$0x3F9A] =	sst s1;
	(tag) =	ssettag s2;
	_ =	strace s9  }
0x27: {  	s1 =	sld [smem:$0x3FAA]  }
0x28: {  	s2 =	sld [smem:$0x3FAB]  }
0x29: {  	s4 =	sld [smem:$0x3FAD]  }
0x2a: {  	p0 =	seq.s32 s5, $0x0;
	s5 =	sld [smem:$0x3FAE]  }
0x2b: {  	s6 =	sld [smem:$0x3FAF]  }
0x2c: {  	s7 =	sld [smem:$0x3FB0]  }
0x2d: {  	s3 =	simm.s32 $0x108;
	s8 =	sld [smem:$0x3FB1]  }
0x2e: {  	s3 =	simm.s32 @!p0 $0x1082;
	s9 =	sld [smem:$0x3FB2]  }
0x2f: {  	lr =	sadd.s32 s0, s3;
	s0 =	sld [smem:$0x3FA9]  }
0x30: {  	s3 =	sld [smem:$0x3FAC]  }
0x31: {  	[smem:$0x3FB5] =	sst s10  }
0x32: {  	s10 =	sld [smem:$0x3FB3];
	_ =	sdelay $0x3  }
0x33: {  	p0 =	seq.s32 s10, $0x1;
	s10 =	sld [smem:$0x3FB5];
	_ =	sdelay $0x3  }
0x34: {  	[smem:$0x3FB5] =	sst s10  }
0x35: {  	s10 =	sld [smem:$0x3FB4];
	_ =	sdelay $0x3  }
0x36: {  	p1 =	seq.s32 s10, $0x1;
	s10 =	sld [smem:$0x3FB5];
	_ =	sdelay $0x3  }
0x37: {  	[smem:$0x3FB5] =	sst s10  }
0x38: {  	s10 =	sld [smem:$0x3FB6]  }
0x39: {  	_ = 	snop;
	(pc) =	sbr.ind lr, $3  }
0x3a: {  	_ = 	snop  }
0x3b: {  	_ = 	snop  }
0x3c: {  	p2 =	seq.s32 s10, $0x1;
	s10 =	sld [smem:$0x3FB5]  }
0x3d: {  	_ =	shalt  }
0x3e: {  	_ =	shalt  }
0x3f: {  	_ =	shalt  }
0x40: {  	_ =	shalt  }
0x41: {  	_ =	shalt  }
0x42: {  	_ =	shalt  }
0x43: {  	_ =	shalt  }
0x44: {  	_ =	shalt  }
0x45: {  	_ =	shalt  }
0x46: {  	_ =	shalt  }
0x47: {  	_ =	shalt  }
0x48: {  	_ =	shalt  }
0x49: {  	_ =	shalt  }
0x4a: {  	_ =	shalt  }
0x4b: {  	_ =	shalt  }
0x4c: {  	_ =	shalt  }
0x4d: {  	_ =	shalt  }
0x4e: {  	_ =	shalt  }
0x4f: {  	_ =	shalt  }
0x50: {  	_ =	shalt  }
0x51: {  	_ =	shalt  }
0x52: {  	_ =	shalt  }
0x53: {  	_ =	shalt  }
0x54: {  	_ =	shalt  }
0x55: {  	_ =	shalt  }
0x56: {  	_ =	shalt  }
0x57: {  	_ =	shalt  }
0x58: {  	_ =	shalt  }
0x59: {  	_ =	shalt  }
0x5a: {  	_ =	shalt  }
0x5b: {  	_ =	shalt  }
0x5c: {  	_ =	shalt  }
0x5d: {  	_ =	shalt  }
0x5e: {  	_ =	shalt  }
0x5f: {  	_ =	shalt  }
0x60: {  	_ =	shalt  }
0x61: {  	_ =	shalt  }
0x62: {  	_ =	shalt  }
0x63: {  	_ =	shalt  }
0x64: {  	_ =	shalt  }
0x65: {  	_ =	shalt  }
0x66: {  	_ =	shalt  }
0x67: {  	_ =	shalt  }
0x68: {  	_ =	shalt  }
0x69: {  	_ =	shalt  }
0x6a: {  	_ =	shalt  }
0x6b: {  	_ =	shalt  }
0x6c: {  	_ =	shalt  }
0x6d: {  	_ =	shalt  }
0x6e: {  	_ =	shalt  }
0x6f: {  	_ =	shalt  }
0x70: {  	_ =	shalt  }
0x71: {  	_ =	shalt  }
0x72: {  	_ =	shalt  }
0x73: {  	_ =	shalt  }
0x74: {  	_ =	shalt  }
0x75: {  	_ =	shalt  }
0x76: {  	_ =	shalt  }
0x77: {  	_ =	shalt  }
0x78: {  	_ =	shalt  }
0x79: {  	_ =	shalt  }
0x7a: {  	_ =	shalt  }
0x7b: {  	_ =	shalt  }
0x7c: {  	_ =	shalt  }
0x7d: {  	_ =	shalt  }
0x7e: {  	_ =	shalt  }
0x7f: {  	_ =	shalt  }
0x80: {  	_ =	shalt  }
0x81: {  	_ =	shalt  }
0x82: {  	_ =	shalt  }
0x83: {  	_ =	shalt  }
0x84: {  	_ =	shalt  }
0x85: {  	_ =	shalt  }
0x86: {  	_ =	shalt  }
0x87: {  	_ =	shalt  }
.Lfunc_end0:
.L_simem_size_0:
called_computation_lowered:
.L_overlay_start_0:
0x88: {  	s2 =	sld [smem:$0x3FD9]  }
0x89: {  	s3 =	sld [smem:$0x3FFE];
	_ =	sdelay $0x1  }
0x8a: {  	s1 =	srdreg.scid  }
0x8b: {  	s0 =	sand.u32 $0x1, s1  }
0x8c: {  	s17 =	sshll.u32 s0, $0xA;
	s2 =	sadd.s32 s3, s2  }
0x8d: {  	s2 =	sadd.s32 s2, s17  }
0x8e: {  	[smem:$0x3FC1] =	sst s2  }
0x8f: {  	_ = 	snop  }
0x90: {  	s2 =	sld [smem:$0x3FD0];
	(tm) =	ssettm $0x1  }
0x91: {  	s18 =	sld [smem:$0x3FFB];
	_ =	sdelay $0x3  }
0x92: {  	_ =	strace s18  }
0x93: {  	s3 =	sld [smem:$0x3FFC];
	_ =	sdelay $0x3  }
0x94: {  	_ =	strace s3  }
0x95: {  	s3 =	sld [smem:$0x3FFD];
	_ =	sdelay $0x3  }
0x96: {  	_ =	strace s3  }
0x97: {  	_ =	strace $0x8FFFFFFF  }
0x98: {  	s19 =	sld [smem:$0x3FDB];
	_ =	sdelay $0x1  }
0x99: {  	s4 =	simm.s32 $_scs_section_size  }
0x9a: {  	s5 =	simm.s32 $_size__tile_overlayer_lowered;
	s6 =	simm.s32 $_tile_overlayer_lowered  }
0x9b: {  	s22 =	simm.s32 $0x1BFF;
	s21 =	sshll.u32 s6, $0x1;
	s3 =	sadd.s32 s4, s19  }
0x9c: {  	s7 =	simm.s32 $0x0;
	s20 =	sshll.u32 s5, $0x1;
	s5 =	sadd.s32 s21, s3  }
0x9d: {  	[timem:s7], [sflag:s22] =	dma.local [hbm:s5], s20  }
0x9e: {  	_ =	swait.ge [sflag:s22], s20  }
0x9f: {  	s4 =	ssub.s32 $0x0, s20;
	[sflag:s22] =	ssyncset.done $0x0  }
0xa0: {  	[sflag:s22] =	ssyncadd.s32 s4;
	_ =	sdelay $0x1  }
0xa1: {  	s23 =	simm.s32 $0x1B8B  }
0xa2: {  	_ =	swait.ge [sflag:s23], $0x1  }
0xa3: {  	[sflag:s23] =	ssyncset.done $0x0  }
0xa4: {  	s25 =	simm.s32 $0x1B8E;
	s24 =	sld [smem:$0x3FFE];
	[sflag:s23] =	ssyncadd.s32 $0xFFFFFFFF  }
0xa5: {  	s26 =	simm.s32 $execute0_lowered;
	[smem:$0x3FD2] =	sst s25  }
0xa6: {  	s5 =	sshll.u32 s26, $0x1;
	_ =	strace $0x80000046;
	[dreg:$0x1] =	wrdreg $0xFFFFFFFF  }
0xa7: {  	s28 =	simm.s32 $_size_execute0_lowered;
	s3 =	sadd.s32 s3, s5;
	[dreg:$0x0] =	wrdreg $0x0  }
0xa8: {  	s5 =	sshll.u32 s28, $0x1;
	[dreg:$0x2] =	wrdreg s3  }
0xa9: {  	[dreg:$0x3] =	wrdreg s5  }
0xaa: {  	[dreg:$0x4] =	wrdreg $0xC0  }
0xab: {  	_ =	task [dreg:s7], $0x5FFFF  }
0xac: {  	[dreg:$0x1] =	wrdreg $0xFFFFFFFF  }
0xad: {  	[dreg:$0x0] =	wrdreg $0x60  }
0xae: {  	[dreg:$0x2] =	wrdreg s24  }
0xaf: {  	[dreg:$0x3] =	wrdreg s2  }
0xb0: {  	[dreg:$0x4] =	wrdreg $0x0  }
0xb1: {  	[dreg:$0x5] =	wrdreg $0x9  }
0xb2: {  	_ =	task.clear_ibuf [dreg:s7], $0x6FFFF;
	_ =	strace $0x90000046  }
0xb3: {  	s29 =	simm.s32 $0x9;
	_ =	strace $0x8000004D  }
0xb4: {  	_ =	swait.ge [sflag:s29], $0x1  }
0xb5: {  	[sflag:s29] =	ssyncadd.s32 $0xFFFFFFFF  }
0xb6: {  	_ =	strace $0x9000004D  }
0xb7: {  	_ =	sfence  }
0xb8: {  	s30 =	sld [smem:$0x0];
	_ =	sdelay $0x2  }
0xb9: {  	s31 =	sshll.u32 s1, $0xD;
	s1 =	sshrl.u32 s1, $0x2  }
0xba: {  	s3 =	sand.u32 $0x4000, s31;
	s1 =	sadd.s32 s1, s30  }
0xbb: {  	s0 =	sor.u32 s3, s0;
	s1 =	sshll.u32 s1, $0x11  }
0xbc: {  	s0 =	sor.u32 s1, s0  }
0xbd: {  	s0 =	sadd.s32 $0x8F2B, s0  }
0xbe: {  	[sflag:s0] =	ssyncadd.remote.s32 $0x1  }
0xbf: {  	_ =	sfence.sel $0xFFFF  }
0xc0: {  	[dreg:$0x0] =	wrdreg $0xFFFFFFFF;
	(pc) =	sbr.abs _section_cstart, $3  }
0xc1: {  	[dreg:$0x1] =	wrdreg $0xFFFFFFFF  }
0xc2: {  	_ =	task.clear_ibuf [dreg:s7], $0x2FFFF;
	_ =	strace $0x9FFFFFFF  }
0xc3: {  	(tm) =	ssettm $0x7FFFFFFF  }
tec
execute0_lowered:
.L_overlay_start_1:
0x0: {  	(tag) =	ssettag $0x1  }
0x1: {  	s5 =	rddreg [dreg:$0x0]  }
0x2: {  	s6 =	rddreg [dreg:$0x1]  }
0x3: {  	s1 =	rddreg [dreg:$0x2]  }
0x4: {  	s0 =	rddreg [dreg:$0x3];
	s3 =	simm.s32 $0x0;
	s2 =	stileid.u32  }
0x5: {  	s7 =	srdreg.scid;
	s14 =	simm.s32 $0x280;
	s15 =	simm.s32 $0x4280  }
0x6: {  	s16 =	simm.s32 $0x8280;
	s17 =	simm.s32 $0x80;
	s18 =	simm.s32 $0x1  }
0x7: {  	s19 =	simm.s32 $0x14280;
	s20 =	simm.s32 $0x0;
	[smem:$0x7FF] =	sst s3  }
0x8: {  	s4 =	sadd.s32 $0xA00, s5;
	s8 =	smul.u32 $0x280, s2;
	s7 =	sand.u32 $0x1, s7  }
0x9: {  	s9 =	sshll.u32 s2, $0xC;
	s31 =	sshll.u32 s2, $0x6;
	_ =	strace $0x80000047  }
0xa: {  	s10 =	sshll.u32 s7, $0xB;
	s7 =	ssub.s32 $0x2, s7;
	s11 =	sshrl.u32 s8, $0x3  }
0xb: {  	s9 =	sor.u32 s10, s9;
	s30 =	sshrl.u32 s7, $0x1;
	s13 =	sadd.s32 s8, s1  }
0xc: {  	s11 =	sadd.s32 s11, s5;
	s12 =	sadd.s32 s9, s5;
	s10 =	ssub.s32 s7, s30  }
0xd: {  	s6 =	sadd.s32 s6, s9;
	s5 =	sadd.s32 $0x5F200, s11;
	s7 =	sadd.s32 $0x4F200, s12  }
0xe: {  	s8 =	sadd.s32 $0x3F200, s12;
	s9 =	sadd.s32 $0x5F800, s12;
	s10 =	smax.u32 s10, $0x1  }
0xf: {  	s11 =	sor.u32 $0x1C02, s31;
	s12 =	sshrl.u32 s13, $0x3;
	s13 =	simm.s32 $0x2  }
.LBB2_1:
0x10: {  	_ =	strace $0x80000048  }
0x11: {  	[spmem:s12], [sflag:s11] =	dma.local [hbm:s5], $0x50  }
0x12: {  	_ =	swait.ge [sflag:s13], $0x50  }
0x13: {  	[sflag:s13] =	ssyncset.done $0x0  }
0x14: {  	[sflag:s13] =	ssyncadd.s32 $0xFFFFFFB0  }
0x15: {  	[tilespmem:s14], [sflag:$0x2] =	stream.linear.gather [hbm4b:s6+s3], $0x3E00, $0x200038;
	[tilespmem:$0x18280] =	vst v63  }
0x16: {  	_ =	swait.ge [sflag:s13], $0x3E00  }
0x17: {  	[sflag:s13] =	ssyncset.done $0x0  }
0x18: {  	[sflag:s13] =	ssyncadd.s32 $0xFFFFC200  }
0x19: {  	[tilespmem:s15], [sflag:$0x2] =	stream.linear.gather [hbm4b:s7+s3], $0x3E00, $0x200038;
	[tilespmem:$0x18280] =	vst v63  }
0x1a: {  	_ =	swait.ge [sflag:s13], $0x3E00  }
0x1b: {  	[sflag:s13] =	ssyncset.done $0x0  }
0x1c: {  	[sflag:s13] =	ssyncadd.s32 $0xFFFFC200  }
0x1d: {  	[tilespmem:s16], [sflag:$0x2] =	stream.linear.gather [hbm4b:s8+s3], $0x3E00, $0x200038;
	[tilespmem:$0x18280] =	vst v63  }
0x1e: {  	_ =	swait.ge [sflag:s13], $0x3E00  }
0x1f: {  	[sflag:s13] =	ssyncset.done $0x0  }
0x20: {  	[sflag:s13] =	ssyncadd.s32 $0xFFFFC200  }
0x21: {  	[bflag:$0x0] =	sbarrier.arrive $0xFFFF  }
0x22: {  	s21 =	simm.s32 $0xC280;
	s22 =	simm.s32 $0x280;
	_ =	strace $0x90000048  }
0x23: {  	s28 =	simm.s32 $0xC300;
	s29 =	simm.s32 $0x300;
	_ =	strace $0x80000049  }
0x24: {  	[tilespmem:s21], [sflag:$0x1] =	stream.indirect.gather [spmem:s1], $0x1, s22, s17, $0x2000b8;
	[tilespmem:$0x18280] =	vst v63  }
0x25: {  	s30 =	simm.s32 $0xC380;
	s31 =	simm.s32 $0x380;
	s23 =	simm.s32 $0xC400  }
0x26: {  	[tilespmem:s28], [sflag:$0x1] =	stream.indirect.gather [spmem:s1], $0x1, s29, s17, $0x2000b8;
	[tilespmem:$0x18280] =	vst v63  }
0x27: {  	s24 =	simm.s32 $0x400;
	s21 =	simm.s32 $0x200;
	s22 =	simm.s32 $0x1000  }
0x28: {  	[tilespmem:s30], [sflag:$0x1] =	stream.indirect.gather [spmem:s1], $0x1, s31, s17, $0x2000b8;
	[tilespmem:$0x18280] =	vst v63  }
.LBB2_2:
0x29: {  	[tilespmem:s23], [sflag:$0x1] =	stream.indirect.gather [spmem:s1], $0x1, s24, s17, $0x2000b8;
	[tilespmem:$0x18280] =	vst v63  }
0x2a: {  	s24 =	smov.u32 s21;
	s21 =	smov.u32 s22;
	p0 =	sne.s32 s22, $0xF000  }
0x2b: {  	s21 =	sshra.s32 s22, $0x2;
	s23 =	sadd.s32 $0xC280, s24;
	s25 =	sadd.s32 $0x280, s24  }
0x2c: {  	[tilespmem:s23], [sflag:$0x1] =	stream.indirect.gather [spmem:s1], $0x1, s25, s17, $0x2000b8;
	[tilespmem:$0x18280] =	vst v63  }
.Ltmp0:
0x2d: {  	s23 =	sadd.s32 $0xC300, s24;
	s25 =	sadd.s32 $0x300, s24;
	(pc) =	sbr.rel @p0 .LBB2_2-.Ltmp0, $4  }
0x2e: {  	[tilespmem:s23], [sflag:$0x1] =	stream.indirect.gather [spmem:s1], $0x1, s25, s17, $0x2000b8;
	[tilespmem:$0x18280] =	vst v63  }
0x2f: {  	s26 =	sadd.s32 $0x380, s24;
	s25 =	sadd.s32 $0x800, s22;
	s23 =	sadd.s32 $0xC380, s24  }
0x30: {  	[tilespmem:s23], [sflag:$0x1] =	stream.indirect.gather [spmem:s1], $0x1, s26, s17, $0x2000b8;
	[tilespmem:$0x18280] =	vst v63  }
0x31: {  	s22 =	smov.u32 s25;
	s23 =	sadd.s32 $0xC400, s24;
	s24 =	sadd.s32 $0x400, s24  }
0x32: {  	[tilespmem:s23], [sflag:$0x1] =	stream.indirect.gather [spmem:s1], $0x1, s24, s17, $0x2000b8;
	[tilespmem:$0x18280] =	vst v63  }
0x33: {  	s22 =	sadd.s32 $0xC280, s21;
	s24 =	sadd.s32 $0x280, s21  }
0x34: {  	[tilespmem:s22], [sflag:$0x1] =	stream.indirect.gather [spmem:s1], $0x1, s24, s17, $0x2000b8;
	[tilespmem:$0x18280] =	vst v63  }
0x35: {  	s25 =	sadd.s32 $0xC300, s21;
	s26 =	sadd.s32 $0x300, s21  }
0x36: {  	[tilespmem:s25], [sflag:$0x1] =	stream.indirect.gather [spmem:s1], $0x1, s26, s17, $0x2000b8;
	[tilespmem:$0x18280] =	vst v63  }
0x37: {  	s28 =	sadd.s32 $0xC380, s21;
	s29 =	sadd.s32 $0x380, s21  }
0x38: {  	[tilespmem:s28], [sflag:$0x1] =	stream.indirect.gather [spmem:s1], $0x1, s29, s17, $0x2000b8;
	[tilespmem:$0x18280] =	vst v63  }
0x39: {  	s30 =	sadd.s32 $0xC400, s21;
	s31 =	sadd.s32 $0x400, s21  }
0x3a: {  	[tilespmem:s30], [sflag:$0x1] =	stream.indirect.gather [spmem:s1], $0x1, s31, s17, $0x2000b8;
	[tilespmem:$0x18280] =	vst v63  }
0x3b: {  	_ =	swait.ge [sflag:s18], $0x80  }
0x3c: {  	[sflag:s18] =	ssyncset.done $0x0  }
0x3d: {  	[sflag:s18] =	ssyncadd.s32 $0xFFFFFF80  }
0x3e: {  	_ =	swait.ge [sflag:s18], $0x80  }
0x3f: {  	[sflag:s18] =	ssyncset.done $0x0  }
0x40: {  	[sflag:s18] =	ssyncadd.s32 $0xFFFFFF80  }
0x41: {  	_ =	swait.ge [sflag:s18], $0x80  }
0x42: {  	[sflag:s18] =	ssyncset.done $0x0  }
0x43: {  	[sflag:s18] =	ssyncadd.s32 $0xFFFFFF80  }
0x44: {  	_ =	swait.ge [sflag:s18], $0x80  }
0x45: {  	s21 =	simm.s32 $0x1E;
	[sflag:s18] =	ssyncset.done $0x0  }
.LBB2_4:
0x46: {  	p0 =	sne.s32 s21, $0x1;
	s21 =	sadd.s32 $0xFFFFFFFF, s21;
	[sflag:s18] =	ssyncadd.s32 $0xFFFFFF80  }
0x47: {  	_ =	swait.ge [sflag:s18], $0x80  }
0x48: {  	[sflag:s18] =	ssyncset.done $0x0  }
0x49: {  	[sflag:s18] =	ssyncadd.s32 $0xFFFFFF80  }
0x4a: {  	_ =	swait.ge [sflag:s18], $0x80  }
0x4b: {  	[sflag:s18] =	ssyncset.done $0x0  }
0x4c: {  	[sflag:s18] =	ssyncadd.s32 $0xFFFFFF80  }
.Ltmp1:
0x4d: {  	_ =	swait.ge [sflag:s18], $0x80;
	(pc) =	sbr.rel @p0 .LBB2_4-.Ltmp1, $4  }
0x4e: {  	[sflag:s18] =	ssyncset.done $0x0  }
0x4f: {  	[sflag:s18] =	ssyncadd.s32 $0xFFFFFF80  }
0x50: {  	_ =	swait.ge [sflag:s18], $0x80  }
0x51: {  	[sflag:s18] =	ssyncset.done $0x0  }
0x52: {  	[sflag:s18] =	ssyncadd.s32 $0xFFFFFF80  }
0x53: {  	_ =	strace $0x90000049  }
0x54: {  	s21 =	simm.s32 $0x0;
	_ =	strace $0x8000004A  }
0x55: {  	v0 =	vld [tilespmem:s21+$0xC2F0]  }
0x56: {  	v1 =	vld [tilespmem:s21+$0x82F0]  }
0x57: {  	v2 =	vld [tilespmem:s21+$0x42F0]  }
0x58: {  	v3 =	vld [tilespmem:s21+$0x8280]  }
0x59: {  	v4 =	vld [tilespmem:s21+$0x8290]  }
0x5a: {  	v5 =	vld [tilespmem:s21+$0x82A0]  }
0x5b: {  	v6 =	vld [tilespmem:s21+$0x82B0]  }
0x5c: {  	v8 =	vld [tilespmem:s21+$0x82D0];
	v1 =	vshrl.u32 v1, $0x3  }
0x5d: {  	v10 =	vld [tilespmem:s21+$0x4290];
	v2 =	vmul.u32 $0x1F40, v2;
	v0 =	vmul.u32 $0x1F4, v0;
	v1 =	vmul.u32 $0xA3D8, v1  }
0x5e: {  	v15 =	vld [tilespmem:s21+$0x42B0]  }
0x5f: {  	v0 =	vadd.s32 v0, v2;
	v2 =	vld [tilespmem:s21+$0xC280];
	v1 =	vshra.s32 v1, $0x14  }
0x60: {  	v0 =	vadd.s32 v1, v0;
	v1 =	vld [tilespmem:s21+$0x4280]  }
0x61: {  	v12 =	vld [tilespmem:s21+$0x42A0]  }
0x62: {  	v3 =	vshrl.u32 v3, $0x3;
	v4 =	vshrl.u32 v4, $0x3;
	[tilespmem:s21+$0x102F0] =	vst v0;
	v0 =	vld [tilespmem:s21+$0xC290]  }
0x63: {  	v7 =	vld [tilespmem:s21+$0x82C0];
	v5 =	vshrl.u32 v5, $0x3;
	v62 =	vmul.u32 $0x1F40, v15;
	v3 =	vmul.u32 $0xA3D8, v3  }
0x64: {  	v9 =	vld [tilespmem:s21+$0x82E0];
	v4 =	vmul.u32 $0xA3D8, v4;
	v14 =	vmul.u32 $0xA3D8, v5;
	v5 =	vshrl.u32 v6, $0x3  }
0x65: {  	v11 =	vld [tilespmem:s21+$0xC2A0];
	v6 =	vshrl.u32 v8, $0x3;
	v2 =	vmul.u32 $0x1F4, v2;
	v1 =	vmul.u32 $0x1F40, v1  }
0x66: {  	v16 =	vld [tilespmem:s21+$0xC2C0];
	v8 =	vmul.u32 $0x1F40, v12;
	v17 =	vmul.u32 $0xA3D8, v6;
	v3 =	vshra.s32 v3, $0x14  }
0x67: {  	v13 =	vld [tilespmem:s21+$0xC2B0];
	v0 =	vmul.u32 $0x1F4, v0;
	v1 =	vadd.s32 v2, v1;
	v2 =	vmul.u32 $0x1F40, v10  }
0x68: {  	v4 =	vshra.s32 v4, $0x14;
	v14 =	vshra.s32 v14, $0x14;
	v1 =	vadd.s32 v3, v1  }
0x69: {  	v10 =	vld [tilespmem:s21+$0x42C0];
	v3 =	vmul.u32 $0xA3D8, v5;
	v5 =	vshrl.u32 v7, $0x3;
	v0 =	vadd.s32 v0, v2  }
0x6a: {  	[tilespmem:s21+$0x10280] =	vst v1;
	v1 =	vmul.u32 $0xA3D8, v5;
	v5 =	vld [tilespmem:s21+$0xC2D0];
	v0 =	vadd.s32 v4, v0;
	v4 =	vmul.u32 $0x1F4, v11  }
0x6b: {  	v6 =	vld [tilespmem:s21+$0x42D0];
	v2 =	vshrl.u32 v9, $0x3;
	v9 =	vmul.u32 $0x1F4, v16;
	v3 =	vshra.s32 v3, $0x14  }
0x6c: {  	v7 =	vld [tilespmem:s21+$0xC2E0];
	v11 =	vmul.u32 $0x1F4, v13;
	[tilespmem:s21+$0x10290] =	vst v0;
	v0 =	vmul.u32 $0xA3D8, v2;
	v4 =	vadd.s32 v4, v8  }
0x6d: {  	s22 =	simm.s32 $0x80;
	v2 =	vshra.s32 v1, $0x14;
	v1 =	vshra.s32 v17, $0x14;
	v8 =	vld [tilespmem:s21+$0x42E0];
	v63 =	vadd.s32 v14, v4  }
0x6e: {  	s23 =	simm.s32 $0x400;
	v11 =	vadd.s32 v11, v62;
	v10 =	vmul.u32 $0x1F40, v10;
	v0 =	vshra.s32 v0, $0x14;
	v4 =	vld [tilespmem:s22+$0xC2F0];
	[tilespmem:s21+$0x102A0] =	vst v63  }
.LBB2_6:
0x6f: {  	p0 =	sne.s32 s23, $0xF600;
	v12 =	vld [tilespmem:s22+$0x82F0];
	v3 =	vadd.s32 v3, v11;
	v5 =	vmul.u32 $0x1F4, v5  }
0x70: {  	v11 =	vld [tilespmem:s22+$0x42F0];
	[tilespmem:s21+$0x102B0] =	vst v3;
	v3 =	vadd.s32 v9, v10;
	v6 =	vmul.u32 $0x1F40, v6  }
0x71: {  	v9 =	vld [tilespmem:s22+$0x8280];
	v2 =	vadd.s32 v2, v3;
	v3 =	vmul.u32 $0x1F4, v7  }
0x72: {  	v7 =	vld [tilespmem:s22+$0x8290];
	[tilespmem:s21+$0x102C0] =	vst v2;
	v2 =	vadd.s32 v5, v6;
	v5 =	vmul.u32 $0x1F40, v8  }
0x73: {  	v6 =	vld [tilespmem:s22+$0x82A0];
	v1 =	vadd.s32 v1, v2  }
0x74: {  	v2 =	vld [tilespmem:s22+$0x82B0];
	v8 =	vshrl.u32 v12, $0x3;
	[tilespmem:s21+$0x102D0] =	vst v1;
	v1 =	vadd.s32 v3, v5  }
0x75: {  	v4 =	vmul.u32 $0x1F4, v4;
	v3 =	vld [tilespmem:s22+$0x82C0];
	v5 =	vmul.u32 $0xA3D8, v8;
	v8 =	vmul.u32 $0x1F40, v11  }
0x76: {  	v0 =	vadd.s32 v0, v1;
	v9 =	vshrl.u32 v9, $0x3;
	v10 =	vld [tilespmem:s22+$0x82D0]  }
0x77: {  	v1 =	vshrl.u32 v7, $0x3;
	v7 =	vld [tilespmem:s22+$0x82E0];
	v5 =	vshra.s32 v5, $0x14;
	v4 =	vadd.s32 v4, v8;
	[tilespmem:s21+$0x102E0] =	vst v0;
	s21 =	smov.u32 s22  }
0x78: {  	v8 =	vmul.u32 $0xA3D8, v9;
	v0 =	vld [tilespmem:s21+$0xC280];
	v6 =	vshrl.u32 v6, $0x3;
	v4 =	vadd.s32 v5, v4  }
0x79: {  	v1 =	vmul.u32 $0xA3D8, v1;
	v5 =	vld [tilespmem:s21+$0x4280];
	v6 =	vmul.u32 $0xA3D8, v6;
	v2 =	vshrl.u32 v2, $0x3;
	[tilespmem:s21+$0x102F0] =	vst v4  }
0x7a: {  	v4 =	vshra.s32 v8, $0x14;
	v8 =	vld [tilespmem:s21+$0xC290];
	v2 =	vmul.u32 $0xA3D8, v2;
	v3 =	vshrl.u32 v3, $0x3  }
0x7b: {  	v11 =	vshra.s32 v1, $0x14;
	v9 =	vld [tilespmem:s21+$0x4290];
	v1 =	vmul.u32 $0xA3D8, v3;
	v3 =	vshrl.u32 v10, $0x3  }
0x7c: {  	v12 =	vshra.s32 v6, $0x14;
	v10 =	vld [tilespmem:s21+$0xC2A0];
	v6 =	vmul.u32 $0xA3D8, v3;
	v7 =	vshrl.u32 v7, $0x3  }
0x7d: {  	v3 =	vshra.s32 v2, $0x14;
	v13 =	vmul.u32 $0x1F4, v0;
	v14 =	vld [tilespmem:s21+$0x42A0];
	v0 =	vmul.u32 $0xA3D8, v7  }
0x7e: {  	v2 =	vshra.s32 v1, $0x14;
	v5 =	vmul.u32 $0x1F40, v5;
	v7 =	vld [tilespmem:s21+$0xC2B0];
	v1 =	vshra.s32 v6, $0x14  }
0x7f: {  	v6 =	vmul.u32 $0x1F4, v8;
	v8 =	vld [tilespmem:s21+$0x42B0];
	v0 =	vshra.s32 v0, $0x14  }
0x80: {  	v5 =	vadd.s32 v13, v5;
	v9 =	vmul.u32 $0x1F40, v9;
	v13 =	vld [tilespmem:s21+$0xC2C0]  }
0x81: {  	v4 =	vadd.s32 v4, v5;
	v10 =	vmul.u32 $0x1F4, v10;
	v15 =	vld [tilespmem:s21+$0x42C0]  }
.Ltmp2:
0x82: {  	[tilespmem:s21+$0x10280] =	vst v4;
	v4 =	vadd.s32 v6, v9;
	v9 =	vmul.u32 $0x1F40, v14;
	v5 =	vld [tilespmem:s21+$0xC2D0];
	(pc) =	sbr.rel @p0 .LBB2_6-.Ltmp2, $4  }
0x83: {  	v4 =	vadd.s32 v11, v4;
	v11 =	vmul.u32 $0x1F4, v7;
	v6 =	vld [tilespmem:s21+$0x42D0]  }
0x84: {  	[tilespmem:s21+$0x10290] =	vst v4;
	v4 =	vadd.s32 v10, v9;
	v10 =	vmul.u32 $0x1F40, v8;
	v7 =	vld [tilespmem:s21+$0xC2E0]  }
0x85: {  	s22 =	sshra.s32 s23, $0x2;
	v12 =	vadd.s32 v12, v4;
	v9 =	vmul.u32 $0x1F4, v13;
	v8 =	vld [tilespmem:s21+$0x42E0]  }
0x86: {  	s23 =	sadd.s32 $0x200, s23;
	v4 =	vld [tilespmem:s22+$0xC2F0];
	[tilespmem:s21+$0x102A0] =	vst v12;
	v11 =	vadd.s32 v11, v10;
	v10 =	vmul.u32 $0x1F40, v15  }
0x87: {  	v12 =	vld [tilespmem:s22+$0x82F0];
	v3 =	vadd.s32 v3, v11  }
0x88: {  	v21 =	vld [tilespmem:s22+$0x42F0];
	v5 =	vmul.u32 $0x1F4, v5;
	[tilespmem:s21+$0x102B0] =	vst v3;
	v22 =	vadd.s32 v9, v10;
	v6 =	vmul.u32 $0x1F40, v6  }
0x89: {  	v23 =	vld [tilespmem:s22+$0x8280];
	v2 =	vadd.s32 v2, v22  }
0x8a: {  	v24 =	vld [tilespmem:s22+$0x8290];
	[tilespmem:s21+$0x102C0] =	vst v2;
	v25 =	vadd.s32 v5, v6  }
0x8b: {  	v28 =	vmul.u32 $0x1F4, v7;
	v29 =	vmul.u32 $0x1F40, v8;
	v26 =	vld [tilespmem:s22+$0x82A0];
	v1 =	vadd.s32 v1, v25  }
0x8c: {  	v27 =	vld [tilespmem:s22+$0x82B0];
	[tilespmem:s21+$0x102D0] =	vst v1  }
0x8d: {  	v6 =	vadd.s32 v28, v29;
	v31 =	vld [tilespmem:s22+$0x82C0]  }
0x8e: {  	v32 =	vld [tilespmem:s22+$0x82D0];
	v0 =	vadd.s32 v0, v6  }
0x8f: {  	v34 =	vld [tilespmem:s22+$0x82E0];
	[tilespmem:s21+$0x102E0] =	vst v0  }
0x90: {  	v37 =	vld [tilespmem:s22+$0xC280]  }
0x91: {  	v38 =	vld [tilespmem:s22+$0x4280]  }
0x92: {  	v39 =	vld [tilespmem:s22+$0xC290]  }
0x93: {  	v4 =	vmul.u32 $0x1F4, v4;
	v30 =	vshrl.u32 v12, $0x3;
	v33 =	vmul.u32 $0x1F40, v21;
	v40 =	vld [tilespmem:s22+$0x4290]  }
0x94: {  	v1 =	vmul.u32 $0xA3D8, v30;
	v41 =	vld [tilespmem:s22+$0xC2A0]  }
0x95: {  	v36 =	vadd.s32 v4, v33;
	v9 =	vshrl.u32 v23, $0x3;
	v3 =	vshrl.u32 v24, $0x3;
	v42 =	vld [tilespmem:s22+$0x42A0]  }
0x96: {  	v35 =	vshra.s32 v1, $0x14;
	v9 =	vmul.u32 $0xA3D8, v9;
	v13 =	vld [tilespmem:s22+$0xC2B0];
	v3 =	vmul.u32 $0xA3D8, v3  }
0x97: {  	v14 =	vld [tilespmem:s22+$0x42B0];
	v0 =	vadd.s32 v35, v36;
	v5 =	vshrl.u32 v26, $0x3;
	v2 =	vshrl.u32 v27, $0x3  }
0x98: {  	v43 =	vld [tilespmem:s22+$0xC2C0];
	v9 =	vshra.s32 v9, $0x14;
	v45 =	vmul.u32 $0xA3D8, v5;
	v3 =	vshra.s32 v3, $0x14  }
0x99: {  	v46 =	vld [tilespmem:s22+$0xC2D0];
	v2 =	vmul.u32 $0xA3D8, v2;
	v8 =	vshrl.u32 v31, $0x3;
	v7 =	vshrl.u32 v32, $0x3  }
0x9a: {  	v51 =	vld [tilespmem:s22+$0xC2E0];
	v6 =	vshrl.u32 v34, $0x3;
	v8 =	vmul.u32 $0xA3D8, v8;
	v48 =	vshra.s32 v45, $0x14  }
0x9b: {  	v52 =	vld [tilespmem:s22+$0x42E0];
	v7 =	vmul.u32 $0xA3D8, v7;
	v2 =	vshra.s32 v2, $0x14;
	v6 =	vmul.u32 $0xA3D8, v6  }
0x9c: {  	v44 =	vld [tilespmem:s22+$0x42C0];
	[tilespmem:s22+$0x102F0] =	vst v0;
	v4 =	vmul.u32 $0x1F4, v37;
	v1 =	vmul.u32 $0x1F40, v38;
	v0 =	vmul.u32 $0x1F4, v39  }
0x9d: {  	v47 =	vld [tilespmem:s22+$0x42D0];
	v10 =	vmul.u32 $0x1F40, v40;
	v49 =	vmul.u32 $0x1F4, v41;
	v50 =	vmul.u32 $0x1F40, v42  }
0x9e: {  	v13 =	vmul.u32 $0x1F4, v13;
	v53 =	vmul.u32 $0x1F40, v14;
	v54 =	vmul.u32 $0x1F4, v43  }
0x9f: {  	v56 =	vmul.u32 $0x1F4, v46;
	v58 =	vmul.u32 $0x1F4, v51;
	v1 =	vadd.s32 v4, v1  }
0xa0: {  	v59 =	vmul.u32 $0x1F40, v52;
	v0 =	vadd.s32 v0, v10;
	v1 =	vadd.s32 v9, v1  }
0xa1: {  	v55 =	vadd.s32 v13, v53;
	v0 =	vadd.s32 v3, v0;
	v9 =	vmul.u32 $0x1F40, v44;
	[tilespmem:s22+$0x10280] =	vst v1  }
0xa2: {  	v2 =	vadd.s32 v2, v55;
	v3 =	vmul.u32 $0x1F40, v47;
	[tilespmem:s22+$0x10290] =	vst v0;
	v1 =	vadd.s32 v49, v50  }
0xa3: {  	v8 =	vshra.s32 v8, $0x14;
	[tilespmem:s22+$0x102B0] =	vst v2;
	v0 =	vadd.s32 v48, v1;
	v57 =	vadd.s32 v54, v9  }
0xa4: {  	v7 =	vshra.s32 v7, $0x14;
	v60 =	vadd.s32 v56, v3;
	[tilespmem:s22+$0x102A0] =	vst v0;
	v0 =	vadd.s32 v8, v57  }
0xa5: {  	v61 =	vshra.s32 v6, $0x14;
	v1 =	vadd.s32 v58, v59;
	v62 =	vadd.s32 v7, v60;
	[tilespmem:s22+$0x102C0] =	vst v0  }
0xa6: {  	v63 =	vadd.s32 v61, v1;
	[tilespmem:s22+$0x102D0] =	vst v62  }
0xa7: {  	[tilespmem:s22+$0x102E0] =	vst v63  }
0xa8: {  	s25 =	simm.s32 $0x14280;
	s26 =	simm.s32 $0x10280;
	_ =	strace $0x9000004A  }
0xa9: {  	s28 =	simm.s32 $0x14300;
	s29 =	simm.s32 $0x10300;
	_ =	strace $0x8000004B  }
0xaa: {  	[tilespmem:s25], [sflag:$0x1] =	stream.indirect.gather [hbm4b:s4+s17], $0x1, s26, s17, $0x2000b8;
	[tilespmem:$0x18280] =	vst v63  }
0xab: {  	s30 =	simm.s32 $0x14380;
	s31 =	simm.s32 $0x10380;
	s23 =	simm.s32 $0x14400  }
0xac: {  	[tilespmem:s28], [sflag:$0x1] =	stream.indirect.gather [hbm4b:s4+s17], $0x1, s29, s17, $0x2000b8;
	[tilespmem:$0x18280] =	vst v63  }
0xad: {  	s24 =	simm.s32 $0x10400;
	s21 =	simm.s32 $0x200;
	s22 =	simm.s32 $0x1000  }
0xae: {  	[tilespmem:s30], [sflag:$0x1] =	stream.indirect.gather [hbm4b:s4+s17], $0x1, s31, s17, $0x2000b8;
	[tilespmem:$0x18280] =	vst v63  }
.LBB2_8:
0xaf: {  	[tilespmem:s23], [sflag:$0x1] =	stream.indirect.gather [hbm4b:s4+s17], $0x1, s24, s17, $0x2000b8;
	[tilespmem:$0x18280] =	vst v63  }
0xb0: {  	s24 =	smov.u32 s21;
	s21 =	smov.u32 s22;
	p0 =	sne.s32 s22, $0xF000  }
0xb1: {  	s21 =	sshra.s32 s22, $0x2;
	s23 =	sadd.s32 $0x14280, s24;
	s25 =	sadd.s32 $0x10280, s24  }
0xb2: {  	[tilespmem:s23], [sflag:$0x1] =	stream.indirect.gather [hbm4b:s4+s17], $0x1, s25, s17, $0x2000b8;
	[tilespmem:$0x18280] =	vst v63  }
.Ltmp3:
0xb3: {  	s23 =	sadd.s32 $0x14300, s24;
	s25 =	sadd.s32 $0x10300, s24;
	(pc) =	sbr.rel @p0 .LBB2_8-.Ltmp3, $4  }
0xb4: {  	[tilespmem:s23], [sflag:$0x1] =	stream.indirect.gather [hbm4b:s4+s17], $0x1, s25, s17, $0x2000b8;
	[tilespmem:$0x18280] =	vst v63  }
0xb5: {  	s26 =	sadd.s32 $0x10380, s24;
	s25 =	sadd.s32 $0x800, s22;
	s23 =	sadd.s32 $0x14380, s24  }
0xb6: {  	[tilespmem:s23], [sflag:$0x1] =	stream.indirect.gather [hbm4b:s4+s17], $0x1, s26, s17, $0x2000b8;
	[tilespmem:$0x18280] =	vst v63  }
0xb7: {  	s22 =	smov.u32 s25;
	s23 =	sadd.s32 $0x14400, s24;
	s24 =	sadd.s32 $0x10400, s24  }
0xb8: {  	[tilespmem:s23], [sflag:$0x1] =	stream.indirect.gather [hbm4b:s4+s17], $0x1, s24, s17, $0x2000b8;
	[tilespmem:$0x18280] =	vst v63  }
0xb9: {  	s22 =	sadd.s32 $0x14280, s21;
	s24 =	sadd.s32 $0x10280, s21  }
0xba: {  	[tilespmem:s22], [sflag:$0x1] =	stream.indirect.gather [hbm4b:s4+s17], $0x1, s24, s17, $0x2000b8;
	[tilespmem:$0x18280] =	vst v63  }
0xbb: {  	s25 =	sadd.s32 $0x14300, s21;
	s26 =	sadd.s32 $0x10300, s21  }
0xbc: {  	[tilespmem:s25], [sflag:$0x1] =	stream.indirect.gather [hbm4b:s4+s17], $0x1, s26, s17, $0x2000b8;
	[tilespmem:$0x18280] =	vst v63  }
0xbd: {  	s28 =	sadd.s32 $0x14380, s21;
	s29 =	sadd.s32 $0x10380, s21  }
0xbe: {  	[tilespmem:s28], [sflag:$0x1] =	stream.indirect.gather [hbm4b:s4+s17], $0x1, s29, s17, $0x2000b8;
	[tilespmem:$0x18280] =	vst v63  }
0xbf: {  	s30 =	sadd.s32 $0x14400, s21;
	s31 =	sadd.s32 $0x10400, s21  }
0xc0: {  	[tilespmem:s30], [sflag:$0x1] =	stream.indirect.gather [hbm4b:s4+s17], $0x1, s31, s17, $0x2000b8;
	[tilespmem:$0x18280] =	vst v63  }
0xc1: {  	_ =	swait.ge [sflag:s18], $0x80  }
0xc2: {  	[sflag:s18] =	ssyncset.done $0x0  }
0xc3: {  	[sflag:s18] =	ssyncadd.s32 $0xFFFFFF80  }
0xc4: {  	_ =	swait.ge [sflag:s18], $0x80  }
0xc5: {  	[sflag:s18] =	ssyncset.done $0x0  }
0xc6: {  	[sflag:s18] =	ssyncadd.s32 $0xFFFFFF80  }
0xc7: {  	_ =	swait.ge [sflag:s18], $0x80  }
0xc8: {  	[sflag:s18] =	ssyncset.done $0x0  }
0xc9: {  	[sflag:s18] =	ssyncadd.s32 $0xFFFFFF80  }
0xca: {  	_ =	swait.ge [sflag:s18], $0x80  }
0xcb: {  	s21 =	simm.s32 $0x1E;
	[sflag:s18] =	ssyncset.done $0x0  }
.LBB2_10:
0xcc: {  	p0 =	sne.s32 s21, $0x1;
	s21 =	sadd.s32 $0xFFFFFFFF, s21;
	[sflag:s18] =	ssyncadd.s32 $0xFFFFFF80  }
0xcd: {  	_ =	swait.ge [sflag:s18], $0x80  }
0xce: {  	[sflag:s18] =	ssyncset.done $0x0  }
0xcf: {  	[sflag:s18] =	ssyncadd.s32 $0xFFFFFF80  }
0xd0: {  	_ =	swait.ge [sflag:s18], $0x80  }
0xd1: {  	[sflag:s18] =	ssyncset.done $0x0  }
0xd2: {  	[sflag:s18] =	ssyncadd.s32 $0xFFFFFF80  }
.Ltmp4:
0xd3: {  	_ =	swait.ge [sflag:s18], $0x80;
	(pc) =	sbr.rel @p0 .LBB2_10-.Ltmp4, $4  }
0xd4: {  	[sflag:s18] =	ssyncset.done $0x0  }
0xd5: {  	[sflag:s18] =	ssyncadd.s32 $0xFFFFFF80  }
0xd6: {  	_ =	swait.ge [sflag:s18], $0x80  }
0xd7: {  	[sflag:s18] =	ssyncset.done $0x0  }
0xd8: {  	[sflag:s18] =	ssyncadd.s32 $0xFFFFFF80  }
0xd9: {  	s20 =	sadd.s32 $0x1, s20;
	_ =	strace $0x9000004B  }
0xda: {  	p0 =	sne.s32 s20, s10;
	_ =	strace $0x8000004C  }
0xdb: {  	[hbm4b:s9+s3] =	stream.linear.scatter [tilespmem:s19], [sflag:$0x2], $0x3E00, $0x200038;
	[tilespmem:$0x18280] =	vst v63  }
.Ltmp5:
0xdc: {  	_ = 	snop;
	(pc) =	sbr.rel @p0 .LBB2_1-.Ltmp5, $4  }
0xdd: {  	_ =	swait.ge [sflag:s13], $0x3E00  }
0xde: {  	[sflag:s13] =	ssyncset.done $0x0  }
0xdf: {  	[sflag:s13] =	ssyncadd.s32 $0xFFFFC200  }
0xe0: {  	_ =	strace $0x9000004C  }
0xe1: {  	_ =	sfence.sel $0x180000  }
0xe2: {  	[bflag:$0x0] =	sbarrier.arrive $0xFFFF  }
0xe3: {  	p0 =	sne.s32 s2, $0x0;
	_ =	strace $0x90000047  }
0xe4: {  	s0 =	sadd.s32 @!p0 $0x100000, s0;
	[bflag:$0x2] =	sbarrier.arrive $0xFFFF  }
0xe5: {  	[sflag:s0] =	ssyncadd.tile.s32 @!p0 $0x1;
	_ =	shalt  }
.Lfunc_end2:
_tile_overlayer_lowered:
.L_overlay_start_2:
0xe6: {  	(tag) =	ssettag $0x2  }
0xe7: {  	s0 =	rddreg [dreg:$0x0];
	s2 =	stileid.u32  }
0xe8: {  	s1 =	rddreg [dreg:$0x1];
	p0 =	sne.s32 s2, $0x0  }
0xe9: {  	s3 =	rddreg [dreg:$0x2];
	[bflag:$0x3] =	sbarrier.arrive $0xFFFF;
	s2 =	simm.s32 @!p0 $0x1C02  }
0xea: {  	[timem:s3], [sflag:s2] =	dma.local @!p0 [hbm:s0], s1  }
0xeb: {  	s0 =	simm.s32 @!p0 $0x2  }
0xec: {  	_ =	swait.ge @!p0 [sflag:s0], s1  }
0xed: {  	s1 =	ssub.s32 @!p0 $0x0, s1;
	[sflag:s0] =	ssyncset.done @!p0 $0x0  }
0xee: {  	[sflag:s0] =	ssyncadd.s32 @!p0 s1  }
0xef: {  	[bflag:$0x3] =	sbarrier.arrive $0xFFFF  }
0xf0: {  	_ =	shalt  }

</sc_bundles>
